<compile_context>
chip_gen: v7x
topology: tpu7x:2x2x1
jax: 0.10.2.dev20260603
libtpu: 0.0.44.dev20260713+nightly
codegen_flags: <defaults>
</compile_context>

<pallas_src>
import functools

import jax
import jax.numpy as jnp
from jax import lax
from jax.experimental import pallas as pl
from jax.experimental.pallas import tpu as pltpu
from jax.experimental.pallas import tpu_sc as plsc

B = 8
N = 512 * 512
NC, NS, L = 2, 16, 16
NW = NC * NS
WPI = NW // (B // 2)
K = 2048
KH = 2176
EMAX = 8.0
SCALE = K / EMAX
PACK = 13

PER_W = B * N // 2 // 2 // NW
CH = 8192
NCH = PER_W // CH
UNROLL = 8


def _pre_body(lg_ref, lb_ref, code_ref):
    lv = lg_ref[...]
    y = lb_ref[...]
    my = y != 0
    e = jnp.where(my, 1.0 - lv, 1.0 + lv)
    t = jnp.minimum(jnp.maximum(e * (-SCALE) + float(K), 0.0), float(K - 1))
    b = jnp.where(e > 0.0, t.astype(jnp.int32), K)
    code = 2 * b + y
    code_ref[...] = code[:, :256] | (code[:, 256:] << 16)


def _tc_pre(logits2d, labels2d):
    return pl.pallas_call(
        _pre_body,
        grid=(B // 2,),
        in_specs=[
            pl.BlockSpec((512, 512), lambda i: (i, 0)),
            pl.BlockSpec((512, 512), lambda i: (i, 0)),
        ],
        out_specs=pl.BlockSpec((512, 256), lambda i: (i, 0)),
        out_shape=jax.ShapeDtypeStruct((B * 512 // 2, 256), jnp.int32),
    )(logits2d, labels2d)


def _sc_body(code_hbm, cnt_out, pos_out, cbuf, hcp, mcnt, mpos, csem):
    c = lax.axis_index("c")
    s = lax.axis_index("s")
    wid = c * NS + s
    base = wid * PER_W
    lanes = lax.iota(jnp.int32, L)
    lanebase = lanes * KH

    zero = jnp.zeros((L,), jnp.int32)

    def zbody(i, carry):
        for u in range(8):
            hcp[pl.ds((i * 8 + u) * L, L)] = zero
        return carry
    lax.fori_loop(0, KH // 8, zbody, 0)

    def start(ci, slot):
        pltpu.async_copy(code_hbm.at[pl.ds(base + ci * CH, CH)],
                         cbuf.at[slot], csem.at[slot])

    def wait(slot):
        pltpu.make_async_copy(code_hbm.at[pl.ds(0, CH)], cbuf.at[slot],
                              csem.at[slot]).wait()

    start(0, 0)

    def chunk_body(ci, carry):
        slot = lax.rem(ci, 2)
        start(lax.rem(ci + 1, NCH), lax.rem(ci + 1, 2))
        wait(slot)

        def vbody(v, cy):
            offs = [v * (L * UNROLL) + u * L for u in range(UNROLL)]
            ws = [cbuf[slot, pl.ds(o, L)] for o in offs]
            hs = []
            for w in ws:
                hs.append(w & 0xFFFF)
                hs.append(w >> 16)
            odds = [(h & 1) != 0 for h in hs]
            idxs = [lanebase + (h >> 1) for h in hs]
            vals = [jnp.where(o, (1 << PACK) + 1, 1) for o in odds]
            for i in range(2 * UNROLL):
                plsc.addupdate_scatter(hcp, [idxs[i]], vals[i])
            return cy
        return lax.fori_loop(0, CH // (L * UNROLL), vbody, carry)

    lax.fori_loop(0, NCH, chunk_body, 0)
    wait(0)

    def mbody(j, carry):
        for g in range(2):
            col = (2 * j + g) * L
            v0 = hcp[pl.ds(col, L)]
            v1 = hcp[pl.ds(KH + col, L)]
            c0 = v0 & ((1 << PACK) - 1)
            p0 = v0 >> PACK
            c1 = v1 & ((1 << PACK) - 1)
            p1 = v1 >> PACK
            for r in range(2, L, 2):
                va = hcp[pl.ds(r * KH + col, L)]
                vb = hcp[pl.ds((r + 1) * KH + col, L)]
                c0 = c0 + (va & ((1 << PACK) - 1))
                p0 = p0 + (va >> PACK)
                c1 = c1 + (vb & ((1 << PACK) - 1))
                p1 = p1 + (vb >> PACK)
            mcnt[pl.ds(col, L)] = c0 + c1
            mpos[pl.ds(col, L)] = p0 + p1
        return carry
    lax.fori_loop(0, KH // (2 * L), mbody, 0)

    pltpu.sync_copy(mcnt, cnt_out.at[wid])
    pltpu.sync_copy(mpos, pos_out.at[wid])


def _sc_hist(codes_flat):
    mesh = plsc.VectorSubcoreMesh(
        core_axis_name="c", subcore_axis_name="s", num_cores=NC, num_subcores=NS)
    f = functools.partial(
        pl.kernel,
        out_type=(
            jax.ShapeDtypeStruct((NW, KH), jnp.int32),
            jax.ShapeDtypeStruct((NW, KH), jnp.int32),
        ),
        mesh=mesh,
        compiler_params=pltpu.CompilerParams(needs_layout_passes=False),
        scratch_types=[
            pltpu.VMEM((2, CH), jnp.int32),
            pltpu.VMEM((L * KH,), jnp.int32),
            pltpu.VMEM((KH,), jnp.int32),
            pltpu.VMEM((KH,), jnp.int32),
            pltpu.SemaphoreType.DMA((2,)),
        ],
    )(_sc_body)
    return f(codes_flat)


def _epi_body(cnt_a, pos_a, cnt_b, pos_b, out_ref):
    wi = lax.broadcasted_iota(jnp.int32, (B // 2, NW), 1)
    ii = lax.broadcasted_iota(jnp.int32, (B // 2, NW), 0)
    S = (wi // WPI == ii).astype(jnp.float32)
    cntF = jnp.concatenate([
        jnp.dot(S, cnt_a[...].astype(jnp.float32),
                preferred_element_type=jnp.float32),
        jnp.dot(S, cnt_b[...].astype(jnp.float32),
                preferred_element_type=jnp.float32)], axis=0)
    posF = jnp.concatenate([
        jnp.dot(S, pos_a[...].astype(jnp.float32),
                preferred_element_type=jnp.float32),
        jnp.dot(S, pos_b[...].astype(jnp.float32),
                preferred_element_type=jnp.float32)], axis=0)
    P8 = jnp.sum(posF, axis=1, keepdims=True)
    cnt8 = cntF[:, :K]
    pos8 = posF[:, :K]

    bi = lax.broadcasted_iota(jnp.int32, (K, K), 0)
    bj = lax.broadcasted_iota(jnp.int32, (K, K), 1)
    LT = (bi <= bj).astype(jnp.float32)
    Nend = jnp.dot(cnt8, LT, preferred_element_type=jnp.float32)
    Cend = jnp.dot(pos8, LT, preferred_element_type=jnp.float32)

    U = P8 + Nend - Cend
    J = jnp.where(U > 0.0, 1.0 - (P8 - Cend) / jnp.where(U > 0.0, U, 1.0), 0.0)
    Jprev = jnp.concatenate([jnp.zeros((B, 1), jnp.float32), J[:, :-1]], axis=1)
    mid = (EMAX
           - (lax.broadcasted_iota(jnp.int32, (B, K), 1).astype(jnp.float32)
              + 0.5) * (1.0 / SCALE))
    li = jnp.sum(mid * (J - Jprev), axis=1)
    out_ref[0, 0] = jnp.sum(li) * (1.0 / B)


def _tc_epilogue(cnt_a, pos_a, cnt_b, pos_b):
    return pl.pallas_call(
        _epi_body,
        out_shape=jax.ShapeDtypeStruct((1, 1), jnp.float32),
        out_specs=pl.BlockSpec(memory_space=pltpu.SMEM),
    )(cnt_a, pos_a, cnt_b, pos_b)


def kernel(logits, labels):
    lg = logits.reshape(B * 512, 512)
    lb = labels.reshape(B * 512, 512).astype(jnp.int32)
    half = B * 512 // 2
    codes_a = _tc_pre(lg[:half], lb[:half])
    codes_b = _tc_pre(lg[half:], lb[half:])
    cnt_a, pos_a = _sc_hist(codes_a.reshape(B * N // 4))
    cnt_b, pos_b = _sc_hist(codes_b.reshape(B * N // 4))
    out = _tc_epilogue(cnt_a, pos_a, cnt_b, pos_b)
    return out[0, 0]

# --- scband reference (transcript-rebuilt; emitter-appended) ---
"""Pipeline reference for scband-lovasz-hinge-loss-3289944949125 (READ-ONLY COPY).

The authoritative reference and input builder live on the scoring server;
editing this copy changes nothing except your own understanding.
"""

import jax, jax.numpy as jnp
import numpy as np

B, H, W = 8, 512, 512

def setup_inputs(seed: int = 0) -> dict:
    key = jax.random.key(seed)
    k1, k2 = jax.random.split(key)
    logits = jax.random.normal(k1, (B, H, W), dtype=jnp.float32)
    labels = jax.random.randint(k2, (B, H, W), 0, 2, dtype=jnp.int64)
    return {"logits": logits, "labels": labels}

def lovasz_grad(gt_sorted):
    gtf = gt_sorted.astype(jnp.float32)
    gts = gtf.sum()
    intersection = gts - jnp.cumsum(gtf)
    union = gts + jnp.cumsum(1.0 - gtf)
    jaccard = 1.0 - intersection / union
    jaccard = jnp.concatenate([jaccard[:1], jaccard[1:] - jaccard[:-1]])
    return jaccard

def lovasz_hinge_flat(logits_flat, labels_flat):
    signs = 2.0 * labels_flat.astype(jnp.float32) - 1.0
    errors = 1.0 - logits_flat * signs
    perm = jnp.argsort(-errors)
    errors_sorted = errors[perm]
    gt_sorted = labels_flat[perm]
    grad = lovasz_grad(gt_sorted)
    return jnp.dot(jax.nn.relu(errors_sorted), jax.lax.stop_gradient(grad))

def reference(logits, labels):
    # per_image=True, ignore=None: flatten each image and average the per-image losses
    losses = [lovasz_hinge_flat(logits[i].reshape(-1), labels[i].reshape(-1)) for i in range(logits.shape[0])]
    return jnp.mean(jnp.stack(losses))

if __name__ == "__main__":
    import jax
    _d = setup_inputs()
    print(jax.jit(kernel)(*tuple(_d.values())))

</pallas_src>

<mosaic_0001>
#map = affine_map<(d0, d1) -> (0)>
#map1 = affine_map<(d0, d1) -> (0, 0)>
module attributes {stable_mosaic.version = 14 : i64} {
  func.func @_sc_body(%arg0: i32, %arg1: i32, %arg2: memref<524288xi32, #tpu.memory_space<hbm>>, %arg3: memref<32x2176xi32, #tpu.memory_space<hbm>>, %arg4: memref<32x2176xi32, #tpu.memory_space<hbm>>, %arg5: memref<2x8192xi32, #tpu.memory_space<vmem>>, %arg6: memref<34816xi32, #tpu.memory_space<vmem>>, %arg7: memref<2176xi32, #tpu.memory_space<vmem>>, %arg8: memref<2176xi32, #tpu.memory_space<vmem>>, %arg9: memref<2x!tpu.dma_semaphore, #tpu.memory_space<semaphore_mem>>) attributes {dimension_semantics = [#tpu.dimension_semantics<core_parallel>, #tpu.dimension_semantics<subcore_parallel>], iteration_bounds = array<i64: 2, 16>, scalar_prefetch = 0 : i64, scratch_operands = 5 : i64, tpu.core_type = #tpu.core_type<sc_vector_subcore>, window_params = [{transform_indices = #map}, {transform_indices = #map1}, {transform_indices = #map1}]} {
    %mul3A = arith.constant 16 : i32
    %mul3A_0 = arith.muli %arg0, %mul3A : i32
    %add3A = arith.addi %mul3A_0, %arg1 : i32
    %mul3A_1 = arith.constant 16384 : i32
    %mul3A_2 = arith.muli %add3A, %mul3A_1 : i32
    %iota3A = tpu.iota {dimensions = array<i32: 0>} : vector<16xi32>
    %mul3A_3 = arith.constant 2176 : i32
    %mul3A_4 = vector.broadcast %mul3A_3 : i32 to vector<16xi32>
    %mul3A_5 = arith.muli %iota3A, %mul3A_4 : vector<16xi32>
    %broadcast_in_dim3A = arith.constant 0 : i32
    %broadcast_in_dim3A_6 = vector.broadcast %broadcast_in_dim3A : i32 to vector<16xi32>
    %scan3A = arith.constant 0 : i32
    %scan3A_7 = arith.constant 0 : i32
    %scan3A_8 = arith.constant 272 : i32
    %scan3A_9 = arith.addi %scan3A_7, %scan3A_8 : i32
    %scan3A_10 = arith.constant 1 : i32
    scf.for %scan3A_50 = %scan3A_7 to %scan3A_9 step %scan3A_10  : i32 {
      %mul3A_51 = arith.constant 8 : i32
      %mul3A_52 = arith.muli %scan3A_50, %mul3A_51 : i32
      %add3A_53 = arith.constant 0 : i32
      %add3A_54 = arith.addi %mul3A_52, %add3A_53 : i32
      %mul3A_55 = arith.constant 16 : i32
      %mul3A_56 = arith.muli %add3A_54, %mul3A_55 : i32
      %swap3A = arith.index_cast %mul3A_56 : i32 to index
      %swap3A_57 = tpu.vector_load %arg6[%swap3A] {strides = array<i32>} : memref<34816xi32, #tpu.memory_space<vmem>>, vector<16xi32>,
      tpu.vector_store %arg6[%swap3A], %broadcast_in_dim3A_6 {strides = array<i32>} : memref<34816xi32, #tpu.memory_space<vmem>>, vector<16xi32>,
      %mul3A_58 = arith.constant 8 : i32
      %mul3A_59 = arith.muli %scan3A_50, %mul3A_58 : i32
      %add3A_60 = arith.constant 1 : i32
      %add3A_61 = arith.addi %mul3A_59, %add3A_60 : i32
      %mul3A_62 = arith.constant 16 : i32
      %mul3A_63 = arith.muli %add3A_61, %mul3A_62 : i32
      %swap3A_64 = arith.index_cast %mul3A_63 : i32 to index
      %swap3A_65 = tpu.vector_load %arg6[%swap3A_64] {strides = array<i32>} : memref<34816xi32, #tpu.memory_space<vmem>>, vector<16xi32>,
      tpu.vector_store %arg6[%swap3A_64], %broadcast_in_dim3A_6 {strides = array<i32>} : memref<34816xi32, #tpu.memory_space<vmem>>, vector<16xi32>,
      %mul3A_66 = arith.constant 8 : i32
      %mul3A_67 = arith.muli %scan3A_50, %mul3A_66 : i32
      %add3A_68 = arith.constant 2 : i32
      %add3A_69 = arith.addi %mul3A_67, %add3A_68 : i32
      %mul3A_70 = arith.constant 16 : i32
      %mul3A_71 = arith.muli %add3A_69, %mul3A_70 : i32
      %swap3A_72 = arith.index_cast %mul3A_71 : i32 to index
      %swap3A_73 = tpu.vector_load %arg6[%swap3A_72] {strides = array<i32>} : memref<34816xi32, #tpu.memory_space<vmem>>, vector<16xi32>,
      tpu.vector_store %arg6[%swap3A_72], %broadcast_in_dim3A_6 {strides = array<i32>} : memref<34816xi32, #tpu.memory_space<vmem>>, vector<16xi32>,
      %mul3A_74 = arith.constant 8 : i32
      %mul3A_75 = arith.muli %scan3A_50, %mul3A_74 : i32
      %add3A_76 = arith.constant 3 : i32
      %add3A_77 = arith.addi %mul3A_75, %add3A_76 : i32
      %mul3A_78 = arith.constant 16 : i32
      %mul3A_79 = arith.muli %add3A_77, %mul3A_78 : i32
      %swap3A_80 = arith.index_cast %mul3A_79 : i32 to index
      %swap3A_81 = tpu.vector_load %arg6[%swap3A_80] {strides = array<i32>} : memref<34816xi32, #tpu.memory_space<vmem>>, vector<16xi32>,
      tpu.vector_store %arg6[%swap3A_80], %broadcast_in_dim3A_6 {strides = array<i32>} : memref<34816xi32, #tpu.memory_space<vmem>>, vector<16xi32>,
      %mul3A_82 = arith.constant 8 : i32
      %mul3A_83 = arith.muli %scan3A_50, %mul3A_82 : i32
      %add3A_84 = arith.constant 4 : i32
      %add3A_85 = arith.addi %mul3A_83, %add3A_84 : i32
      %mul3A_86 = arith.constant 16 : i32
      %mul3A_87 = arith.muli %add3A_85, %mul3A_86 : i32
      %swap3A_88 = arith.index_cast %mul3A_87 : i32 to index
      %swap3A_89 = tpu.vector_load %arg6[%swap3A_88] {strides = array<i32>} : memref<34816xi32, #tpu.memory_space<vmem>>, vector<16xi32>,
      tpu.vector_store %arg6[%swap3A_88], %broadcast_in_dim3A_6 {strides = array<i32>} : memref<34816xi32, #tpu.memory_space<vmem>>, vector<16xi32>,
      %mul3A_90 = arith.constant 8 : i32
      %mul3A_91 = arith.muli %scan3A_50, %mul3A_90 : i32
      %add3A_92 = arith.constant 5 : i32
      %add3A_93 = arith.addi %mul3A_91, %add3A_92 : i32
      %mul3A_94 = arith.constant 16 : i32
      %mul3A_95 = arith.muli %add3A_93, %mul3A_94 : i32
      %swap3A_96 = arith.index_cast %mul3A_95 : i32 to index
      %swap3A_97 = tpu.vector_load %arg6[%swap3A_96] {strides = array<i32>} : memref<34816xi32, #tpu.memory_space<vmem>>, vector<16xi32>,
      tpu.vector_store %arg6[%swap3A_96], %broadcast_in_dim3A_6 {strides = array<i32>} : memref<34816xi32, #tpu.memory_space<vmem>>, vector<16xi32>,
      %mul3A_98 = arith.constant 8 : i32
      %mul3A_99 = arith.muli %scan3A_50, %mul3A_98 : i32
      %add3A_100 = arith.constant 6 : i32
      %add3A_101 = arith.addi %mul3A_99, %add3A_100 : i32
      %mul3A_102 = arith.constant 16 : i32
      %mul3A_103 = arith.muli %add3A_101, %mul3A_102 : i32
      %swap3A_104 = arith.index_cast %mul3A_103 : i32 to index
      %swap3A_105 = tpu.vector_load %arg6[%swap3A_104] {strides = array<i32>} : memref<34816xi32, #tpu.memory_space<vmem>>, vector<16xi32>,
      tpu.vector_store %arg6[%swap3A_104], %broadcast_in_dim3A_6 {strides = array<i32>} : memref<34816xi32, #tpu.memory_space<vmem>>, vector<16xi32>,
      %mul3A_106 = arith.constant 8 : i32
      %mul3A_107 = arith.muli %scan3A_50, %mul3A_106 : i32
      %add3A_108 = arith.constant 7 : i32
      %add3A_109 = arith.addi %mul3A_107, %add3A_108 : i32
      %mul3A_110 = arith.constant 16 : i32
      %mul3A_111 = arith.muli %add3A_109, %mul3A_110 : i32
      %swap3A_112 = arith.index_cast %mul3A_111 : i32 to index
      %swap3A_113 = tpu.vector_load %arg6[%swap3A_112] {strides = array<i32>} : memref<34816xi32, #tpu.memory_space<vmem>>, vector<16xi32>,
      tpu.vector_store %arg6[%swap3A_112], %broadcast_in_dim3A_6 {strides = array<i32>} : memref<34816xi32, #tpu.memory_space<vmem>>, vector<16xi32>,
    }
    %scan3A_11 = arith.constant 272 : i32
    %add3A_12 = arith.constant 0 : i32
    %add3A_13 = arith.addi %mul3A_2, %add3A_12 : i32
    %dma_start3A = arith.constant 0 : i32
    %dma_start3A_14 = arith.constant 0 : i32
    %dma_start3A_15 = arith.constant 0 : i32
    %dma_start3A_16 = tpu.memref_slice %arg5[%dma_start3A, %dma_start3A_15] : memref<2x8192xi32, #tpu.memory_space<vmem>> -> memref<1x8192xi32, #tpu.memory_space<vmem>>
    %dma_start3A_17 = tpu.memref_squeeze %dma_start3A_16 : memref<1x8192xi32, #tpu.memory_space<vmem>> -> memref<8192xi32, #tpu.memory_space<vmem>>
    %dma_start3A_18 = tpu.memref_slice %arg2[%add3A_13] : memref<524288xi32, #tpu.memory_space<hbm>> -> memref<8192xi32, #tpu.memory_space<hbm>>
    %dma_start3A_19 = tpu.memref_slice %arg9[%dma_start3A_14] : memref<2x!tpu.dma_semaphore, #tpu.memory_space<semaphore_mem>> -> memref<1x!tpu.dma_semaphore, #tpu.memory_space<semaphore_mem>>
    %dma_start3A_20 = tpu.memref_squeeze %dma_start3A_19 : memref<1x!tpu.dma_semaphore, #tpu.memory_space<semaphore_mem>> -> memref<!tpu.dma_semaphore, #tpu.memory_space<semaphore_mem>>
    %dma_start3A_21 = arith.constant 0 : i32
    %dma_start3A_22 = tpu.memref_slice %arg5[%dma_start3A, %dma_start3A_21] : memref<2x8192xi32, #tpu.memory_space<vmem>> -> memref<1x8192xi32, #tpu.memory_space<vmem>>
    %dma_start3A_23 = tpu.memref_squeeze %dma_start3A_22 : memref<1x8192xi32, #tpu.memory_space<vmem>> -> memref<8192xi32, #tpu.memory_space<vmem>>
    %dma_start3A_24 = tpu.memref_slice %arg2[%add3A_13] : memref<524288xi32, #tpu.memory_space<hbm>> -> memref<8192xi32, #tpu.memory_space<hbm>>
    tpu.enqueue_dma source(%dma_start3A_24 : memref<8192xi32, #tpu.memory_space<hbm>>) target(%dma_start3A_23 : memref<8192xi32, #tpu.memory_space<vmem>>) target_semaphore(%dma_start3A_20 : memref<!tpu.dma_semaphore, #tpu.memory_space<semaphore_mem>>)
    %scan3A_25 = arith.constant 0 : i32
    %scan3A_26 = arith.constant 0 : i32
    %scan3A_27 = arith.constant 2 : i32
    %scan3A_28 = arith.addi %scan3A_26, %scan3A_27 : i32
    %scan3A_29 = arith.constant 1 : i32
    scf.for %scan3A_50 = %scan3A_26 to %scan3A_28 step %scan3A_29  : i32 {
      %rem3A = arith.constant 2 : i32
      %rem3A_51 = arith.remsi %scan3A_50, %rem3A : i32
      %add3A_52 = arith.constant 1 : i32
      %add3A_53 = arith.addi %scan3A_50, %add3A_52 : i32
      %rem3A_54 = arith.constant 2 : i32
      %rem3A_55 = arith.remsi %add3A_53, %rem3A_54 : i32
      %add3A_56 = arith.constant 1 : i32
      %add3A_57 = arith.addi %scan3A_50, %add3A_56 : i32
      %rem3A_58 = arith.constant 2 : i32
      %rem3A_59 = arith.remsi %add3A_57, %rem3A_58 : i32
      %mul3A_60 = arith.constant 8192 : i32
      %mul3A_61 = arith.muli %rem3A_55, %mul3A_60 : i32
      %add3A_62 = arith.addi %mul3A_2, %mul3A_61 : i32
      %dma_start3A_63 = arith.constant 0 : i32
      %dma_start3A_64 = tpu.memref_slice %arg5[%rem3A_59, %dma_start3A_63] : memref<2x8192xi32, #tpu.memory_space<vmem>> -> memref<1x8192xi32, #tpu.memory_space<vmem>>
      %dma_start3A_65 = tpu.memref_squeeze %dma_start3A_64 : memref<1x8192xi32, #tpu.memory_space<vmem>> -> memref<8192xi32, #tpu.memory_space<vmem>>
      %dma_start3A_66 = tpu.memref_slice %arg2[%add3A_62] : memref<524288xi32, #tpu.memory_space<hbm>> -> memref<8192xi32, #tpu.memory_space<hbm>>
      %dma_start3A_67 = tpu.memref_slice %arg9[%rem3A_59] : memref<2x!tpu.dma_semaphore, #tpu.memory_space<semaphore_mem>> -> memref<1x!tpu.dma_semaphore, #tpu.memory_space<semaphore_mem>>
      %dma_start3A_68 = tpu.memref_squeeze %dma_start3A_67 : memref<1x!tpu.dma_semaphore, #tpu.memory_space<semaphore_mem>> -> memref<!tpu.dma_semaphore, #tpu.memory_space<semaphore_mem>>
      %dma_start3A_69 = arith.constant 0 : i32
      %dma_start3A_70 = tpu.memref_slice %arg5[%rem3A_59, %dma_start3A_69] : memref<2x8192xi32, #tpu.memory_space<vmem>> -> memref<1x8192xi32, #tpu.memory_space<vmem>>
      %dma_start3A_71 = tpu.memref_squeeze %dma_start3A_70 : memref<1x8192xi32, #tpu.memory_space<vmem>> -> memref<8192xi32, #tpu.memory_space<vmem>>
      %dma_start3A_72 = tpu.memref_slice %arg2[%add3A_62] : memref<524288xi32, #tpu.memory_space<hbm>> -> memref<8192xi32, #tpu.memory_space<hbm>>
      tpu.enqueue_dma source(%dma_start3A_72 : memref<8192xi32, #tpu.memory_space<hbm>>) target(%dma_start3A_71 : memref<8192xi32, #tpu.memory_space<vmem>>) target_semaphore(%dma_start3A_68 : memref<!tpu.dma_semaphore, #tpu.memory_space<semaphore_mem>>)
      %dma_wait3A_73 = arith.constant 0 : i32
      %dma_wait3A_74 = tpu.memref_slice %arg5[%rem3A_51, %dma_wait3A_73] : memref<2x8192xi32, #tpu.memory_space<vmem>> -> memref<1x8192xi32, #tpu.memory_space<vmem>>
      %dma_wait3A_75 = tpu.memref_squeeze %dma_wait3A_74 : memref<1x8192xi32, #tpu.memory_space<vmem>> -> memref<8192xi32, #tpu.memory_space<vmem>>
      %dma_wait3A_76 = arith.constant 0 : i32
      %dma_wait3A_77 = tpu.memref_slice %arg2[%dma_wait3A_76] : memref<524288xi32, #tpu.memory_space<hbm>> -> memref<8192xi32, #tpu.memory_space<hbm>>
      %dma_wait3A_78 = tpu.memref_slice %arg9[%rem3A_51] : memref<2x!tpu.dma_semaphore, #tpu.memory_space<semaphore_mem>> -> memref<1x!tpu.dma_semaphore, #tpu.memory_space<semaphore_mem>>
      %dma_wait3A_79 = tpu.memref_squeeze %dma_wait3A_78 : memref<1x!tpu.dma_semaphore, #tpu.memory_space<semaphore_mem>> -> memref<!tpu.dma_semaphore, #tpu.memory_space<semaphore_mem>>
      %dma_wait3A_80 = arith.constant 0 : i32
      %dma_wait3A_81 = tpu.memref_slice %arg5[%rem3A_51, %dma_wait3A_80] : memref<2x8192xi32, #tpu.memory_space<vmem>> -> memref<1x8192xi32, #tpu.memory_space<vmem>>
      %dma_wait3A_82 = tpu.memref_squeeze %dma_wait3A_81 : memref<1x8192xi32, #tpu.memory_space<vmem>> -> memref<8192xi32, #tpu.memory_space<vmem>>
      %dma_wait3A_83 = arith.constant 0 : i32
      %dma_wait3A_84 = tpu.memref_slice %arg2[%dma_wait3A_83] : memref<524288xi32, #tpu.memory_space<hbm>> -> memref<8192xi32, #tpu.memory_space<hbm>>
      tpu.wait_dma2 semaphore(%dma_wait3A_79 : memref<!tpu.dma_semaphore, #tpu.memory_space<semaphore_mem>>) src(%dma_wait3A_84 : memref<8192xi32, #tpu.memory_space<hbm>>) dst(%dma_wait3A_82 : memref<8192xi32, #tpu.memory_space<vmem>>)
      %scan3A_85 = arith.constant 0 : i32
      %scan3A_86 = arith.constant 64 : i32
      %scan3A_87 = arith.addi %scan3A_85, %scan3A_86 : i32
      %scan3A_88 = arith.constant 1 : i32
      scf.for %scan3A_90 = %scan3A_85 to %scan3A_87 step %scan3A_88  : i32 {
        %mul3A_91 = arith.constant 128 : i32
        %mul3A_92 = arith.muli %scan3A_90, %mul3A_91 : i32
        %add3A_93 = arith.constant 0 : i32
        %add3A_94 = arith.addi %mul3A_92, %add3A_93 : i32
        %mul3A_95 = arith.constant 128 : i32
        %mul3A_96 = arith.muli %scan3A_90, %mul3A_95 : i32
        %add3A_97 = arith.constant 16 : i32
        %add3A_98 = arith.addi %mul3A_96, %add3A_97 : i32
        %mul3A_99 = arith.constant 128 : i32
        %mul3A_100 = arith.muli %scan3A_90, %mul3A_99 : i32
        %add3A_101 = arith.constant 32 : i32
        %add3A_102 = arith.addi %mul3A_100, %add3A_101 : i32
        %mul3A_103 = arith.constant 128 : i32
        %mul3A_104 = arith.muli %scan3A_90, %mul3A_103 : i32
        %add3A_105 = arith.constant 48 : i32
        %add3A_106 = arith.addi %mul3A_104, %add3A_105 : i32
        %mul3A_107 = arith.constant 128 : i32
        %mul3A_108 = arith.muli %scan3A_90, %mul3A_107 : i32
        %add3A_109 = arith.constant 64 : i32
        %add3A_110 = arith.addi %mul3A_108, %add3A_109 : i32
        %mul3A_111 = arith.constant 128 : i32
        %mul3A_112 = arith.muli %scan3A_90, %mul3A_111 : i32
        %add3A_113 = arith.constant 80 : i32
        %add3A_114 = arith.addi %mul3A_112, %add3A_113 : i32
        %mul3A_115 = arith.constant 128 : i32
        %mul3A_116 = arith.muli %scan3A_90, %mul3A_115 : i32
        %add3A_117 = arith.constant 96 : i32
        %add3A_118 = arith.addi %mul3A_116, %add3A_117 : i32
        %mul3A_119 = arith.constant 128 : i32
        %mul3A_120 = arith.muli %scan3A_90, %mul3A_119 : i32
        %add3A_121 = arith.constant 112 : i32
        %add3A_122 = arith.addi %mul3A_120, %add3A_121 : i32
        %get3A = arith.index_cast %rem3A_51 : i32 to index
        %get3A_123 = arith.index_cast %add3A_94 : i32 to index
        %get3A_124 = tpu.vector_load %arg5[%get3A, %get3A_123] {strides = array<i32>} : memref<2x8192xi32, #tpu.memory_space<vmem>>, vector<16xi32>,
        %get3A_125 = arith.index_cast %rem3A_51 : i32 to index
        %get3A_126 = arith.index_cast %add3A_98 : i32 to index
        %get3A_127 = tpu.vector_load %arg5[%get3A_125, %get3A_126] {strides = array<i32>} : memref<2x8192xi32, #tpu.memory_space<vmem>>, vector<16xi32>,
        %get3A_128 = arith.index_cast %rem3A_51 : i32 to index
        %get3A_129 = arith.index_cast %add3A_102 : i32 to index
        %get3A_130 = tpu.vector_load %arg5[%get3A_128, %get3A_129] {strides = array<i32>} : memref<2x8192xi32, #tpu.memory_space<vmem>>, vector<16xi32>,
        %get3A_131 = arith.index_cast %rem3A_51 : i32 to index
        %get3A_132 = arith.index_cast %add3A_106 : i32 to index
        %get3A_133 = tpu.vector_load %arg5[%get3A_131, %get3A_132] {strides = array<i32>} : memref<2x8192xi32, #tpu.memory_space<vmem>>, vector<16xi32>,
        %get3A_134 = arith.index_cast %rem3A_51 : i32 to index
        %get3A_135 = arith.index_cast %add3A_110 : i32 to index
        %get3A_136 = tpu.vector_load %arg5[%get3A_134, %get3A_135] {strides = array<i32>} : memref<2x8192xi32, #tpu.memory_space<vmem>>, vector<16xi32>,
        %get3A_137 = arith.index_cast %rem3A_51 : i32 to index
        %get3A_138 = arith.index_cast %add3A_114 : i32 to index
        %get3A_139 = tpu.vector_load %arg5[%get3A_137, %get3A_138] {strides = array<i32>} : memref<2x8192xi32, #tpu.memory_space<vmem>>, vector<16xi32>,
        %get3A_140 = arith.index_cast %rem3A_51 : i32 to index
        %get3A_141 = arith.index_cast %add3A_118 : i32 to index
        %get3A_142 = tpu.vector_load %arg5[%get3A_140, %get3A_141] {strides = array<i32>} : memref<2x8192xi32, #tpu.memory_space<vmem>>, vector<16xi32>,
        %get3A_143 = arith.index_cast %rem3A_51 : i32 to index
        %get3A_144 = arith.index_cast %add3A_122 : i32 to index
        %get3A_145 = tpu.vector_load %arg5[%get3A_143, %get3A_144] {strides = array<i32>} : memref<2x8192xi32, #tpu.memory_space<vmem>>, vector<16xi32>,
        %and3A = arith.constant 65535 : i32
        %and3A_146 = vector.broadcast %and3A : i32 to vector<16xi32>
        %and3A_147 = arith.andi %get3A_124, %and3A_146 : vector<16xi32>
        %shift_right_arithmetic3A = arith.constant 16 : i32
        %shift_right_arithmetic3A_148 = vector.broadcast %shift_right_arithmetic3A : i32 to vector<16xi32>
        %shift_right_arithmetic3A_149 = arith.shrsi %get3A_124, %shift_right_arithmetic3A_148 : vector<16xi32>
        %and3A_150 = arith.constant 65535 : i32
        %and3A_151 = vector.broadcast %and3A_150 : i32 to vector<16xi32>
        %and3A_152 = arith.andi %get3A_127, %and3A_151 : vector<16xi32>
        %shift_right_arithmetic3A_153 = arith.constant 16 : i32
        %shift_right_arithmetic3A_154 = vector.broadcast %shift_right_arithmetic3A_153 : i32 to vector<16xi32>
        %shift_right_arithmetic3A_155 = arith.shrsi %get3A_127, %shift_right_arithmetic3A_154 : vector<16xi32>
        %and3A_156 = arith.constant 65535 : i32
        %and3A_157 = vector.broadcast %and3A_156 : i32 to vector<16xi32>
        %and3A_158 = arith.andi %get3A_130, %and3A_157 : vector<16xi32>
        %shift_right_arithmetic3A_159 = arith.constant 16 : i32
        %shift_right_arithmetic3A_160 = vector.broadcast %shift_right_arithmetic3A_159 : i32 to vector<16xi32>
        %shift_right_arithmetic3A_161 = arith.shrsi %get3A_130, %shift_right_arithmetic3A_160 : vector<16xi32>
        %and3A_162 = arith.constant 65535 : i32
        %and3A_163 = vector.broadcast %and3A_162 : i32 to vector<16xi32>
        %and3A_164 = arith.andi %get3A_133, %and3A_163 : vector<16xi32>
        %shift_right_arithmetic3A_165 = arith.constant 16 : i32
        %shift_right_arithmetic3A_166 = vector.broadcast %shift_right_arithmetic3A_165 : i32 to vector<16xi32>
        %shift_right_arithmetic3A_167 = arith.shrsi %get3A_133, %shift_right_arithmetic3A_166 : vector<16xi32>
        %and3A_168 = arith.constant 65535 : i32
        %and3A_169 = vector.broadcast %and3A_168 : i32 to vector<16xi32>
        %and3A_170 = arith.andi %get3A_136, %and3A_169 : vector<16xi32>
        %shift_right_arithmetic3A_171 = arith.constant 16 : i32
        %shift_right_arithmetic3A_172 = vector.broadcast %shift_right_arithmetic3A_171 : i32 to vector<16xi32>
        %shift_right_arithmetic3A_173 = arith.shrsi %get3A_136, %shift_right_arithmetic3A_172 : vector<16xi32>
        %and3A_174 = arith.constant 65535 : i32
        %and3A_175 = vector.broadcast %and3A_174 : i32 to vector<16xi32>
        %and3A_176 = arith.andi %get3A_139, %and3A_175 : vector<16xi32>
        %shift_right_arithmetic3A_177 = arith.constant 16 : i32
        %shift_right_arithmetic3A_178 = vector.broadcast %shift_right_arithmetic3A_177 : i32 to vector<16xi32>
        %shift_right_arithmetic3A_179 = arith.shrsi %get3A_139, %shift_right_arithmetic3A_178 : vector<16xi32>
        %and3A_180 = arith.constant 65535 : i32
        %and3A_181 = vector.broadcast %and3A_180 : i32 to vector<16xi32>
        %and3A_182 = arith.andi %get3A_142, %and3A_181 : vector<16xi32>
        %shift_right_arithmetic3A_183 = arith.constant 16 : i32
        %shift_right_arithmetic3A_184 = vector.broadcast %shift_right_arithmetic3A_183 : i32 to vector<16xi32>
        %shift_right_arithmetic3A_185 = arith.shrsi %get3A_142, %shift_right_arithmetic3A_184 : vector<16xi32>
        %and3A_186 = arith.constant 65535 : i32
        %and3A_187 = vector.broadcast %and3A_186 : i32 to vector<16xi32>
        %and3A_188 = arith.andi %get3A_145, %and3A_187 : vector<16xi32>
        %shift_right_arithmetic3A_189 = arith.constant 16 : i32
        %shift_right_arithmetic3A_190 = vector.broadcast %shift_right_arithmetic3A_189 : i32 to vector<16xi32>
        %shift_right_arithmetic3A_191 = arith.shrsi %get3A_145, %shift_right_arithmetic3A_190 : vector<16xi32>
        %and3A_192 = arith.constant 1 : i32
        %and3A_193 = vector.broadcast %and3A_192 : i32 to vector<16xi32>
        %and3A_194 = arith.andi %and3A_147, %and3A_193 : vector<16xi32>
        %ne3A = arith.constant 0 : i32
        %ne3A_195 = vector.broadcast %ne3A : i32 to vector<16xi32>
        %ne3A_196 = arith.cmpi ne, %and3A_194, %ne3A_195 : vector<16xi32>
        %and3A_197 = arith.constant 1 : i32
        %and3A_198 = vector.broadcast %and3A_197 : i32 to vector<16xi32>
        %and3A_199 = arith.andi %shift_right_arithmetic3A_149, %and3A_198 : vector<16xi32>
        %ne3A_200 = arith.constant 0 : i32
        %ne3A_201 = vector.broadcast %ne3A_200 : i32 to vector<16xi32>
        %ne3A_202 = arith.cmpi ne, %and3A_199, %ne3A_201 : vector<16xi32>
        %and3A_203 = arith.constant 1 : i32
        %and3A_204 = vector.broadcast %and3A_203 : i32 to vector<16xi32>
        %and3A_205 = arith.andi %and3A_152, %and3A_204 : vector<16xi32>
        %ne3A_206 = arith.constant 0 : i32
        %ne3A_207 = vector.broadcast %ne3A_206 : i32 to vector<16xi32>
        %ne3A_208 = arith.cmpi ne, %and3A_205, %ne3A_207 : vector<16xi32>
        %and3A_209 = arith.constant 1 : i32
        %and3A_210 = vector.broadcast %and3A_209 : i32 to vector<16xi32>
        %and3A_211 = arith.andi %shift_right_arithmetic3A_155, %and3A_210 : vector<16xi32>
        %ne3A_212 = arith.constant 0 : i32
        %ne3A_213 = vector.broadcast %ne3A_212 : i32 to vector<16xi32>
        %ne3A_214 = arith.cmpi ne, %and3A_211, %ne3A_213 : vector<16xi32>
        %and3A_215 = arith.constant 1 : i32
        %and3A_216 = vector.broadcast %and3A_215 : i32 to vector<16xi32>
        %and3A_217 = arith.andi %and3A_158, %and3A_216 : vector<16xi32>
        %ne3A_218 = arith.constant 0 : i32
        %ne3A_219 = vector.broadcast %ne3A_218 : i32 to vector<16xi32>
        %ne3A_220 = arith.cmpi ne, %and3A_217, %ne3A_219 : vector<16xi32>
        %and3A_221 = arith.constant 1 : i32
        %and3A_222 = vector.broadcast %and3A_221 : i32 to vector<16xi32>
        %and3A_223 = arith.andi %shift_right_arithmetic3A_161, %and3A_222 : vector<16xi32>
        %ne3A_224 = arith.constant 0 : i32
        %ne3A_225 = vector.broadcast %ne3A_224 : i32 to vector<16xi32>
        %ne3A_226 = arith.cmpi ne, %and3A_223, %ne3A_225 : vector<16xi32>
        %and3A_227 = arith.constant 1 : i32
        %and3A_228 = vector.broadcast %and3A_227 : i32 to vector<16xi32>
        %and3A_229 = arith.andi %and3A_164, %and3A_228 : vector<16xi32>
        %ne3A_230 = arith.constant 0 : i32
        %ne3A_231 = vector.broadcast %ne3A_230 : i32 to vector<16xi32>
        %ne3A_232 = arith.cmpi ne, %and3A_229, %ne3A_231 : vector<16xi32>
        %and3A_233 = arith.constant 1 : i32
        %and3A_234 = vector.broadcast %and3A_233 : i32 to vector<16xi32>
        %and3A_235 = arith.andi %shift_right_arithmetic3A_167, %and3A_234 : vector<16xi32>
        %ne3A_236 = arith.constant 0 : i32
        %ne3A_237 = vector.broadcast %ne3A_236 : i32 to vector<16xi32>
        %ne3A_238 = arith.cmpi ne, %and3A_235, %ne3A_237 : vector<16xi32>
        %and3A_239 = arith.constant 1 : i32
        %and3A_240 = vector.broadcast %and3A_239 : i32 to vector<16xi32>
        %and3A_241 = arith.andi %and3A_170, %and3A_240 : vector<16xi32>
        %ne3A_242 = arith.constant 0 : i32
        %ne3A_243 = vector.broadcast %ne3A_242 : i32 to vector<16xi32>
        %ne3A_244 = arith.cmpi ne, %and3A_241, %ne3A_243 : vector<16xi32>
        %and3A_245 = arith.constant 1 : i32
        %and3A_246 = vector.broadcast %and3A_245 : i32 to vector<16xi32>
        %and3A_247 = arith.andi %shift_right_arithmetic3A_173, %and3A_246 : vector<16xi32>
        %ne3A_248 = arith.constant 0 : i32
        %ne3A_249 = vector.broadcast %ne3A_248 : i32 to vector<16xi32>
        %ne3A_250 = arith.cmpi ne, %and3A_247, %ne3A_249 : vector<16xi32>
        %and3A_251 = arith.constant 1 : i32
        %and3A_252 = vector.broadcast %and3A_251 : i32 to vector<16xi32>
        %and3A_253 = arith.andi %and3A_176, %and3A_252 : vector<16xi32>
        %ne3A_254 = arith.constant 0 : i32
        %ne3A_255 = vector.broadcast %ne3A_254 : i32 to vector<16xi32>
        %ne3A_256 = arith.cmpi ne, %and3A_253, %ne3A_255 : vector<16xi32>
        %and3A_257 = arith.constant 1 : i32
        %and3A_258 = vector.broadcast %and3A_257 : i32 to vector<16xi32>
        %and3A_259 = arith.andi %shift_right_arithmetic3A_179, %and3A_258 : vector<16xi32>
        %ne3A_260 = arith.constant 0 : i32
        %ne3A_261 = vector.broadcast %ne3A_260 : i32 to vector<16xi32>
        %ne3A_262 = arith.cmpi ne, %and3A_259, %ne3A_261 : vector<16xi32>
        %and3A_263 = arith.constant 1 : i32
        %and3A_264 = vector.broadcast %and3A_263 : i32 to vector<16xi32>
        %and3A_265 = arith.andi %and3A_182, %and3A_264 : vector<16xi32>
        %ne3A_266 = arith.constant 0 : i32
        %ne3A_267 = vector.broadcast %ne3A_266 : i32 to vector<16xi32>
        %ne3A_268 = arith.cmpi ne, %and3A_265, %ne3A_267 : vector<16xi32>
        %and3A_269 = arith.constant 1 : i32
        %and3A_270 = vector.broadcast %and3A_269 : i32 to vector<16xi32>
        %and3A_271 = arith.andi %shift_right_arithmetic3A_185, %and3A_270 : vector<16xi32>
        %ne3A_272 = arith.constant 0 : i32
        %ne3A_273 = vector.broadcast %ne3A_272 : i32 to vector<16xi32>
        %ne3A_274 = arith.cmpi ne, %and3A_271, %ne3A_273 : vector<16xi32>
        %and3A_275 = arith.constant 1 : i32
        %and3A_276 = vector.broadcast %and3A_275 : i32 to vector<16xi32>
        %and3A_277 = arith.andi %and3A_188, %and3A_276 : vector<16xi32>
        %ne3A_278 = arith.constant 0 : i32
        %ne3A_279 = vector.broadcast %ne3A_278 : i32 to vector<16xi32>
        %ne3A_280 = arith.cmpi ne, %and3A_277, %ne3A_279 : vector<16xi32>
        %and3A_281 = arith.constant 1 : i32
        %and3A_282 = vector.broadcast %and3A_281 : i32 to vector<16xi32>
        %and3A_283 = arith.andi %shift_right_arithmetic3A_191, %and3A_282 : vector<16xi32>
        %ne3A_284 = arith.constant 0 : i32
        %ne3A_285 = vector.broadcast %ne3A_284 : i32 to vector<16xi32>
        %ne3A_286 = arith.cmpi ne, %and3A_283, %ne3A_285 : vector<16xi32>
        %shift_right_arithmetic3A_287 = arith.constant 1 : i32
        %shift_right_arithmetic3A_288 = vector.broadcast %shift_right_arithmetic3A_287 : i32 to vector<16xi32>
        %shift_right_arithmetic3A_289 = arith.shrsi %and3A_147, %shift_right_arithmetic3A_288 : vector<16xi32>
        %add3A_290 = arith.addi %mul3A_5, %shift_right_arithmetic3A_289 : vector<16xi32>
        %shift_right_arithmetic3A_291 = arith.constant 1 : i32
        %shift_right_arithmetic3A_292 = vector.broadcast %shift_right_arithmetic3A_291 : i32 to vector<16xi32>
        %shift_right_arithmetic3A_293 = arith.shrsi %shift_right_arithmetic3A_149, %shift_right_arithmetic3A_292 : vector<16xi32>
        %add3A_294 = arith.addi %mul3A_5, %shift_right_arithmetic3A_293 : vector<16xi32>
        %shift_right_arithmetic3A_295 = arith.constant 1 : i32
        %shift_right_arithmetic3A_296 = vector.broadcast %shift_right_arithmetic3A_295 : i32 to vector<16xi32>
        %shift_right_arithmetic3A_297 = arith.shrsi %and3A_152, %shift_right_arithmetic3A_296 : vector<16xi32>
        %add3A_298 = arith.addi %mul3A_5, %shift_right_arithmetic3A_297 : vector<16xi32>
        %shift_right_arithmetic3A_299 = arith.constant 1 : i32
        %shift_right_arithmetic3A_300 = vector.broadcast %shift_right_arithmetic3A_299 : i32 to vector<16xi32>
        %shift_right_arithmetic3A_301 = arith.shrsi %shift_right_arithmetic3A_155, %shift_right_arithmetic3A_300 : vector<16xi32>
        %add3A_302 = arith.addi %mul3A_5, %shift_right_arithmetic3A_301 : vector<16xi32>
        %shift_right_arithmetic3A_303 = arith.constant 1 : i32
        %shift_right_arithmetic3A_304 = vector.broadcast %shift_right_arithmetic3A_303 : i32 to vector<16xi32>
        %shift_right_arithmetic3A_305 = arith.shrsi %and3A_158, %shift_right_arithmetic3A_304 : vector<16xi32>
        %add3A_306 = arith.addi %mul3A_5, %shift_right_arithmetic3A_305 : vector<16xi32>
        %shift_right_arithmetic3A_307 = arith.constant 1 : i32
        %shift_right_arithmetic3A_308 = vector.broadcast %shift_right_arithmetic3A_307 : i32 to vector<16xi32>
        %shift_right_arithmetic3A_309 = arith.shrsi %shift_right_arithmetic3A_161, %shift_right_arithmetic3A_308 : vector<16xi32>
        %add3A_310 = arith.addi %mul3A_5, %shift_right_arithmetic3A_309 : vector<16xi32>
        %shift_right_arithmetic3A_311 = arith.constant 1 : i32
        %shift_right_arithmetic3A_312 = vector.broadcast %shift_right_arithmetic3A_311 : i32 to vector<16xi32>
        %shift_right_arithmetic3A_313 = arith.shrsi %and3A_164, %shift_right_arithmetic3A_312 : vector<16xi32>
        %add3A_314 = arith.addi %mul3A_5, %shift_right_arithmetic3A_313 : vector<16xi32>
        %shift_right_arithmetic3A_315 = arith.constant 1 : i32
        %shift_right_arithmetic3A_316 = vector.broadcast %shift_right_arithmetic3A_315 : i32 to vector<16xi32>
        %shift_right_arithmetic3A_317 = arith.shrsi %shift_right_arithmetic3A_167, %shift_right_arithmetic3A_316 : vector<16xi32>
        %add3A_318 = arith.addi %mul3A_5, %shift_right_arithmetic3A_317 : vector<16xi32>
        %shift_right_arithmetic3A_319 = arith.constant 1 : i32
        %shift_right_arithmetic3A_320 = vector.broadcast %shift_right_arithmetic3A_319 : i32 to vector<16xi32>
        %shift_right_arithmetic3A_321 = arith.shrsi %and3A_170, %shift_right_arithmetic3A_320 : vector<16xi32>
        %add3A_322 = arith.addi %mul3A_5, %shift_right_arithmetic3A_321 : vector<16xi32>
        %shift_right_arithmetic3A_323 = arith.constant 1 : i32
        %shift_right_arithmetic3A_324 = vector.broadcast %shift_right_arithmetic3A_323 : i32 to vector<16xi32>
        %shift_right_arithmetic3A_325 = arith.shrsi %shift_right_arithmetic3A_173, %shift_right_arithmetic3A_324 : vector<16xi32>
        %add3A_326 = arith.addi %mul3A_5, %shift_right_arithmetic3A_325 : vector<16xi32>
        %shift_right_arithmetic3A_327 = arith.constant 1 : i32
        %shift_right_arithmetic3A_328 = vector.broadcast %shift_right_arithmetic3A_327 : i32 to vector<16xi32>
        %shift_right_arithmetic3A_329 = arith.shrsi %and3A_176, %shift_right_arithmetic3A_328 : vector<16xi32>
        %add3A_330 = arith.addi %mul3A_5, %shift_right_arithmetic3A_329 : vector<16xi32>
        %shift_right_arithmetic3A_331 = arith.constant 1 : i32
        %shift_right_arithmetic3A_332 = vector.broadcast %shift_right_arithmetic3A_331 : i32 to vector<16xi32>
        %shift_right_arithmetic3A_333 = arith.shrsi %shift_right_arithmetic3A_179, %shift_right_arithmetic3A_332 : vector<16xi32>
        %add3A_334 = arith.addi %mul3A_5, %shift_right_arithmetic3A_333 : vector<16xi32>
        %shift_right_arithmetic3A_335 = arith.constant 1 : i32
        %shift_right_arithmetic3A_336 = vector.broadcast %shift_right_arithmetic3A_335 : i32 to vector<16xi32>
        %shift_right_arithmetic3A_337 = arith.shrsi %and3A_182, %shift_right_arithmetic3A_336 : vector<16xi32>
        %add3A_338 = arith.addi %mul3A_5, %shift_right_arithmetic3A_337 : vector<16xi32>
        %shift_right_arithmetic3A_339 = arith.constant 1 : i32
        %shift_right_arithmetic3A_340 = vector.broadcast %shift_right_arithmetic3A_339 : i32 to vector<16xi32>
        %shift_right_arithmetic3A_341 = arith.shrsi %shift_right_arithmetic3A_185, %shift_right_arithmetic3A_340 : vector<16xi32>
        %add3A_342 = arith.addi %mul3A_5, %shift_right_arithmetic3A_341 : vector<16xi32>
        %shift_right_arithmetic3A_343 = arith.constant 1 : i32
        %shift_right_arithmetic3A_344 = vector.broadcast %shift_right_arithmetic3A_343 : i32 to vector<16xi32>
        %shift_right_arithmetic3A_345 = arith.shrsi %and3A_188, %shift_right_arithmetic3A_344 : vector<16xi32>
        %add3A_346 = arith.addi %mul3A_5, %shift_right_arithmetic3A_345 : vector<16xi32>
        %shift_right_arithmetic3A_347 = arith.constant 1 : i32
        %shift_right_arithmetic3A_348 = vector.broadcast %shift_right_arithmetic3A_347 : i32 to vector<16xi32>
        %shift_right_arithmetic3A_349 = arith.shrsi %shift_right_arithmetic3A_191, %shift_right_arithmetic3A_348 : vector<16xi32>
        %add3A_350 = arith.addi %mul3A_5, %shift_right_arithmetic3A_349 : vector<16xi32>
        %jit3A = arith.constant 8193 : i32
        %jit3A_351 = arith.constant 1 : i32
        %broadcast_in_dim3A_352 = vector.broadcast %jit3A : i32 to vector<16xi32>
        %broadcast_in_dim3A_353 = vector.broadcast %jit3A_351 : i32 to vector<16xi32>
        %select_n3A = arith.select %ne3A_196, %broadcast_in_dim3A_352, %broadcast_in_dim3A_353 : vector<16xi1>, vector<16xi32>
        %jit3A_354 = arith.constant 8193 : i32
        %jit3A_355 = arith.constant 1 : i32
        %broadcast_in_dim3A_356 = vector.broadcast %jit3A_354 : i32 to vector<16xi32>
        %broadcast_in_dim3A_357 = vector.broadcast %jit3A_355 : i32 to vector<16xi32>
        %select_n3A_358 = arith.select %ne3A_202, %broadcast_in_dim3A_356, %broadcast_in_dim3A_357 : vector<16xi1>, vector<16xi32>
        %jit3A_359 = arith.constant 8193 : i32
        %jit3A_360 = arith.constant 1 : i32
        %broadcast_in_dim3A_361 = vector.broadcast %jit3A_359 : i32 to vector<16xi32>
        %broadcast_in_dim3A_362 = vector.broadcast %jit3A_360 : i32 to vector<16xi32>
        %select_n3A_363 = arith.select %ne3A_208, %broadcast_in_dim3A_361, %broadcast_in_dim3A_362 : vector<16xi1>, vector<16xi32>
        %jit3A_364 = arith.constant 8193 : i32
        %jit3A_365 = arith.constant 1 : i32
        %broadcast_in_dim3A_366 = vector.broadcast %jit3A_364 : i32 to vector<16xi32>
        %broadcast_in_dim3A_367 = vector.broadcast %jit3A_365 : i32 to vector<16xi32>
        %select_n3A_368 = arith.select %ne3A_214, %broadcast_in_dim3A_366, %broadcast_in_dim3A_367 : vector<16xi1>, vector<16xi32>
        %jit3A_369 = arith.constant 8193 : i32
        %jit3A_370 = arith.constant 1 : i32
        %broadcast_in_dim3A_371 = vector.broadcast %jit3A_369 : i32 to vector<16xi32>
        %broadcast_in_dim3A_372 = vector.broadcast %jit3A_370 : i32 to vector<16xi32>
        %select_n3A_373 = arith.select %ne3A_220, %broadcast_in_dim3A_371, %broadcast_in_dim3A_372 : vector<16xi1>, vector<16xi32>
        %jit3A_374 = arith.constant 8193 : i32
        %jit3A_375 = arith.constant 1 : i32
        %broadcast_in_dim3A_376 = vector.broadcast %jit3A_374 : i32 to vector<16xi32>
        %broadcast_in_dim3A_377 = vector.broadcast %jit3A_375 : i32 to vector<16xi32>
        %select_n3A_378 = arith.select %ne3A_226, %broadcast_in_dim3A_376, %broadcast_in_dim3A_377 : vector<16xi1>, vector<16xi32>
        %jit3A_379 = arith.constant 8193 : i32
        %jit3A_380 = arith.constant 1 : i32
        %broadcast_in_dim3A_381 = vector.broadcast %jit3A_379 : i32 to vector<16xi32>
        %broadcast_in_dim3A_382 = vector.broadcast %jit3A_380 : i32 to vector<16xi32>
        %select_n3A_383 = arith.select %ne3A_232, %broadcast_in_dim3A_381, %broadcast_in_dim3A_382 : vector<16xi1>, vector<16xi32>
        %jit3A_384 = arith.constant 8193 : i32
        %jit3A_385 = arith.constant 1 : i32
        %broadcast_in_dim3A_386 = vector.broadcast %jit3A_384 : i32 to vector<16xi32>
        %broadcast_in_dim3A_387 = vector.broadcast %jit3A_385 : i32 to vector<16xi32>
        %select_n3A_388 = arith.select %ne3A_238, %broadcast_in_dim3A_386, %broadcast_in_dim3A_387 : vector<16xi1>, vector<16xi32>
        %jit3A_389 = arith.constant 8193 : i32
        %jit3A_390 = arith.constant 1 : i32
        %broadcast_in_dim3A_391 = vector.broadcast %jit3A_389 : i32 to vector<16xi32>
        %broadcast_in_dim3A_392 = vector.broadcast %jit3A_390 : i32 to vector<16xi32>
        %select_n3A_393 = arith.select %ne3A_244, %broadcast_in_dim3A_391, %broadcast_in_dim3A_392 : vector<16xi1>, vector<16xi32>
        %jit3A_394 = arith.constant 8193 : i32
        %jit3A_395 = arith.constant 1 : i32
        %broadcast_in_dim3A_396 = vector.broadcast %jit3A_394 : i32 to vector<16xi32>
        %broadcast_in_dim3A_397 = vector.broadcast %jit3A_395 : i32 to vector<16xi32>
        %select_n3A_398 = arith.select %ne3A_250, %broadcast_in_dim3A_396, %broadcast_in_dim3A_397 : vector<16xi1>, vector<16xi32>
        %jit3A_399 = arith.constant 8193 : i32
        %jit3A_400 = arith.constant 1 : i32
        %broadcast_in_dim3A_401 = vector.broadcast %jit3A_399 : i32 to vector<16xi32>
        %broadcast_in_dim3A_402 = vector.broadcast %jit3A_400 : i32 to vector<16xi32>
        %select_n3A_403 = arith.select %ne3A_256, %broadcast_in_dim3A_401, %broadcast_in_dim3A_402 : vector<16xi1>, vector<16xi32>
        %jit3A_404 = arith.constant 8193 : i32
        %jit3A_405 = arith.constant 1 : i32
        %broadcast_in_dim3A_406 = vector.broadcast %jit3A_404 : i32 to vector<16xi32>
        %broadcast_in_dim3A_407 = vector.broadcast %jit3A_405 : i32 to vector<16xi32>
        %select_n3A_408 = arith.select %ne3A_262, %broadcast_in_dim3A_406, %broadcast_in_dim3A_407 : vector<16xi1>, vector<16xi32>
        %jit3A_409 = arith.constant 8193 : i32
        %jit3A_410 = arith.constant 1 : i32
        %broadcast_in_dim3A_411 = vector.broadcast %jit3A_409 : i32 to vector<16xi32>
        %broadcast_in_dim3A_412 = vector.broadcast %jit3A_410 : i32 to vector<16xi32>
        %select_n3A_413 = arith.select %ne3A_268, %broadcast_in_dim3A_411, %broadcast_in_dim3A_412 : vector<16xi1>, vector<16xi32>
        %jit3A_414 = arith.constant 8193 : i32
        %jit3A_415 = arith.constant 1 : i32
        %broadcast_in_dim3A_416 = vector.broadcast %jit3A_414 : i32 to vector<16xi32>
        %broadcast_in_dim3A_417 = vector.broadcast %jit3A_415 : i32 to vector<16xi32>
        %select_n3A_418 = arith.select %ne3A_274, %broadcast_in_dim3A_416, %broadcast_in_dim3A_417 : vector<16xi1>, vector<16xi32>
        %jit3A_419 = arith.constant 8193 : i32
        %jit3A_420 = arith.constant 1 : i32
        %broadcast_in_dim3A_421 = vector.broadcast %jit3A_419 : i32 to vector<16xi32>
        %broadcast_in_dim3A_422 = vector.broadcast %jit3A_420 : i32 to vector<16xi32>
        %select_n3A_423 = arith.select %ne3A_280, %broadcast_in_dim3A_421, %broadcast_in_dim3A_422 : vector<16xi1>, vector<16xi32>
        %jit3A_424 = arith.constant 8193 : i32
        %jit3A_425 = arith.constant 1 : i32
        %broadcast_in_dim3A_426 = vector.broadcast %jit3A_424 : i32 to vector<16xi32>
        %broadcast_in_dim3A_427 = vector.broadcast %jit3A_425 : i32 to vector<16xi32>
        %select_n3A_428 = arith.select %ne3A_286, %broadcast_in_dim3A_426, %broadcast_in_dim3A_427 : vector<16xi1>, vector<16xi32>
        tpu.vector_store_idx %arg6[%add3A_290], %select_n3A {add = true} : memref<34816xi32, #tpu.memory_space<vmem>>[vector<16xi32>], vector<16xi32>,
        tpu.vector_store_idx %arg6[%add3A_294], %select_n3A_358 {add = true} : memref<34816xi32, #tpu.memory_space<vmem>>[vector<16xi32>], vector<16xi32>,
        tpu.vector_store_idx %arg6[%add3A_298], %select_n3A_363 {add = true} : memref<34816xi32, #tpu.memory_space<vmem>>[vector<16xi32>], vector<16xi32>,
        tpu.vector_store_idx %arg6[%add3A_302], %select_n3A_368 {add = true} : memref<34816xi32, #tpu.memory_space<vmem>>[vector<16xi32>], vector<16xi32>,
        tpu.vector_store_idx %arg6[%add3A_306], %select_n3A_373 {add = true} : memref<34816xi32, #tpu.memory_space<vmem>>[vector<16xi32>], vector<16xi32>,
        tpu.vector_store_idx %arg6[%add3A_310], %select_n3A_378 {add = true} : memref<34816xi32, #tpu.memory_space<vmem>>[vector<16xi32>], vector<16xi32>,
        tpu.vector_store_idx %arg6[%add3A_314], %select_n3A_383 {add = true} : memref<34816xi32, #tpu.memory_space<vmem>>[vector<16xi32>], vector<16xi32>,
        tpu.vector_store_idx %arg6[%add3A_318], %select_n3A_388 {add = true} : memref<34816xi32, #tpu.memory_space<vmem>>[vector<16xi32>], vector<16xi32>,
        tpu.vector_store_idx %arg6[%add3A_322], %select_n3A_393 {add = true} : memref<34816xi32, #tpu.memory_space<vmem>>[vector<16xi32>], vector<16xi32>,
        tpu.vector_store_idx %arg6[%add3A_326], %select_n3A_398 {add = true} : memref<34816xi32, #tpu.memory_space<vmem>>[vector<16xi32>], vector<16xi32>,
        tpu.vector_store_idx %arg6[%add3A_330], %select_n3A_403 {add = true} : memref<34816xi32, #tpu.memory_space<vmem>>[vector<16xi32>], vector<16xi32>,
        tpu.vector_store_idx %arg6[%add3A_334], %select_n3A_408 {add = true} : memref<34816xi32, #tpu.memory_space<vmem>>[vector<16xi32>], vector<16xi32>,
        tpu.vector_store_idx %arg6[%add3A_338], %select_n3A_413 {add = true} : memref<34816xi32, #tpu.memory_space<vmem>>[vector<16xi32>], vector<16xi32>,
        tpu.vector_store_idx %arg6[%add3A_342], %select_n3A_418 {add = true} : memref<34816xi32, #tpu.memory_space<vmem>>[vector<16xi32>], vector<16xi32>,
        tpu.vector_store_idx %arg6[%add3A_346], %select_n3A_423 {add = true} : memref<34816xi32, #tpu.memory_space<vmem>>[vector<16xi32>], vector<16xi32>,
        tpu.vector_store_idx %arg6[%add3A_350], %select_n3A_428 {add = true} : memref<34816xi32, #tpu.memory_space<vmem>>[vector<16xi32>], vector<16xi32>,
      }
      %scan3A_89 = arith.constant 64 : i32
    }
    %scan3A_30 = arith.constant 2 : i32
    %dma_wait3A = arith.constant 0 : i32
    %dma_wait3A_31 = arith.constant 0 : i32
    %dma_wait3A_32 = arith.constant 0 : i32
    %dma_wait3A_33 = tpu.memref_slice %arg5[%dma_wait3A, %dma_wait3A_32] : memref<2x8192xi32, #tpu.memory_space<vmem>> -> memref<1x8192xi32, #tpu.memory_space<vmem>>
    %dma_wait3A_34 = tpu.memref_squeeze %dma_wait3A_33 : memref<1x8192xi32, #tpu.memory_space<vmem>> -> memref<8192xi32, #tpu.memory_space<vmem>>
    %dma_wait3A_35 = arith.constant 0 : i32
    %dma_wait3A_36 = tpu.memref_slice %arg2[%dma_wait3A_35] : memref<524288xi32, #tpu.memory_space<hbm>> -> memref<8192xi32, #tpu.memory_space<hbm>>
    %dma_wait3A_37 = tpu.memref_slice %arg9[%dma_wait3A_31] : memref<2x!tpu.dma_semaphore, #tpu.memory_space<semaphore_mem>> -> memref<1x!tpu.dma_semaphore, #tpu.memory_space<semaphore_mem>>
    %dma_wait3A_38 = tpu.memref_squeeze %dma_wait3A_37 : memref<1x!tpu.dma_semaphore, #tpu.memory_space<semaphore_mem>> -> memref<!tpu.dma_semaphore, #tpu.memory_space<semaphore_mem>>
    %dma_wait3A_39 = arith.constant 0 : i32
    %dma_wait3A_40 = tpu.memref_slice %arg5[%dma_wait3A, %dma_wait3A_39] : memref<2x8192xi32, #tpu.memory_space<vmem>> -> memref<1x8192xi32, #tpu.memory_space<vmem>>
    %dma_wait3A_41 = tpu.memref_squeeze %dma_wait3A_40 : memref<1x8192xi32, #tpu.memory_space<vmem>> -> memref<8192xi32, #tpu.memory_space<vmem>>
    %dma_wait3A_42 = arith.constant 0 : i32
    %dma_wait3A_43 = tpu.memref_slice %arg2[%dma_wait3A_42] : memref<524288xi32, #tpu.memory_space<hbm>> -> memref<8192xi32, #tpu.memory_space<hbm>>
    tpu.wait_dma2 semaphore(%dma_wait3A_38 : memref<!tpu.dma_semaphore, #tpu.memory_space<semaphore_mem>>) src(%dma_wait3A_43 : memref<8192xi32, #tpu.memory_space<hbm>>) dst(%dma_wait3A_41 : memref<8192xi32, #tpu.memory_space<vmem>>)
    %scan3A_44 = arith.constant 0 : i32
    %scan3A_45 = arith.constant 0 : i32
    %scan3A_46 = arith.constant 68 : i32
    %scan3A_47 = arith.addi %scan3A_45, %scan3A_46 : i32
    %scan3A_48 = arith.constant 1 : i32
    scf.for %scan3A_50 = %scan3A_45 to %scan3A_47 step %scan3A_48  : i32 {
      %mul3A_51 = arith.constant 2 : i32
      %mul3A_52 = arith.muli %mul3A_51, %scan3A_50 : i32
      %add3A_53 = arith.constant 0 : i32
      %add3A_54 = arith.addi %mul3A_52, %add3A_53 : i32
      %mul3A_55 = arith.constant 16 : i32
      %mul3A_56 = arith.muli %add3A_54, %mul3A_55 : i32
      %get3A = arith.index_cast %mul3A_56 : i32 to index
      %get3A_57 = tpu.vector_load %arg6[%get3A] {strides = array<i32>} : memref<34816xi32, #tpu.memory_space<vmem>>, vector<16xi32>,
      %add3A_58 = arith.constant 2176 : i32
      %add3A_59 = arith.addi %add3A_58, %mul3A_56 : i32
      %get3A_60 = arith.index_cast %add3A_59 : i32 to index
      %get3A_61 = tpu.vector_load %arg6[%get3A_60] {strides = array<i32>} : memref<34816xi32, #tpu.memory_space<vmem>>, vector<16xi32>,
      %and3A = arith.constant 8191 : i32
      %and3A_62 = vector.broadcast %and3A : i32 to vector<16xi32>
      %and3A_63 = arith.andi %get3A_57, %and3A_62 : vector<16xi32>
      %shift_right_arithmetic3A = arith.constant 13 : i32
      %shift_right_arithmetic3A_64 = vector.broadcast %shift_right_arithmetic3A : i32 to vector<16xi32>
      %shift_right_arithmetic3A_65 = arith.shrsi %get3A_57, %shift_right_arithmetic3A_64 : vector<16xi32>
      %and3A_66 = arith.constant 8191 : i32
      %and3A_67 = vector.broadcast %and3A_66 : i32 to vector<16xi32>
      %and3A_68 = arith.andi %get3A_61, %and3A_67 : vector<16xi32>
      %shift_right_arithmetic3A_69 = arith.constant 13 : i32
      %shift_right_arithmetic3A_70 = vector.broadcast %shift_right_arithmetic3A_69 : i32 to vector<16xi32>
      %shift_right_arithmetic3A_71 = arith.shrsi %get3A_61, %shift_right_arithmetic3A_70 : vector<16xi32>
      %add3A_72 = arith.constant 4352 : i32
      %add3A_73 = arith.addi %add3A_72, %mul3A_56 : i32
      %get3A_74 = arith.index_cast %add3A_73 : i32 to index
      %get3A_75 = tpu.vector_load %arg6[%get3A_74] {strides = array<i32>} : memref<34816xi32, #tpu.memory_space<vmem>>, vector<16xi32>,
      %add3A_76 = arith.constant 6528 : i32
      %add3A_77 = arith.addi %add3A_76, %mul3A_56 : i32
      %get3A_78 = arith.index_cast %add3A_77 : i32 to index
      %get3A_79 = tpu.vector_load %arg6[%get3A_78] {strides = array<i32>} : memref<34816xi32, #tpu.memory_space<vmem>>, vector<16xi32>,
      %and3A_80 = arith.constant 8191 : i32
      %and3A_81 = vector.broadcast %and3A_80 : i32 to vector<16xi32>
      %and3A_82 = arith.andi %get3A_75, %and3A_81 : vector<16xi32>
      %add3A_83 = arith.addi %and3A_63, %and3A_82 : vector<16xi32>
      %shift_right_arithmetic3A_84 = arith.constant 13 : i32
      %shift_right_arithmetic3A_85 = vector.broadcast %shift_right_arithmetic3A_84 : i32 to vector<16xi32>
      %shift_right_arithmetic3A_86 = arith.shrsi %get3A_75, %shift_right_arithmetic3A_85 : vector<16xi32>
      %add3A_87 = arith.addi %shift_right_arithmetic3A_65, %shift_right_arithmetic3A_86 : vector<16xi32>
      %and3A_88 = arith.constant 8191 : i32
      %and3A_89 = vector.broadcast %and3A_88 : i32 to vector<16xi32>
      %and3A_90 = arith.andi %get3A_79, %and3A_89 : vector<16xi32>
      %add3A_91 = arith.addi %and3A_68, %and3A_90 : vector<16xi32>
      %shift_right_arithmetic3A_92 = arith.constant 13 : i32
      %shift_right_arithmetic3A_93 = vector.broadcast %shift_right_arithmetic3A_92 : i32 to vector<16xi32>
      %shift_right_arithmetic3A_94 = arith.shrsi %get3A_79, %shift_right_arithmetic3A_93 : vector<16xi32>
      %add3A_95 = arith.addi %shift_right_arithmetic3A_71, %shift_right_arithmetic3A_94 : vector<16xi32>
      %add3A_96 = arith.constant 8704 : i32
      %add3A_97 = arith.addi %add3A_96, %mul3A_56 : i32
      %get3A_98 = arith.index_cast %add3A_97 : i32 to index
      %get3A_99 = tpu.vector_load %arg6[%get3A_98] {strides = array<i32>} : memref<34816xi32, #tpu.memory_space<vmem>>, vector<16xi32>,
      %add3A_100 = arith.constant 10880 : i32
      %add3A_101 = arith.addi %add3A_100, %mul3A_56 : i32
      %get3A_102 = arith.index_cast %add3A_101 : i32 to index
      %get3A_103 = tpu.vector_load %arg6[%get3A_102] {strides = array<i32>} : memref<34816xi32, #tpu.memory_space<vmem>>, vector<16xi32>,
      %and3A_104 = arith.constant 8191 : i32
      %and3A_105 = vector.broadcast %and3A_104 : i32 to vector<16xi32>
      %and3A_106 = arith.andi %get3A_99, %and3A_105 : vector<16xi32>
      %add3A_107 = arith.addi %add3A_83, %and3A_106 : vector<16xi32>
      %shift_right_arithmetic3A_108 = arith.constant 13 : i32
      %shift_right_arithmetic3A_109 = vector.broadcast %shift_right_arithmetic3A_108 : i32 to vector<16xi32>
      %shift_right_arithmetic3A_110 = arith.shrsi %get3A_99, %shift_right_arithmetic3A_109 : vector<16xi32>
      %add3A_111 = arith.addi %add3A_87, %shift_right_arithmetic3A_110 : vector<16xi32>
      %and3A_112 = arith.constant 8191 : i32
      %and3A_113 = vector.broadcast %and3A_112 : i32 to vector<16xi32>
      %and3A_114 = arith.andi %get3A_103, %and3A_113 : vector<16xi32>
      %add3A_115 = arith.addi %add3A_91, %and3A_114 : vector<16xi32>
      %shift_right_arithmetic3A_116 = arith.constant 13 : i32
      %shift_right_arithmetic3A_117 = vector.broadcast %shift_right_arithmetic3A_116 : i32 to vector<16xi32>
      %shift_right_arithmetic3A_118 = arith.shrsi %get3A_103, %shift_right_arithmetic3A_117 : vector<16xi32>
      %add3A_119 = arith.addi %add3A_95, %shift_right_arithmetic3A_118 : vector<16xi32>
      %add3A_120 = arith.constant 13056 : i32
      %add3A_121 = arith.addi %add3A_120, %mul3A_56 : i32
      %get3A_122 = arith.index_cast %add3A_121 : i32 to index
      %get3A_123 = tpu.vector_load %arg6[%get3A_122] {strides = array<i32>} : memref<34816xi32, #tpu.memory_space<vmem>>, vector<16xi32>,
      %add3A_124 = arith.constant 15232 : i32
      %add3A_125 = arith.addi %add3A_124, %mul3A_56 : i32
      %get3A_126 = arith.index_cast %add3A_125 : i32 to index
      %get3A_127 = tpu.vector_load %arg6[%get3A_126] {strides = array<i32>} : memref<34816xi32, #tpu.memory_space<vmem>>, vector<16xi32>,
      %and3A_128 = arith.constant 8191 : i32
      %and3A_129 = vector.broadcast %and3A_128 : i32 to vector<16xi32>
      %and3A_130 = arith.andi %get3A_123, %and3A_129 : vector<16xi32>
      %add3A_131 = arith.addi %add3A_107, %and3A_130 : vector<16xi32>
      %shift_right_arithmetic3A_132 = arith.constant 13 : i32
      %shift_right_arithmetic3A_133 = vector.broadcast %shift_right_arithmetic3A_132 : i32 to vector<16xi32>
      %shift_right_arithmetic3A_134 = arith.shrsi %get3A_123, %shift_right_arithmetic3A_133 : vector<16xi32>
      %add3A_135 = arith.addi %add3A_111, %shift_right_arithmetic3A_134 : vector<16xi32>
      %and3A_136 = arith.constant 8191 : i32
      %and3A_137 = vector.broadcast %and3A_136 : i32 to vector<16xi32>
      %and3A_138 = arith.andi %get3A_127, %and3A_137 : vector<16xi32>
      %add3A_139 = arith.addi %add3A_115, %and3A_138 : vector<16xi32>
      %shift_right_arithmetic3A_140 = arith.constant 13 : i32
      %shift_right_arithmetic3A_141 = vector.broadcast %shift_right_arithmetic3A_140 : i32 to vector<16xi32>
      %shift_right_arithmetic3A_142 = arith.shrsi %get3A_127, %shift_right_arithmetic3A_141 : vector<16xi32>
      %add3A_143 = arith.addi %add3A_119, %shift_right_arithmetic3A_142 : vector<16xi32>
      %add3A_144 = arith.constant 17408 : i32
      %add3A_145 = arith.addi %add3A_144, %mul3A_56 : i32
      %get3A_146 = arith.index_cast %add3A_145 : i32 to index
      %get3A_147 = tpu.vector_load %arg6[%get3A_146] {strides = array<i32>} : memref<34816xi32, #tpu.memory_space<vmem>>, vector<16xi32>,
      %add3A_148 = arith.constant 19584 : i32
      %add3A_149 = arith.addi %add3A_148, %mul3A_56 : i32
      %get3A_150 = arith.index_cast %add3A_149 : i32 to index
      %get3A_151 = tpu.vector_load %arg6[%get3A_150] {strides = array<i32>} : memref<34816xi32, #tpu.memory_space<vmem>>, vector<16xi32>,
      %and3A_152 = arith.constant 8191 : i32
      %and3A_153 = vector.broadcast %and3A_152 : i32 to vector<16xi32>
      %and3A_154 = arith.andi %get3A_147, %and3A_153 : vector<16xi32>
      %add3A_155 = arith.addi %add3A_131, %and3A_154 : vector<16xi32>
      %shift_right_arithmetic3A_156 = arith.constant 13 : i32
      %shift_right_arithmetic3A_157 = vector.broadcast %shift_right_arithmetic3A_156 : i32 to vector<16xi32>
      %shift_right_arithmetic3A_158 = arith.shrsi %get3A_147, %shift_right_arithmetic3A_157 : vector<16xi32>
      %add3A_159 = arith.addi %add3A_135, %shift_right_arithmetic3A_158 : vector<16xi32>
      %and3A_160 = arith.constant 8191 : i32
      %and3A_161 = vector.broadcast %and3A_160 : i32 to vector<16xi32>
      %and3A_162 = arith.andi %get3A_151, %and3A_161 : vector<16xi32>
      %add3A_163 = arith.addi %add3A_139, %and3A_162 : vector<16xi32>
      %shift_right_arithmetic3A_164 = arith.constant 13 : i32
      %shift_right_arithmetic3A_165 = vector.broadcast %shift_right_arithmetic3A_164 : i32 to vector<16xi32>
      %shift_right_arithmetic3A_166 = arith.shrsi %get3A_151, %shift_right_arithmetic3A_165 : vector<16xi32>
      %add3A_167 = arith.addi %add3A_143, %shift_right_arithmetic3A_166 : vector<16xi32>
      %add3A_168 = arith.constant 21760 : i32
      %add3A_169 = arith.addi %add3A_168, %mul3A_56 : i32
      %get3A_170 = arith.index_cast %add3A_169 : i32 to index
      %get3A_171 = tpu.vector_load %arg6[%get3A_170] {strides = array<i32>} : memref<34816xi32, #tpu.memory_space<vmem>>, vector<16xi32>,
      %add3A_172 = arith.constant 23936 : i32
      %add3A_173 = arith.addi %add3A_172, %mul3A_56 : i32
      %get3A_174 = arith.index_cast %add3A_173 : i32 to index
      %get3A_175 = tpu.vector_load %arg6[%get3A_174] {strides = array<i32>} : memref<34816xi32, #tpu.memory_space<vmem>>, vector<16xi32>,
      %and3A_176 = arith.constant 8191 : i32
      %and3A_177 = vector.broadcast %and3A_176 : i32 to vector<16xi32>
      %and3A_178 = arith.andi %get3A_171, %and3A_177 : vector<16xi32>
      %add3A_179 = arith.addi %add3A_155, %and3A_178 : vector<16xi32>
      %shift_right_arithmetic3A_180 = arith.constant 13 : i32
      %shift_right_arithmetic3A_181 = vector.broadcast %shift_right_arithmetic3A_180 : i32 to vector<16xi32>
      %shift_right_arithmetic3A_182 = arith.shrsi %get3A_171, %shift_right_arithmetic3A_181 : vector<16xi32>
      %add3A_183 = arith.addi %add3A_159, %shift_right_arithmetic3A_182 : vector<16xi32>
      %and3A_184 = arith.constant 8191 : i32
      %and3A_185 = vector.broadcast %and3A_184 : i32 to vector<16xi32>
      %and3A_186 = arith.andi %get3A_175, %and3A_185 : vector<16xi32>
      %add3A_187 = arith.addi %add3A_163, %and3A_186 : vector<16xi32>
      %shift_right_arithmetic3A_188 = arith.constant 13 : i32
      %shift_right_arithmetic3A_189 = vector.broadcast %shift_right_arithmetic3A_188 : i32 to vector<16xi32>
      %shift_right_arithmetic3A_190 = arith.shrsi %get3A_175, %shift_right_arithmetic3A_189 : vector<16xi32>
      %add3A_191 = arith.addi %add3A_167, %shift_right_arithmetic3A_190 : vector<16xi32>
      %add3A_192 = arith.constant 26112 : i32
      %add3A_193 = arith.addi %add3A_192, %mul3A_56 : i32
      %get3A_194 = arith.index_cast %add3A_193 : i32 to index
      %get3A_195 = tpu.vector_load %arg6[%get3A_194] {strides = array<i32>} : memref<34816xi32, #tpu.memory_space<vmem>>, vector<16xi32>,
      %add3A_196 = arith.constant 28288 : i32
      %add3A_197 = arith.addi %add3A_196, %mul3A_56 : i32
      %get3A_198 = arith.index_cast %add3A_197 : i32 to index
      %get3A_199 = tpu.vector_load %arg6[%get3A_198] {strides = array<i32>} : memref<34816xi32, #tpu.memory_space<vmem>>, vector<16xi32>,
      %and3A_200 = arith.constant 8191 : i32
      %and3A_201 = vector.broadcast %and3A_200 : i32 to vector<16xi32>
      %and3A_202 = arith.andi %get3A_195, %and3A_201 : vector<16xi32>
      %add3A_203 = arith.addi %add3A_179, %and3A_202 : vector<16xi32>
      %shift_right_arithmetic3A_204 = arith.constant 13 : i32
      %shift_right_arithmetic3A_205 = vector.broadcast %shift_right_arithmetic3A_204 : i32 to vector<16xi32>
      %shift_right_arithmetic3A_206 = arith.shrsi %get3A_195, %shift_right_arithmetic3A_205 : vector<16xi32>
      %add3A_207 = arith.addi %add3A_183, %shift_right_arithmetic3A_206 : vector<16xi32>
      %and3A_208 = arith.constant 8191 : i32
      %and3A_209 = vector.broadcast %and3A_208 : i32 to vector<16xi32>
      %and3A_210 = arith.andi %get3A_199, %and3A_209 : vector<16xi32>
      %add3A_211 = arith.addi %add3A_187, %and3A_210 : vector<16xi32>
      %shift_right_arithmetic3A_212 = arith.constant 13 : i32
      %shift_right_arithmetic3A_213 = vector.broadcast %shift_right_arithmetic3A_212 : i32 to vector<16xi32>
      %shift_right_arithmetic3A_214 = arith.shrsi %get3A_199, %shift_right_arithmetic3A_213 : vector<16xi32>
      %add3A_215 = arith.addi %add3A_191, %shift_right_arithmetic3A_214 : vector<16xi32>
      %add3A_216 = arith.constant 30464 : i32
      %add3A_217 = arith.addi %add3A_216, %mul3A_56 : i32
      %get3A_218 = arith.index_cast %add3A_217 : i32 to index
      %get3A_219 = tpu.vector_load %arg6[%get3A_218] {strides = array<i32>} : memref<34816xi32, #tpu.memory_space<vmem>>, vector<16xi32>,
      %add3A_220 = arith.constant 32640 : i32
      %add3A_221 = arith.addi %add3A_220, %mul3A_56 : i32
      %get3A_222 = arith.index_cast %add3A_221 : i32 to index
      %get3A_223 = tpu.vector_load %arg6[%get3A_222] {strides = array<i32>} : memref<34816xi32, #tpu.memory_space<vmem>>, vector<16xi32>,
      %and3A_224 = arith.constant 8191 : i32
      %and3A_225 = vector.broadcast %and3A_224 : i32 to vector<16xi32>
      %and3A_226 = arith.andi %get3A_219, %and3A_225 : vector<16xi32>
      %add3A_227 = arith.addi %add3A_203, %and3A_226 : vector<16xi32>
      %shift_right_arithmetic3A_228 = arith.constant 13 : i32
      %shift_right_arithmetic3A_229 = vector.broadcast %shift_right_arithmetic3A_228 : i32 to vector<16xi32>
      %shift_right_arithmetic3A_230 = arith.shrsi %get3A_219, %shift_right_arithmetic3A_229 : vector<16xi32>
      %add3A_231 = arith.addi %add3A_207, %shift_right_arithmetic3A_230 : vector<16xi32>
      %and3A_232 = arith.constant 8191 : i32
      %and3A_233 = vector.broadcast %and3A_232 : i32 to vector<16xi32>
      %and3A_234 = arith.andi %get3A_223, %and3A_233 : vector<16xi32>
      %add3A_235 = arith.addi %add3A_211, %and3A_234 : vector<16xi32>
      %shift_right_arithmetic3A_236 = arith.constant 13 : i32
      %shift_right_arithmetic3A_237 = vector.broadcast %shift_right_arithmetic3A_236 : i32 to vector<16xi32>
      %shift_right_arithmetic3A_238 = arith.shrsi %get3A_223, %shift_right_arithmetic3A_237 : vector<16xi32>
      %add3A_239 = arith.addi %add3A_215, %shift_right_arithmetic3A_238 : vector<16xi32>
      %add3A_240 = arith.addi %add3A_227, %add3A_235 : vector<16xi32>
      %swap3A = arith.index_cast %mul3A_56 : i32 to index
      %swap3A_241 = tpu.vector_load %arg7[%swap3A] {strides = array<i32>} : memref<2176xi32, #tpu.memory_space<vmem>>, vector<16xi32>,
      tpu.vector_store %arg7[%swap3A], %add3A_240 {strides = array<i32>} : memref<2176xi32, #tpu.memory_space<vmem>>, vector<16xi32>,
      %add3A_242 = arith.addi %add3A_231, %add3A_239 : vector<16xi32>
      %swap3A_243 = arith.index_cast %mul3A_56 : i32 to index
      %swap3A_244 = tpu.vector_load %arg8[%swap3A_243] {strides = array<i32>} : memref<2176xi32, #tpu.memory_space<vmem>>, vector<16xi32>,
      tpu.vector_store %arg8[%swap3A_243], %add3A_242 {strides = array<i32>} : memref<2176xi32, #tpu.memory_space<vmem>>, vector<16xi32>,
      %mul3A_245 = arith.constant 2 : i32
      %mul3A_246 = arith.muli %mul3A_245, %scan3A_50 : i32
      %add3A_247 = arith.constant 1 : i32
      %add3A_248 = arith.addi %mul3A_246, %add3A_247 : i32
      %mul3A_249 = arith.constant 16 : i32
      %mul3A_250 = arith.muli %add3A_248, %mul3A_249 : i32
      %get3A_251 = arith.index_cast %mul3A_250 : i32 to index
      %get3A_252 = tpu.vector_load %arg6[%get3A_251] {strides = array<i32>} : memref<34816xi32, #tpu.memory_space<vmem>>, vector<16xi32>,
      %add3A_253 = arith.constant 2176 : i32
      %add3A_254 = arith.addi %add3A_253, %mul3A_250 : i32
      %get3A_255 = arith.index_cast %add3A_254 : i32 to index
      %get3A_256 = tpu.vector_load %arg6[%get3A_255] {strides = array<i32>} : memref<34816xi32, #tpu.memory_space<vmem>>, vector<16xi32>,
      %and3A_257 = arith.constant 8191 : i32
      %and3A_258 = vector.broadcast %and3A_257 : i32 to vector<16xi32>
      %and3A_259 = arith.andi %get3A_252, %and3A_258 : vector<16xi32>
      %shift_right_arithmetic3A_260 = arith.constant 13 : i32
      %shift_right_arithmetic3A_261 = vector.broadcast %shift_right_arithmetic3A_260 : i32 to vector<16xi32>
      %shift_right_arithmetic3A_262 = arith.shrsi %get3A_252, %shift_right_arithmetic3A_261 : vector<16xi32>
      %and3A_263 = arith.constant 8191 : i32
      %and3A_264 = vector.broadcast %and3A_263 : i32 to vector<16xi32>
      %and3A_265 = arith.andi %get3A_256, %and3A_264 : vector<16xi32>
      %shift_right_arithmetic3A_266 = arith.constant 13 : i32
      %shift_right_arithmetic3A_267 = vector.broadcast %shift_right_arithmetic3A_266 : i32 to vector<16xi32>
      %shift_right_arithmetic3A_268 = arith.shrsi %get3A_256, %shift_right_arithmetic3A_267 : vector<16xi32>
      %add3A_269 = arith.constant 4352 : i32
      %add3A_270 = arith.addi %add3A_269, %mul3A_250 : i32
      %get3A_271 = arith.index_cast %add3A_270 : i32 to index
      %get3A_272 = tpu.vector_load %arg6[%get3A_271] {strides = array<i32>} : memref<34816xi32, #tpu.memory_space<vmem>>, vector<16xi32>,
      %add3A_273 = arith.constant 6528 : i32
      %add3A_274 = arith.addi %add3A_273, %mul3A_250 : i32
      %get3A_275 = arith.index_cast %add3A_274 : i32 to index
      %get3A_276 = tpu.vector_load %arg6[%get3A_275] {strides = array<i32>} : memref<34816xi32, #tpu.memory_space<vmem>>, vector<16xi32>,
      %and3A_277 = arith.constant 8191 : i32
      %and3A_278 = vector.broadcast %and3A_277 : i32 to vector<16xi32>
      %and3A_279 = arith.andi %get3A_272, %and3A_278 : vector<16xi32>
      %add3A_280 = arith.addi %and3A_259, %and3A_279 : vector<16xi32>
      %shift_right_arithmetic3A_281 = arith.constant 13 : i32
      %shift_right_arithmetic3A_282 = vector.broadcast %shift_right_arithmetic3A_281 : i32 to vector<16xi32>
      %shift_right_arithmetic3A_283 = arith.shrsi %get3A_272, %shift_right_arithmetic3A_282 : vector<16xi32>
      %add3A_284 = arith.addi %shift_right_arithmetic3A_262, %shift_right_arithmetic3A_283 : vector<16xi32>
      %and3A_285 = arith.constant 8191 : i32
      %and3A_286 = vector.broadcast %and3A_285 : i32 to vector<16xi32>
      %and3A_287 = arith.andi %get3A_276, %and3A_286 : vector<16xi32>
      %add3A_288 = arith.addi %and3A_265, %and3A_287 : vector<16xi32>
      %shift_right_arithmetic3A_289 = arith.constant 13 : i32
      %shift_right_arithmetic3A_290 = vector.broadcast %shift_right_arithmetic3A_289 : i32 to vector<16xi32>
      %shift_right_arithmetic3A_291 = arith.shrsi %get3A_276, %shift_right_arithmetic3A_290 : vector<16xi32>
      %add3A_292 = arith.addi %shift_right_arithmetic3A_268, %shift_right_arithmetic3A_291 : vector<16xi32>
      %add3A_293 = arith.constant 8704 : i32
      %add3A_294 = arith.addi %add3A_293, %mul3A_250 : i32
      %get3A_295 = arith.index_cast %add3A_294 : i32 to index
      %get3A_296 = tpu.vector_load %arg6[%get3A_295] {strides = array<i32>} : memref<34816xi32, #tpu.memory_space<vmem>>, vector<16xi32>,
      %add3A_297 = arith.constant 10880 : i32
      %add3A_298 = arith.addi %add3A_297, %mul3A_250 : i32
      %get3A_299 = arith.index_cast %add3A_298 : i32 to index
      %get3A_300 = tpu.vector_load %arg6[%get3A_299] {strides = array<i32>} : memref<34816xi32, #tpu.memory_space<vmem>>, vector<16xi32>,
      %and3A_301 = arith.constant 8191 : i32
      %and3A_302 = vector.broadcast %and3A_301 : i32 to vector<16xi32>
      %and3A_303 = arith.andi %get3A_296, %and3A_302 : vector<16xi32>
      %add3A_304 = arith.addi %add3A_280, %and3A_303 : vector<16xi32>
      %shift_right_arithmetic3A_305 = arith.constant 13 : i32
      %shift_right_arithmetic3A_306 = vector.broadcast %shift_right_arithmetic3A_305 : i32 to vector<16xi32>
      %shift_right_arithmetic3A_307 = arith.shrsi %get3A_296, %shift_right_arithmetic3A_306 : vector<16xi32>
      %add3A_308 = arith.addi %add3A_284, %shift_right_arithmetic3A_307 : vector<16xi32>
      %and3A_309 = arith.constant 8191 : i32
      %and3A_310 = vector.broadcast %and3A_309 : i32 to vector<16xi32>
      %and3A_311 = arith.andi %get3A_300, %and3A_310 : vector<16xi32>
      %add3A_312 = arith.addi %add3A_288, %and3A_311 : vector<16xi32>
      %shift_right_arithmetic3A_313 = arith.constant 13 : i32
      %shift_right_arithmetic3A_314 = vector.broadcast %shift_right_arithmetic3A_313 : i32 to vector<16xi32>
      %shift_right_arithmetic3A_315 = arith.shrsi %get3A_300, %shift_right_arithmetic3A_314 : vector<16xi32>
      %add3A_316 = arith.addi %add3A_292, %shift_right_arithmetic3A_315 : vector<16xi32>
      %add3A_317 = arith.constant 13056 : i32
      %add3A_318 = arith.addi %add3A_317, %mul3A_250 : i32
      %get3A_319 = arith.index_cast %add3A_318 : i32 to index
      %get3A_320 = tpu.vector_load %arg6[%get3A_319] {strides = array<i32>} : memref<34816xi32, #tpu.memory_space<vmem>>, vector<16xi32>,
      %add3A_321 = arith.constant 15232 : i32
      %add3A_322 = arith.addi %add3A_321, %mul3A_250 : i32
      %get3A_323 = arith.index_cast %add3A_322 : i32 to index
      %get3A_324 = tpu.vector_load %arg6[%get3A_323] {strides = array<i32>} : memref<34816xi32, #tpu.memory_space<vmem>>, vector<16xi32>,
      %and3A_325 = arith.constant 8191 : i32
      %and3A_326 = vector.broadcast %and3A_325 : i32 to vector<16xi32>
      %and3A_327 = arith.andi %get3A_320, %and3A_326 : vector<16xi32>
      %add3A_328 = arith.addi %add3A_304, %and3A_327 : vector<16xi32>
      %shift_right_arithmetic3A_329 = arith.constant 13 : i32
      %shift_right_arithmetic3A_330 = vector.broadcast %shift_right_arithmetic3A_329 : i32 to vector<16xi32>
      %shift_right_arithmetic3A_331 = arith.shrsi %get3A_320, %shift_right_arithmetic3A_330 : vector<16xi32>
      %add3A_332 = arith.addi %add3A_308, %shift_right_arithmetic3A_331 : vector<16xi32>
      %and3A_333 = arith.constant 8191 : i32
      %and3A_334 = vector.broadcast %and3A_333 : i32 to vector<16xi32>
      %and3A_335 = arith.andi %get3A_324, %and3A_334 : vector<16xi32>
      %add3A_336 = arith.addi %add3A_312, %and3A_335 : vector<16xi32>
      %shift_right_arithmetic3A_337 = arith.constant 13 : i32
      %shift_right_arithmetic3A_338 = vector.broadcast %shift_right_arithmetic3A_337 : i32 to vector<16xi32>
      %shift_right_arithmetic3A_339 = arith.shrsi %get3A_324, %shift_right_arithmetic3A_338 : vector<16xi32>
      %add3A_340 = arith.addi %add3A_316, %shift_right_arithmetic3A_339 : vector<16xi32>
      %add3A_341 = arith.constant 17408 : i32
      %add3A_342 = arith.addi %add3A_341, %mul3A_250 : i32
      %get3A_343 = arith.index_cast %add3A_342 : i32 to index
      %get3A_344 = tpu.vector_load %arg6[%get3A_343] {strides = array<i32>} : memref<34816xi32, #tpu.memory_space<vmem>>, vector<16xi32>,
      %add3A_345 = arith.constant 19584 : i32
      %add3A_346 = arith.addi %add3A_345, %mul3A_250 : i32
      %get3A_347 = arith.index_cast %add3A_346 : i32 to index
      %get3A_348 = tpu.vector_load %arg6[%get3A_347] {strides = array<i32>} : memref<34816xi32, #tpu.memory_space<vmem>>, vector<16xi32>,
      %and3A_349 = arith.constant 8191 : i32
      %and3A_350 = vector.broadcast %and3A_349 : i32 to vector<16xi32>
      %and3A_351 = arith.andi %get3A_344, %and3A_350 : vector<16xi32>
      %add3A_352 = arith.addi %add3A_328, %and3A_351 : vector<16xi32>
      %shift_right_arithmetic3A_353 = arith.constant 13 : i32
      %shift_right_arithmetic3A_354 = vector.broadcast %shift_right_arithmetic3A_353 : i32 to vector<16xi32>
      %shift_right_arithmetic3A_355 = arith.shrsi %get3A_344, %shift_right_arithmetic3A_354 : vector<16xi32>
      %add3A_356 = arith.addi %add3A_332, %shift_right_arithmetic3A_355 : vector<16xi32>
      %and3A_357 = arith.constant 8191 : i32
      %and3A_358 = vector.broadcast %and3A_357 : i32 to vector<16xi32>
      %and3A_359 = arith.andi %get3A_348, %and3A_358 : vector<16xi32>
      %add3A_360 = arith.addi %add3A_336, %and3A_359 : vector<16xi32>
      %shift_right_arithmetic3A_361 = arith.constant 13 : i32
      %shift_right_arithmetic3A_362 = vector.broadcast %shift_right_arithmetic3A_361 : i32 to vector<16xi32>
      %shift_right_arithmetic3A_363 = arith.shrsi %get3A_348, %shift_right_arithmetic3A_362 : vector<16xi32>
      %add3A_364 = arith.addi %add3A_340, %shift_right_arithmetic3A_363 : vector<16xi32>
      %add3A_365 = arith.constant 21760 : i32
      %add3A_366 = arith.addi %add3A_365, %mul3A_250 : i32
      %get3A_367 = arith.index_cast %add3A_366 : i32 to index
      %get3A_368 = tpu.vector_load %arg6[%get3A_367] {strides = array<i32>} : memref<34816xi32, #tpu.memory_space<vmem>>, vector<16xi32>,
      %add3A_369 = arith.constant 23936 : i32
      %add3A_370 = arith.addi %add3A_369, %mul3A_250 : i32
      %get3A_371 = arith.index_cast %add3A_370 : i32 to index
      %get3A_372 = tpu.vector_load %arg6[%get3A_371] {strides = array<i32>} : memref<34816xi32, #tpu.memory_space<vmem>>, vector<16xi32>,
      %and3A_373 = arith.constant 8191 : i32
      %and3A_374 = vector.broadcast %and3A_373 : i32 to vector<16xi32>
      %and3A_375 = arith.andi %get3A_368, %and3A_374 : vector<16xi32>
      %add3A_376 = arith.addi %add3A_352, %and3A_375 : vector<16xi32>
      %shift_right_arithmetic3A_377 = arith.constant 13 : i32
      %shift_right_arithmetic3A_378 = vector.broadcast %shift_right_arithmetic3A_377 : i32 to vector<16xi32>
      %shift_right_arithmetic3A_379 = arith.shrsi %get3A_368, %shift_right_arithmetic3A_378 : vector<16xi32>
      %add3A_380 = arith.addi %add3A_356, %shift_right_arithmetic3A_379 : vector<16xi32>
      %and3A_381 = arith.constant 8191 : i32
      %and3A_382 = vector.broadcast %and3A_381 : i32 to vector<16xi32>
      %and3A_383 = arith.andi %get3A_372, %and3A_382 : vector<16xi32>
      %add3A_384 = arith.addi %add3A_360, %and3A_383 : vector<16xi32>
      %shift_right_arithmetic3A_385 = arith.constant 13 : i32
      %shift_right_arithmetic3A_386 = vector.broadcast %shift_right_arithmetic3A_385 : i32 to vector<16xi32>
      %shift_right_arithmetic3A_387 = arith.shrsi %get3A_372, %shift_right_arithmetic3A_386 : vector<16xi32>
      %add3A_388 = arith.addi %add3A_364, %shift_right_arithmetic3A_387 : vector<16xi32>
      %add3A_389 = arith.constant 26112 : i32
      %add3A_390 = arith.addi %add3A_389, %mul3A_250 : i32
      %get3A_391 = arith.index_cast %add3A_390 : i32 to index
      %get3A_392 = tpu.vector_load %arg6[%get3A_391] {strides = array<i32>} : memref<34816xi32, #tpu.memory_space<vmem>>, vector<16xi32>,
      %add3A_393 = arith.constant 28288 : i32
      %add3A_394 = arith.addi %add3A_393, %mul3A_250 : i32
      %get3A_395 = arith.index_cast %add3A_394 : i32 to index
      %get3A_396 = tpu.vector_load %arg6[%get3A_395] {strides = array<i32>} : memref<34816xi32, #tpu.memory_space<vmem>>, vector<16xi32>,
      %and3A_397 = arith.constant 8191 : i32
      %and3A_398 = vector.broadcast %and3A_397 : i32 to vector<16xi32>
      %and3A_399 = arith.andi %get3A_392, %and3A_398 : vector<16xi32>
      %add3A_400 = arith.addi %add3A_376, %and3A_399 : vector<16xi32>
      %shift_right_arithmetic3A_401 = arith.constant 13 : i32
      %shift_right_arithmetic3A_402 = vector.broadcast %shift_right_arithmetic3A_401 : i32 to vector<16xi32>
      %shift_right_arithmetic3A_403 = arith.shrsi %get3A_392, %shift_right_arithmetic3A_402 : vector<16xi32>
      %add3A_404 = arith.addi %add3A_380, %shift_right_arithmetic3A_403 : vector<16xi32>
      %and3A_405 = arith.constant 8191 : i32
      %and3A_406 = vector.broadcast %and3A_405 : i32 to vector<16xi32>
      %and3A_407 = arith.andi %get3A_396, %and3A_406 : vector<16xi32>
      %add3A_408 = arith.addi %add3A_384, %and3A_407 : vector<16xi32>
      %shift_right_arithmetic3A_409 = arith.constant 13 : i32
      %shift_right_arithmetic3A_410 = vector.broadcast %shift_right_arithmetic3A_409 : i32 to vector<16xi32>
      %shift_right_arithmetic3A_411 = arith.shrsi %get3A_396, %shift_right_arithmetic3A_410 : vector<16xi32>
      %add3A_412 = arith.addi %add3A_388, %shift_right_arithmetic3A_411 : vector<16xi32>
      %add3A_413 = arith.constant 30464 : i32
      %add3A_414 = arith.addi %add3A_413, %mul3A_250 : i32
      %get3A_415 = arith.index_cast %add3A_414 : i32 to index
      %get3A_416 = tpu.vector_load %arg6[%get3A_415] {strides = array<i32>} : memref<34816xi32, #tpu.memory_space<vmem>>, vector<16xi32>,
      %add3A_417 = arith.constant 32640 : i32
      %add3A_418 = arith.addi %add3A_417, %mul3A_250 : i32
      %get3A_419 = arith.index_cast %add3A_418 : i32 to index
      %get3A_420 = tpu.vector_load %arg6[%get3A_419] {strides = array<i32>} : memref<34816xi32, #tpu.memory_space<vmem>>, vector<16xi32>,
      %and3A_421 = arith.constant 8191 : i32
      %and3A_422 = vector.broadcast %and3A_421 : i32 to vector<16xi32>
      %and3A_423 = arith.andi %get3A_416, %and3A_422 : vector<16xi32>
      %add3A_424 = arith.addi %add3A_400, %and3A_423 : vector<16xi32>
      %shift_right_arithmetic3A_425 = arith.constant 13 : i32
      %shift_right_arithmetic3A_426 = vector.broadcast %shift_right_arithmetic3A_425 : i32 to vector<16xi32>
      %shift_right_arithmetic3A_427 = arith.shrsi %get3A_416, %shift_right_arithmetic3A_426 : vector<16xi32>
      %add3A_428 = arith.addi %add3A_404, %shift_right_arithmetic3A_427 : vector<16xi32>
      %and3A_429 = arith.constant 8191 : i32
      %and3A_430 = vector.broadcast %and3A_429 : i32 to vector<16xi32>
      %and3A_431 = arith.andi %get3A_420, %and3A_430 : vector<16xi32>
      %add3A_432 = arith.addi %add3A_408, %and3A_431 : vector<16xi32>
      %shift_right_arithmetic3A_433 = arith.constant 13 : i32
      %shift_right_arithmetic3A_434 = vector.broadcast %shift_right_arithmetic3A_433 : i32 to vector<16xi32>
      %shift_right_arithmetic3A_435 = arith.shrsi %get3A_420, %shift_right_arithmetic3A_434 : vector<16xi32>
      %add3A_436 = arith.addi %add3A_412, %shift_right_arithmetic3A_435 : vector<16xi32>
      %add3A_437 = arith.addi %add3A_424, %add3A_432 : vector<16xi32>
      %swap3A_438 = arith.index_cast %mul3A_250 : i32 to index
      %swap3A_439 = tpu.vector_load %arg7[%swap3A_438] {strides = array<i32>} : memref<2176xi32, #tpu.memory_space<vmem>>, vector<16xi32>,
      tpu.vector_store %arg7[%swap3A_438], %add3A_437 {strides = array<i32>} : memref<2176xi32, #tpu.memory_space<vmem>>, vector<16xi32>,
      %add3A_440 = arith.addi %add3A_428, %add3A_436 : vector<16xi32>
      %swap3A_441 = arith.index_cast %mul3A_250 : i32 to index
      %swap3A_442 = tpu.vector_load %arg8[%swap3A_441] {strides = array<i32>} : memref<2176xi32, #tpu.memory_space<vmem>>, vector<16xi32>,
      tpu.vector_store %arg8[%swap3A_441], %add3A_440 {strides = array<i32>} : memref<2176xi32, #tpu.memory_space<vmem>>, vector<16xi32>,
    }
    %scan3A_49 = arith.constant 68 : i32
    "tpu.region"() ({
      %run_scoped3A = tpu.sem_alloc : memref<!tpu.dma_semaphore, #tpu.memory_space<semaphore_mem>>
      %dma_start3A_50 = arith.constant 0 : i32
      %dma_start3A_51 = tpu.memref_slice %arg3[%add3A, %dma_start3A_50] : memref<32x2176xi32, #tpu.memory_space<hbm>> -> memref<1x2176xi32, #tpu.memory_space<hbm>>
      %dma_start3A_52 = tpu.memref_squeeze %dma_start3A_51 : memref<1x2176xi32, #tpu.memory_space<hbm>> -> memref<2176xi32, #tpu.memory_space<hbm>>
      %dma_start3A_53 = arith.constant 0 : i32
      %dma_start3A_54 = tpu.memref_slice %arg3[%add3A, %dma_start3A_53] : memref<32x2176xi32, #tpu.memory_space<hbm>> -> memref<1x2176xi32, #tpu.memory_space<hbm>>
      %dma_start3A_55 = tpu.memref_squeeze %dma_start3A_54 : memref<1x2176xi32, #tpu.memory_space<hbm>> -> memref<2176xi32, #tpu.memory_space<hbm>>
      tpu.enqueue_dma source(%arg7 : memref<2176xi32, #tpu.memory_space<vmem>>) target(%dma_start3A_55 : memref<2176xi32, #tpu.memory_space<hbm>>) target_semaphore(%run_scoped3A : memref<!tpu.dma_semaphore, #tpu.memory_space<semaphore_mem>>)
      %dma_wait3A_56 = arith.constant 0 : i32
      %dma_wait3A_57 = tpu.memref_slice %arg3[%add3A, %dma_wait3A_56] : memref<32x2176xi32, #tpu.memory_space<hbm>> -> memref<1x2176xi32, #tpu.memory_space<hbm>>
      %dma_wait3A_58 = tpu.memref_squeeze %dma_wait3A_57 : memref<1x2176xi32, #tpu.memory_space<hbm>> -> memref<2176xi32, #tpu.memory_space<hbm>>
      %dma_wait3A_59 = arith.constant 0 : i32
      %dma_wait3A_60 = tpu.memref_slice %arg3[%add3A, %dma_wait3A_59] : memref<32x2176xi32, #tpu.memory_space<hbm>> -> memref<1x2176xi32, #tpu.memory_space<hbm>>
      %dma_wait3A_61 = tpu.memref_squeeze %dma_wait3A_60 : memref<1x2176xi32, #tpu.memory_space<hbm>> -> memref<2176xi32, #tpu.memory_space<hbm>>
      tpu.wait_dma2 semaphore(%run_scoped3A : memref<!tpu.dma_semaphore, #tpu.memory_space<semaphore_mem>>) src(%arg7 : memref<2176xi32, #tpu.memory_space<vmem>>) dst(%dma_wait3A_61 : memref<2176xi32, #tpu.memory_space<hbm>>)
      tpu.yield
    }) : () -> ()
    "tpu.region"() ({
      %run_scoped3A = tpu.sem_alloc : memref<!tpu.dma_semaphore, #tpu.memory_space<semaphore_mem>>
      %dma_start3A_50 = arith.constant 0 : i32
      %dma_start3A_51 = tpu.memref_slice %arg4[%add3A, %dma_start3A_50] : memref<32x2176xi32, #tpu.memory_space<hbm>> -> memref<1x2176xi32, #tpu.memory_space<hbm>>
      %dma_start3A_52 = tpu.memref_squeeze %dma_start3A_51 : memref<1x2176xi32, #tpu.memory_space<hbm>> -> memref<2176xi32, #tpu.memory_space<hbm>>
      %dma_start3A_53 = arith.constant 0 : i32
      %dma_start3A_54 = tpu.memref_slice %arg4[%add3A, %dma_start3A_53] : memref<32x2176xi32, #tpu.memory_space<hbm>> -> memref<1x2176xi32, #tpu.memory_space<hbm>>
      %dma_start3A_55 = tpu.memref_squeeze %dma_start3A_54 : memref<1x2176xi32, #tpu.memory_space<hbm>> -> memref<2176xi32, #tpu.memory_space<hbm>>
      tpu.enqueue_dma source(%arg8 : memref<2176xi32, #tpu.memory_space<vmem>>) target(%dma_start3A_55 : memref<2176xi32, #tpu.memory_space<hbm>>) target_semaphore(%run_scoped3A : memref<!tpu.dma_semaphore, #tpu.memory_space<semaphore_mem>>)
      %dma_wait3A_56 = arith.constant 0 : i32
      %dma_wait3A_57 = tpu.memref_slice %arg4[%add3A, %dma_wait3A_56] : memref<32x2176xi32, #tpu.memory_space<hbm>> -> memref<1x2176xi32, #tpu.memory_space<hbm>>
      %dma_wait3A_58 = tpu.memref_squeeze %dma_wait3A_57 : memref<1x2176xi32, #tpu.memory_space<hbm>> -> memref<2176xi32, #tpu.memory_space<hbm>>
      %dma_wait3A_59 = arith.constant 0 : i32
      %dma_wait3A_60 = tpu.memref_slice %arg4[%add3A, %dma_wait3A_59] : memref<32x2176xi32, #tpu.memory_space<hbm>> -> memref<1x2176xi32, #tpu.memory_space<hbm>>
      %dma_wait3A_61 = tpu.memref_squeeze %dma_wait3A_60 : memref<1x2176xi32, #tpu.memory_space<hbm>> -> memref<2176xi32, #tpu.memory_space<hbm>>
      tpu.wait_dma2 semaphore(%run_scoped3A : memref<!tpu.dma_semaphore, #tpu.memory_space<semaphore_mem>>) src(%arg8 : memref<2176xi32, #tpu.memory_space<vmem>>) dst(%dma_wait3A_61 : memref<2176xi32, #tpu.memory_space<hbm>>)
      tpu.yield
    }) : () -> ()
    return
  }
}

#map = affine_map<(d0, d1) -> (0)>
#map1 = affine_map<(d0, d1) -> (0, 0)>
module attributes {stable_mosaic.version = 14 : i64} {
  func.func @_sc_body(%arg0: i32, %arg1: i32, %arg2: memref<524288xi32, #tpu.memory_space<hbm>>, %arg3: memref<32x2176xi32, #tpu.memory_space<hbm>>, %arg4: memref<32x2176xi32, #tpu.memory_space<hbm>>, %arg5: memref<2x8192xi32, #tpu.memory_space<vmem>>, %arg6: memref<34816xi32, #tpu.memory_space<vmem>>, %arg7: memref<2176xi32, #tpu.memory_space<vmem>>, %arg8: memref<2176xi32, #tpu.memory_space<vmem>>, %arg9: memref<2x!tpu.dma_semaphore, #tpu.memory_space<semaphore_mem>>) attributes {dimension_semantics = [#tpu.dimension_semantics<core_parallel>, #tpu.dimension_semantics<subcore_parallel>], iteration_bounds = array<i64: 2, 16>, scalar_prefetch = 0 : i64, scratch_operands = 5 : i64, tpu.core_type = #tpu.core_type<sc_vector_subcore>, window_params = [{transform_indices = #map}, {transform_indices = #map1}, {transform_indices = #map1}]} {
    %mul3A = arith.constant 16 : i32
    %mul3A_0 = arith.muli %arg0, %mul3A : i32
    %add3A = arith.addi %mul3A_0, %arg1 : i32
    %mul3A_1 = arith.constant 16384 : i32
    %mul3A_2 = arith.muli %add3A, %mul3A_1 : i32
    %iota3A = tpu.iota {dimensions = array<i32: 0>} : vector<16xi32>
    %mul3A_3 = arith.constant 2176 : i32
    %mul3A_4 = vector.broadcast %mul3A_3 : i32 to vector<16xi32>
    %mul3A_5 = arith.muli %iota3A, %mul3A_4 : vector<16xi32>
    %broadcast_in_dim3A = arith.constant 0 : i32
    %broadcast_in_dim3A_6 = vector.broadcast %broadcast_in_dim3A : i32 to vector<16xi32>
    %scan3A = arith.constant 0 : i32
    %scan3A_7 = arith.constant 0 : i32
    %scan3A_8 = arith.constant 272 : i32
    %scan3A_9 = arith.addi %scan3A_7, %scan3A_8 : i32
    %scan3A_10 = arith.constant 1 : i32
    scf.for %scan3A_50 = %scan3A_7 to %scan3A_9 step %scan3A_10  : i32 {
      %mul3A_51 = arith.constant 8 : i32
      %mul3A_52 = arith.muli %scan3A_50, %mul3A_51 : i32
      %add3A_53 = arith.constant 0 : i32
      %add3A_54 = arith.addi %mul3A_52, %add3A_53 : i32
      %mul3A_55 = arith.constant 16 : i32
      %mul3A_56 = arith.muli %add3A_54, %mul3A_55 : i32
      %swap3A = arith.index_cast %mul3A_56 : i32 to index
      %swap3A_57 = tpu.vector_load %arg6[%swap3A] {strides = array<i32>} : memref<34816xi32, #tpu.memory_space<vmem>>, vector<16xi32>,
      tpu.vector_store %arg6[%swap3A], %broadcast_in_dim3A_6 {strides = array<i32>} : memref<34816xi32, #tpu.memory_space<vmem>>, vector<16xi32>,
      %mul3A_58 = arith.constant 8 : i32
      %mul3A_59 = arith.muli %scan3A_50, %mul3A_58 : i32
      %add3A_60 = arith.constant 1 : i32
      %add3A_61 = arith.addi %mul3A_59, %add3A_60 : i32
      %mul3A_62 = arith.constant 16 : i32
      %mul3A_63 = arith.muli %add3A_61, %mul3A_62 : i32
      %swap3A_64 = arith.index_cast %mul3A_63 : i32 to index
      %swap3A_65 = tpu.vector_load %arg6[%swap3A_64] {strides = array<i32>} : memref<34816xi32, #tpu.memory_space<vmem>>, vector<16xi32>,
      tpu.vector_store %arg6[%swap3A_64], %broadcast_in_dim3A_6 {strides = array<i32>} : memref<34816xi32, #tpu.memory_space<vmem>>, vector<16xi32>,
      %mul3A_66 = arith.constant 8 : i32
      %mul3A_67 = arith.muli %scan3A_50, %mul3A_66 : i32
      %add3A_68 = arith.constant 2 : i32
      %add3A_69 = arith.addi %mul3A_67, %add3A_68 : i32
      %mul3A_70 = arith.constant 16 : i32
      %mul3A_71 = arith.muli %add3A_69, %mul3A_70 : i32
      %swap3A_72 = arith.index_cast %mul3A_71 : i32 to index
      %swap3A_73 = tpu.vector_load %arg6[%swap3A_72] {strides = array<i32>} : memref<34816xi32, #tpu.memory_space<vmem>>, vector<16xi32>,
      tpu.vector_store %arg6[%swap3A_72], %broadcast_in_dim3A_6 {strides = array<i32>} : memref<34816xi32, #tpu.memory_space<vmem>>, vector<16xi32>,
      %mul3A_74 = arith.constant 8 : i32
      %mul3A_75 = arith.muli %scan3A_50, %mul3A_74 : i32
      %add3A_76 = arith.constant 3 : i32
      %add3A_77 = arith.addi %mul3A_75, %add3A_76 : i32
      %mul3A_78 = arith.constant 16 : i32
      %mul3A_79 = arith.muli %add3A_77, %mul3A_78 : i32
      %swap3A_80 = arith.index_cast %mul3A_79 : i32 to index
      %swap3A_81 = tpu.vector_load %arg6[%swap3A_80] {strides = array<i32>} : memref<34816xi32, #tpu.memory_space<vmem>>, vector<16xi32>,
      tpu.vector_store %arg6[%swap3A_80], %broadcast_in_dim3A_6 {strides = array<i32>} : memref<34816xi32, #tpu.memory_space<vmem>>, vector<16xi32>,
      %mul3A_82 = arith.constant 8 : i32
      %mul3A_83 = arith.muli %scan3A_50, %mul3A_82 : i32
      %add3A_84 = arith.constant 4 : i32
      %add3A_85 = arith.addi %mul3A_83, %add3A_84 : i32
      %mul3A_86 = arith.constant 16 : i32
      %mul3A_87 = arith.muli %add3A_85, %mul3A_86 : i32
      %swap3A_88 = arith.index_cast %mul3A_87 : i32 to index
      %swap3A_89 = tpu.vector_load %arg6[%swap3A_88] {strides = array<i32>} : memref<34816xi32, #tpu.memory_space<vmem>>, vector<16xi32>,
      tpu.vector_store %arg6[%swap3A_88], %broadcast_in_dim3A_6 {strides = array<i32>} : memref<34816xi32, #tpu.memory_space<vmem>>, vector<16xi32>,
      %mul3A_90 = arith.constant 8 : i32
      %mul3A_91 = arith.muli %scan3A_50, %mul3A_90 : i32
      %add3A_92 = arith.constant 5 : i32
      %add3A_93 = arith.addi %mul3A_91, %add3A_92 : i32
      %mul3A_94 = arith.constant 16 : i32
      %mul3A_95 = arith.muli %add3A_93, %mul3A_94 : i32
      %swap3A_96 = arith.index_cast %mul3A_95 : i32 to index
      %swap3A_97 = tpu.vector_load %arg6[%swap3A_96] {strides = array<i32>} : memref<34816xi32, #tpu.memory_space<vmem>>, vector<16xi32>,
      tpu.vector_store %arg6[%swap3A_96], %broadcast_in_dim3A_6 {strides = array<i32>} : memref<34816xi32, #tpu.memory_space<vmem>>, vector<16xi32>,
      %mul3A_98 = arith.constant 8 : i32
      %mul3A_99 = arith.muli %scan3A_50, %mul3A_98 : i32
      %add3A_100 = arith.constant 6 : i32
      %add3A_101 = arith.addi %mul3A_99, %add3A_100 : i32
      %mul3A_102 = arith.constant 16 : i32
      %mul3A_103 = arith.muli %add3A_101, %mul3A_102 : i32
      %swap3A_104 = arith.index_cast %mul3A_103 : i32 to index
      %swap3A_105 = tpu.vector_load %arg6[%swap3A_104] {strides = array<i32>} : memref<34816xi32, #tpu.memory_space<vmem>>, vector<16xi32>,
      tpu.vector_store %arg6[%swap3A_104], %broadcast_in_dim3A_6 {strides = array<i32>} : memref<34816xi32, #tpu.memory_space<vmem>>, vector<16xi32>,
      %mul3A_106 = arith.constant 8 : i32
      %mul3A_107 = arith.muli %scan3A_50, %mul3A_106 : i32
      %add3A_108 = arith.constant 7 : i32
      %add3A_109 = arith.addi %mul3A_107, %add3A_108 : i32
      %mul3A_110 = arith.constant 16 : i32
      %mul3A_111 = arith.muli %add3A_109, %mul3A_110 : i32
      %swap3A_112 = arith.index_cast %mul3A_111 : i32 to index
      %swap3A_113 = tpu.vector_load %arg6[%swap3A_112] {strides = array<i32>} : memref<34816xi32, #tpu.memory_space<vmem>>, vector<16xi32>,
      tpu.vector_store %arg6[%swap3A_112], %broadcast_in_dim3A_6 {strides = array<i32>} : memref<34816xi32, #tpu.memory_space<vmem>>, vector<16xi32>,
    }
    %scan3A_11 = arith.constant 272 : i32
    %add3A_12 = arith.constant 0 : i32
    %add3A_13 = arith.addi %mul3A_2, %add3A_12 : i32
    %dma_start3A = arith.constant 0 : i32
    %dma_start3A_14 = arith.constant 0 : i32
    %dma_start3A_15 = arith.constant 0 : i32
    %dma_start3A_16 = tpu.memref_slice %arg5[%dma_start3A, %dma_start3A_15] : memref<2x8192xi32, #tpu.memory_space<vmem>> -> memref<1x8192xi32, #tpu.memory_space<vmem>>
    %dma_start3A_17 = tpu.memref_squeeze %dma_start3A_16 : memref<1x8192xi32, #tpu.memory_space<vmem>> -> memref<8192xi32, #tpu.memory_space<vmem>>
    %dma_start3A_18 = tpu.memref_slice %arg2[%add3A_13] : memref<524288xi32, #tpu.memory_space<hbm>> -> memref<8192xi32, #tpu.memory_space<hbm>>
    %dma_start3A_19 = tpu.memref_slice %arg9[%dma_start3A_14] : memref<2x!tpu.dma_semaphore, #tpu.memory_space<semaphore_mem>> -> memref<1x!tpu.dma_semaphore, #tpu.memory_space<semaphore_mem>>
    %dma_start3A_20 = tpu.memref_squeeze %dma_start3A_19 : memref<1x!tpu.dma_semaphore, #tpu.memory_space<semaphore_mem>> -> memref<!tpu.dma_semaphore, #tpu.memory_space<semaphore_mem>>
    %dma_start3A_21 = arith.constant 0 : i32
    %dma_start3A_22 = tpu.memref_slice %arg5[%dma_start3A, %dma_start3A_21] : memref<2x8192xi32, #tpu.memory_space<vmem>> -> memref<1x8192xi32, #tpu.memory_space<vmem>>
    %dma_start3A_23 = tpu.memref_squeeze %dma_start3A_22 : memref<1x8192xi32, #tpu.memory_space<vmem>> -> memref<8192xi32, #tpu.memory_space<vmem>>
    %dma_start3A_24 = tpu.memref_slice %arg2[%add3A_13] : memref<524288xi32, #tpu.memory_space<hbm>> -> memref<8192xi32, #tpu.memory_space<hbm>>
    tpu.enqueue_dma source(%dma_start3A_24 : memref<8192xi32, #tpu.memory_space<hbm>>) target(%dma_start3A_23 : memref<8192xi32, #tpu.memory_space<vmem>>) target_semaphore(%dma_start3A_20 : memref<!tpu.dma_semaphore, #tpu.memory_space<semaphore_mem>>)
    %scan3A_25 = arith.constant 0 : i32
    %scan3A_26 = arith.constant 0 : i32
    %scan3A_27 = arith.constant 2 : i32
    %scan3A_28 = arith.addi %scan3A_26, %scan3A_27 : i32
    %scan3A_29 = arith.constant 1 : i32
    scf.for %scan3A_50 = %scan3A_26 to %scan3A_28 step %scan3A_29  : i32 {
      %rem3A = arith.constant 2 : i32
      %rem3A_51 = arith.remsi %scan3A_50, %rem3A : i32
      %add3A_52 = arith.constant 1 : i32
      %add3A_53 = arith.addi %scan3A_50, %add3A_52 : i32
      %rem3A_54 = arith.constant 2 : i32
      %rem3A_55 = arith.remsi %add3A_53, %rem3A_54 : i32
      %add3A_56 = arith.constant 1 : i32
      %add3A_57 = arith.addi %scan3A_50, %add3A_56 : i32
      %rem3A_58 = arith.constant 2 : i32
      %rem3A_59 = arith.remsi %add3A_57, %rem3A_58 : i32
      %mul3A_60 = arith.constant 8192 : i32
      %mul3A_61 = arith.muli %rem3A_55, %mul3A_60 : i32
      %add3A_62 = arith.addi %mul3A_2, %mul3A_61 : i32
      %dma_start3A_63 = arith.constant 0 : i32
      %dma_start3A_64 = tpu.memref_slice %arg5[%rem3A_59, %dma_start3A_63] : memref<2x8192xi32, #tpu.memory_space<vmem>> -> memref<1x8192xi32, #tpu.memory_space<vmem>>
      %dma_start3A_65 = tpu.memref_squeeze %dma_start3A_64 : memref<1x8192xi32, #tpu.memory_space<vmem>> -> memref<8192xi32, #tpu.memory_space<vmem>>
      %dma_start3A_66 = tpu.memref_slice %arg2[%add3A_62] : memref<524288xi32, #tpu.memory_space<hbm>> -> memref<8192xi32, #tpu.memory_space<hbm>>
      %dma_start3A_67 = tpu.memref_slice %arg9[%rem3A_59] : memref<2x!tpu.dma_semaphore, #tpu.memory_space<semaphore_mem>> -> memref<1x!tpu.dma_semaphore, #tpu.memory_space<semaphore_mem>>
      %dma_start3A_68 = tpu.memref_squeeze %dma_start3A_67 : memref<1x!tpu.dma_semaphore, #tpu.memory_space<semaphore_mem>> -> memref<!tpu.dma_semaphore, #tpu.memory_space<semaphore_mem>>
      %dma_start3A_69 = arith.constant 0 : i32
      %dma_start3A_70 = tpu.memref_slice %arg5[%rem3A_59, %dma_start3A_69] : memref<2x8192xi32, #tpu.memory_space<vmem>> -> memref<1x8192xi32, #tpu.memory_space<vmem>>
      %dma_start3A_71 = tpu.memref_squeeze %dma_start3A_70 : memref<1x8192xi32, #tpu.memory_space<vmem>> -> memref<8192xi32, #tpu.memory_space<vmem>>
      %dma_start3A_72 = tpu.memref_slice %arg2[%add3A_62] : memref<524288xi32, #tpu.memory_space<hbm>> -> memref<8192xi32, #tpu.memory_space<hbm>>
      tpu.enqueue_dma source(%dma_start3A_72 : memref<8192xi32, #tpu.memory_space<hbm>>) target(%dma_start3A_71 : memref<8192xi32, #tpu.memory_space<vmem>>) target_semaphore(%dma_start3A_68 : memref<!tpu.dma_semaphore, #tpu.memory_space<semaphore_mem>>)
      %dma_wait3A_73 = arith.constant 0 : i32
      %dma_wait3A_74 = tpu.memref_slice %arg5[%rem3A_51, %dma_wait3A_73] : memref<2x8192xi32, #tpu.memory_space<vmem>> -> memref<1x8192xi32, #tpu.memory_space<vmem>>
      %dma_wait3A_75 = tpu.memref_squeeze %dma_wait3A_74 : memref<1x8192xi32, #tpu.memory_space<vmem>> -> memref<8192xi32, #tpu.memory_space<vmem>>
      %dma_wait3A_76 = arith.constant 0 : i32
      %dma_wait3A_77 = tpu.memref_slice %arg2[%dma_wait3A_76] : memref<524288xi32, #tpu.memory_space<hbm>> -> memref<8192xi32, #tpu.memory_space<hbm>>
      %dma_wait3A_78 = tpu.memref_slice %arg9[%rem3A_51] : memref<2x!tpu.dma_semaphore, #tpu.memory_space<semaphore_mem>> -> memref<1x!tpu.dma_semaphore, #tpu.memory_space<semaphore_mem>>
      %dma_wait3A_79 = tpu.memref_squeeze %dma_wait3A_78 : memref<1x!tpu.dma_semaphore, #tpu.memory_space<semaphore_mem>> -> memref<!tpu.dma_semaphore, #tpu.memory_space<semaphore_mem>>
      %dma_wait3A_80 = arith.constant 0 : i32
      %dma_wait3A_81 = tpu.memref_slice %arg5[%rem3A_51, %dma_wait3A_80] : memref<2x8192xi32, #tpu.memory_space<vmem>> -> memref<1x8192xi32, #tpu.memory_space<vmem>>
      %dma_wait3A_82 = tpu.memref_squeeze %dma_wait3A_81 : memref<1x8192xi32, #tpu.memory_space<vmem>> -> memref<8192xi32, #tpu.memory_space<vmem>>
      %dma_wait3A_83 = arith.constant 0 : i32
      %dma_wait3A_84 = tpu.memref_slice %arg2[%dma_wait3A_83] : memref<524288xi32, #tpu.memory_space<hbm>> -> memref<8192xi32, #tpu.memory_space<hbm>>
      tpu.wait_dma2 semaphore(%dma_wait3A_79 : memref<!tpu.dma_semaphore, #tpu.memory_space<semaphore_mem>>) src(%dma_wait3A_84 : memref<8192xi32, #tpu.memory_space<hbm>>) dst(%dma_wait3A_82 : memref<8192xi32, #tpu.memory_space<vmem>>)
      %scan3A_85 = arith.constant 0 : i32
      %scan3A_86 = arith.constant 64 : i32
      %scan3A_87 = arith.addi %scan3A_85, %scan3A_86 : i32
      %scan3A_88 = arith.constant 1 : i32
      scf.for %scan3A_90 = %scan3A_85 to %scan3A_87 step %scan3A_88  : i32 {
        %mul3A_91 = arith.constant 128 : i32
        %mul3A_92 = arith.muli %scan3A_90, %mul3A_91 : i32
        %add3A_93 = arith.constant 0 : i32
        %add3A_94 = arith.addi %mul3A_92, %add3A_93 : i32
        %mul3A_95 = arith.constant 128 : i32
        %mul3A_96 = arith.muli %scan3A_90, %mul3A_95 : i32
        %add3A_97 = arith.constant 16 : i32
        %add3A_98 = arith.addi %mul3A_96, %add3A_97 : i32
        %mul3A_99 = arith.constant 128 : i32
        %mul3A_100 = arith.muli %scan3A_90, %mul3A_99 : i32
        %add3A_101 = arith.constant 32 : i32
        %add3A_102 = arith.addi %mul3A_100, %add3A_101 : i32
        %mul3A_103 = arith.constant 128 : i32
        %mul3A_104 = arith.muli %scan3A_90, %mul3A_103 : i32
        %add3A_105 = arith.constant 48 : i32
        %add3A_106 = arith.addi %mul3A_104, %add3A_105 : i32
        %mul3A_107 = arith.constant 128 : i32
        %mul3A_108 = arith.muli %scan3A_90, %mul3A_107 : i32
        %add3A_109 = arith.constant 64 : i32
        %add3A_110 = arith.addi %mul3A_108, %add3A_109 : i32
        %mul3A_111 = arith.constant 128 : i32
        %mul3A_112 = arith.muli %scan3A_90, %mul3A_111 : i32
        %add3A_113 = arith.constant 80 : i32
        %add3A_114 = arith.addi %mul3A_112, %add3A_113 : i32
        %mul3A_115 = arith.constant 128 : i32
        %mul3A_116 = arith.muli %scan3A_90, %mul3A_115 : i32
        %add3A_117 = arith.constant 96 : i32
        %add3A_118 = arith.addi %mul3A_116, %add3A_117 : i32
        %mul3A_119 = arith.constant 128 : i32
        %mul3A_120 = arith.muli %scan3A_90, %mul3A_119 : i32
        %add3A_121 = arith.constant 112 : i32
        %add3A_122 = arith.addi %mul3A_120, %add3A_121 : i32
        %get3A = arith.index_cast %rem3A_51 : i32 to index
        %get3A_123 = arith.index_cast %add3A_94 : i32 to index
        %get3A_124 = tpu.vector_load %arg5[%get3A, %get3A_123] {strides = array<i32>} : memref<2x8192xi32, #tpu.memory_space<vmem>>, vector<16xi32>,
        %get3A_125 = arith.index_cast %rem3A_51 : i32 to index
        %get3A_126 = arith.index_cast %add3A_98 : i32 to index
        %get3A_127 = tpu.vector_load %arg5[%get3A_125, %get3A_126] {strides = array<i32>} : memref<2x8192xi32, #tpu.memory_space<vmem>>, vector<16xi32>,
        %get3A_128 = arith.index_cast %rem3A_51 : i32 to index
        %get3A_129 = arith.index_cast %add3A_102 : i32 to index
        %get3A_130 = tpu.vector_load %arg5[%get3A_128, %get3A_129] {strides = array<i32>} : memref<2x8192xi32, #tpu.memory_space<vmem>>, vector<16xi32>,
        %get3A_131 = arith.index_cast %rem3A_51 : i32 to index
        %get3A_132 = arith.index_cast %add3A_106 : i32 to index
        %get3A_133 = tpu.vector_load %arg5[%get3A_131, %get3A_132] {strides = array<i32>} : memref<2x8192xi32, #tpu.memory_space<vmem>>, vector<16xi32>,
        %get3A_134 = arith.index_cast %rem3A_51 : i32 to index
        %get3A_135 = arith.index_cast %add3A_110 : i32 to index
        %get3A_136 = tpu.vector_load %arg5[%get3A_134, %get3A_135] {strides = array<i32>} : memref<2x8192xi32, #tpu.memory_space<vmem>>, vector<16xi32>,
        %get3A_137 = arith.index_cast %rem3A_51 : i32 to index
        %get3A_138 = arith.index_cast %add3A_114 : i32 to index
        %get3A_139 = tpu.vector_load %arg5[%get3A_137, %get3A_138] {strides = array<i32>} : memref<2x8192xi32, #tpu.memory_space<vmem>>, vector<16xi32>,
        %get3A_140 = arith.index_cast %rem3A_51 : i32 to index
        %get3A_141 = arith.index_cast %add3A_118 : i32 to index
        %get3A_142 = tpu.vector_load %arg5[%get3A_140, %get3A_141] {strides = array<i32>} : memref<2x8192xi32, #tpu.memory_space<vmem>>, vector<16xi32>,
        %get3A_143 = arith.index_cast %rem3A_51 : i32 to index
        %get3A_144 = arith.index_cast %add3A_122 : i32 to index
        %get3A_145 = tpu.vector_load %arg5[%get3A_143, %get3A_144] {strides = array<i32>} : memref<2x8192xi32, #tpu.memory_space<vmem>>, vector<16xi32>,
        %and3A = arith.constant 65535 : i32
        %and3A_146 = vector.broadcast %and3A : i32 to vector<16xi32>
        %and3A_147 = arith.andi %get3A_124, %and3A_146 : vector<16xi32>
        %shift_right_arithmetic3A = arith.constant 16 : i32
        %shift_right_arithmetic3A_148 = vector.broadcast %shift_right_arithmetic3A : i32 to vector<16xi32>
        %shift_right_arithmetic3A_149 = arith.shrsi %get3A_124, %shift_right_arithmetic3A_148 : vector<16xi32>
        %and3A_150 = arith.constant 65535 : i32
        %and3A_151 = vector.broadcast %and3A_150 : i32 to vector<16xi32>
        %and3A_152 = arith.andi %get3A_127, %and3A_151 : vector<16xi32>
        %shift_right_arithmetic3A_153 = arith.constant 16 : i32
        %shift_right_arithmetic3A_154 = vector.broadcast %shift_right_arithmetic3A_153 : i32 to vector<16xi32>
        %shift_right_arithmetic3A_155 = arith.shrsi %get3A_127, %shift_right_arithmetic3A_154 : vector<16xi32>
        %and3A_156 = arith.constant 65535 : i32
        %and3A_157 = vector.broadcast %and3A_156 : i32 to vector<16xi32>
        %and3A_158 = arith.andi %get3A_130, %and3A_157 : vector<16xi32>
        %shift_right_arithmetic3A_159 = arith.constant 16 : i32
        %shift_right_arithmetic3A_160 = vector.broadcast %shift_right_arithmetic3A_159 : i32 to vector<16xi32>
        %shift_right_arithmetic3A_161 = arith.shrsi %get3A_130, %shift_right_arithmetic3A_160 : vector<16xi32>
        %and3A_162 = arith.constant 65535 : i32
        %and3A_163 = vector.broadcast %and3A_162 : i32 to vector<16xi32>
        %and3A_164 = arith.andi %get3A_133, %and3A_163 : vector<16xi32>
        %shift_right_arithmetic3A_165 = arith.constant 16 : i32
        %shift_right_arithmetic3A_166 = vector.broadcast %shift_right_arithmetic3A_165 : i32 to vector<16xi32>
        %shift_right_arithmetic3A_167 = arith.shrsi %get3A_133, %shift_right_arithmetic3A_166 : vector<16xi32>
        %and3A_168 = arith.constant 65535 : i32
        %and3A_169 = vector.broadcast %and3A_168 : i32 to vector<16xi32>
        %and3A_170 = arith.andi %get3A_136, %and3A_169 : vector<16xi32>
        %shift_right_arithmetic3A_171 = arith.constant 16 : i32
        %shift_right_arithmetic3A_172 = vector.broadcast %shift_right_arithmetic3A_171 : i32 to vector<16xi32>
        %shift_right_arithmetic3A_173 = arith.shrsi %get3A_136, %shift_right_arithmetic3A_172 : vector<16xi32>
        %and3A_174 = arith.constant 65535 : i32
        %and3A_175 = vector.broadcast %and3A_174 : i32 to vector<16xi32>
        %and3A_176 = arith.andi %get3A_139, %and3A_175 : vector<16xi32>
        %shift_right_arithmetic3A_177 = arith.constant 16 : i32
        %shift_right_arithmetic3A_178 = vector.broadcast %shift_right_arithmetic3A_177 : i32 to vector<16xi32>
        %shift_right_arithmetic3A_179 = arith.shrsi %get3A_139, %shift_right_arithmetic3A_178 : vector<16xi32>
        %and3A_180 = arith.constant 65535 : i32
        %and3A_181 = vector.broadcast %and3A_180 : i32 to vector<16xi32>
        %and3A_182 = arith.andi %get3A_142, %and3A_181 : vector<16xi32>
        %shift_right_arithmetic3A_183 = arith.constant 16 : i32
        %shift_right_arithmetic3A_184 = vector.broadcast %shift_right_arithmetic3A_183 : i32 to vector<16xi32>
        %shift_right_arithmetic3A_185 = arith.shrsi %get3A_142, %shift_right_arithmetic3A_184 : vector<16xi32>
        %and3A_186 = arith.constant 65535 : i32
        %and3A_187 = vector.broadcast %and3A_186 : i32 to vector<16xi32>
        %and3A_188 = arith.andi %get3A_145, %and3A_187 : vector<16xi32>
        %shift_right_arithmetic3A_189 = arith.constant 16 : i32
        %shift_right_arithmetic3A_190 = vector.broadcast %shift_right_arithmetic3A_189 : i32 to vector<16xi32>
        %shift_right_arithmetic3A_191 = arith.shrsi %get3A_145, %shift_right_arithmetic3A_190 : vector<16xi32>
        %and3A_192 = arith.constant 1 : i32
        %and3A_193 = vector.broadcast %and3A_192 : i32 to vector<16xi32>
        %and3A_194 = arith.andi %and3A_147, %and3A_193 : vector<16xi32>
        %ne3A = arith.constant 0 : i32
        %ne3A_195 = vector.broadcast %ne3A : i32 to vector<16xi32>
        %ne3A_196 = arith.cmpi ne, %and3A_194, %ne3A_195 : vector<16xi32>
        %and3A_197 = arith.constant 1 : i32
        %and3A_198 = vector.broadcast %and3A_197 : i32 to vector<16xi32>
        %and3A_199 = arith.andi %shift_right_arithmetic3A_149, %and3A_198 : vector<16xi32>
        %ne3A_200 = arith.constant 0 : i32
        %ne3A_201 = vector.broadcast %ne3A_200 : i32 to vector<16xi32>
        %ne3A_202 = arith.cmpi ne, %and3A_199, %ne3A_201 : vector<16xi32>
        %and3A_203 = arith.constant 1 : i32
        %and3A_204 = vector.broadcast %and3A_203 : i32 to vector<16xi32>
        %and3A_205 = arith.andi %and3A_152, %and3A_204 : vector<16xi32>
        %ne3A_206 = arith.constant 0 : i32
        %ne3A_207 = vector.broadcast %ne3A_206 : i32 to vector<16xi32>
        %ne3A_208 = arith.cmpi ne, %and3A_205, %ne3A_207 : vector<16xi32>
        %and3A_209 = arith.constant 1 : i32
        %and3A_210 = vector.broadcast %and3A_209 : i32 to vector<16xi32>
        %and3A_211 = arith.andi %shift_right_arithmetic3A_155, %and3A_210 : vector<16xi32>
        %ne3A_212 = arith.constant 0 : i32
        %ne3A_213 = vector.broadcast %ne3A_212 : i32 to vector<16xi32>
        %ne3A_214 = arith.cmpi ne, %and3A_211, %ne3A_213 : vector<16xi32>
        %and3A_215 = arith.constant 1 : i32
        %and3A_216 = vector.broadcast %and3A_215 : i32 to vector<16xi32>
        %and3A_217 = arith.andi %and3A_158, %and3A_216 : vector<16xi32>
        %ne3A_218 = arith.constant 0 : i32
        %ne3A_219 = vector.broadcast %ne3A_218 : i32 to vector<16xi32>
        %ne3A_220 = arith.cmpi ne, %and3A_217, %ne3A_219 : vector<16xi32>
        %and3A_221 = arith.constant 1 : i32
        %and3A_222 = vector.broadcast %and3A_221 : i32 to vector<16xi32>
        %and3A_223 = arith.andi %shift_right_arithmetic3A_161, %and3A_222 : vector<16xi32>
        %ne3A_224 = arith.constant 0 : i32
        %ne3A_225 = vector.broadcast %ne3A_224 : i32 to vector<16xi32>
        %ne3A_226 = arith.cmpi ne, %and3A_223, %ne3A_225 : vector<16xi32>
        %and3A_227 = arith.constant 1 : i32
        %and3A_228 = vector.broadcast %and3A_227 : i32 to vector<16xi32>
        %and3A_229 = arith.andi %and3A_164, %and3A_228 : vector<16xi32>
        %ne3A_230 = arith.constant 0 : i32
        %ne3A_231 = vector.broadcast %ne3A_230 : i32 to vector<16xi32>
        %ne3A_232 = arith.cmpi ne, %and3A_229, %ne3A_231 : vector<16xi32>
        %and3A_233 = arith.constant 1 : i32
        %and3A_234 = vector.broadcast %and3A_233 : i32 to vector<16xi32>
        %and3A_235 = arith.andi %shift_right_arithmetic3A_167, %and3A_234 : vector<16xi32>
        %ne3A_236 = arith.constant 0 : i32
        %ne3A_237 = vector.broadcast %ne3A_236 : i32 to vector<16xi32>
        %ne3A_238 = arith.cmpi ne, %and3A_235, %ne3A_237 : vector<16xi32>
        %and3A_239 = arith.constant 1 : i32
        %and3A_240 = vector.broadcast %and3A_239 : i32 to vector<16xi32>
        %and3A_241 = arith.andi %and3A_170, %and3A_240 : vector<16xi32>
        %ne3A_242 = arith.constant 0 : i32
        %ne3A_243 = vector.broadcast %ne3A_242 : i32 to vector<16xi32>
        %ne3A_244 = arith.cmpi ne, %and3A_241, %ne3A_243 : vector<16xi32>
        %and3A_245 = arith.constant 1 : i32
        %and3A_246 = vector.broadcast %and3A_245 : i32 to vector<16xi32>
        %and3A_247 = arith.andi %shift_right_arithmetic3A_173, %and3A_246 : vector<16xi32>
        %ne3A_248 = arith.constant 0 : i32
        %ne3A_249 = vector.broadcast %ne3A_248 : i32 to vector<16xi32>
        %ne3A_250 = arith.cmpi ne, %and3A_247, %ne3A_249 : vector<16xi32>
        %and3A_251 = arith.constant 1 : i32
        %and3A_252 = vector.broadcast %and3A_251 : i32 to vector<16xi32>
        %and3A_253 = arith.andi %and3A_176, %and3A_252 : vector<16xi32>
        %ne3A_254 = arith.constant 0 : i32
        %ne3A_255 = vector.broadcast %ne3A_254 : i32 to vector<16xi32>
        %ne3A_256 = arith.cmpi ne, %and3A_253, %ne3A_255 : vector<16xi32>
        %and3A_257 = arith.constant 1 : i32
        %and3A_258 = vector.broadcast %and3A_257 : i32 to vector<16xi32>
        %and3A_259 = arith.andi %shift_right_arithmetic3A_179, %and3A_258 : vector<16xi32>
        %ne3A_260 = arith.constant 0 : i32
        %ne3A_261 = vector.broadcast %ne3A_260 : i32 to vector<16xi32>
        %ne3A_262 = arith.cmpi ne, %and3A_259, %ne3A_261 : vector<16xi32>
        %and3A_263 = arith.constant 1 : i32
        %and3A_264 = vector.broadcast %and3A_263 : i32 to vector<16xi32>
        %and3A_265 = arith.andi %and3A_182, %and3A_264 : vector<16xi32>
        %ne3A_266 = arith.constant 0 : i32
        %ne3A_267 = vector.broadcast %ne3A_266 : i32 to vector<16xi32>
        %ne3A_268 = arith.cmpi ne, %and3A_265, %ne3A_267 : vector<16xi32>
        %and3A_269 = arith.constant 1 : i32
        %and3A_270 = vector.broadcast %and3A_269 : i32 to vector<16xi32>
        %and3A_271 = arith.andi %shift_right_arithmetic3A_185, %and3A_270 : vector<16xi32>
        %ne3A_272 = arith.constant 0 : i32
        %ne3A_273 = vector.broadcast %ne3A_272 : i32 to vector<16xi32>
        %ne3A_274 = arith.cmpi ne, %and3A_271, %ne3A_273 : vector<16xi32>
        %and3A_275 = arith.constant 1 : i32
        %and3A_276 = vector.broadcast %and3A_275 : i32 to vector<16xi32>
        %and3A_277 = arith.andi %and3A_188, %and3A_276 : vector<16xi32>
        %ne3A_278 = arith.constant 0 : i32
        %ne3A_279 = vector.broadcast %ne3A_278 : i32 to vector<16xi32>
        %ne3A_280 = arith.cmpi ne, %and3A_277, %ne3A_279 : vector<16xi32>
        %and3A_281 = arith.constant 1 : i32
        %and3A_282 = vector.broadcast %and3A_281 : i32 to vector<16xi32>
        %and3A_283 = arith.andi %shift_right_arithmetic3A_191, %and3A_282 : vector<16xi32>
        %ne3A_284 = arith.constant 0 : i32
        %ne3A_285 = vector.broadcast %ne3A_284 : i32 to vector<16xi32>
        %ne3A_286 = arith.cmpi ne, %and3A_283, %ne3A_285 : vector<16xi32>
        %shift_right_arithmetic3A_287 = arith.constant 1 : i32
        %shift_right_arithmetic3A_288 = vector.broadcast %shift_right_arithmetic3A_287 : i32 to vector<16xi32>
        %shift_right_arithmetic3A_289 = arith.shrsi %and3A_147, %shift_right_arithmetic3A_288 : vector<16xi32>
        %add3A_290 = arith.addi %mul3A_5, %shift_right_arithmetic3A_289 : vector<16xi32>
        %shift_right_arithmetic3A_291 = arith.constant 1 : i32
        %shift_right_arithmetic3A_292 = vector.broadcast %shift_right_arithmetic3A_291 : i32 to vector<16xi32>
        %shift_right_arithmetic3A_293 = arith.shrsi %shift_right_arithmetic3A_149, %shift_right_arithmetic3A_292 : vector<16xi32>
        %add3A_294 = arith.addi %mul3A_5, %shift_right_arithmetic3A_293 : vector<16xi32>
        %shift_right_arithmetic3A_295 = arith.constant 1 : i32
        %shift_right_arithmetic3A_296 = vector.broadcast %shift_right_arithmetic3A_295 : i32 to vector<16xi32>
        %shift_right_arithmetic3A_297 = arith.shrsi %and3A_152, %shift_right_arithmetic3A_296 : vector<16xi32>
        %add3A_298 = arith.addi %mul3A_5, %shift_right_arithmetic3A_297 : vector<16xi32>
        %shift_right_arithmetic3A_299 = arith.constant 1 : i32
        %shift_right_arithmetic3A_300 = vector.broadcast %shift_right_arithmetic3A_299 : i32 to vector<16xi32>
        %shift_right_arithmetic3A_301 = arith.shrsi %shift_right_arithmetic3A_155, %shift_right_arithmetic3A_300 : vector<16xi32>
        %add3A_302 = arith.addi %mul3A_5, %shift_right_arithmetic3A_301 : vector<16xi32>
        %shift_right_arithmetic3A_303 = arith.constant 1 : i32
        %shift_right_arithmetic3A_304 = vector.broadcast %shift_right_arithmetic3A_303 : i32 to vector<16xi32>
        %shift_right_arithmetic3A_305 = arith.shrsi %and3A_158, %shift_right_arithmetic3A_304 : vector<16xi32>
        %add3A_306 = arith.addi %mul3A_5, %shift_right_arithmetic3A_305 : vector<16xi32>
        %shift_right_arithmetic3A_307 = arith.constant 1 : i32
        %shift_right_arithmetic3A_308 = vector.broadcast %shift_right_arithmetic3A_307 : i32 to vector<16xi32>
        %shift_right_arithmetic3A_309 = arith.shrsi %shift_right_arithmetic3A_161, %shift_right_arithmetic3A_308 : vector<16xi32>
        %add3A_310 = arith.addi %mul3A_5, %shift_right_arithmetic3A_309 : vector<16xi32>
        %shift_right_arithmetic3A_311 = arith.constant 1 : i32
        %shift_right_arithmetic3A_312 = vector.broadcast %shift_right_arithmetic3A_311 : i32 to vector<16xi32>
        %shift_right_arithmetic3A_313 = arith.shrsi %and3A_164, %shift_right_arithmetic3A_312 : vector<16xi32>
        %add3A_314 = arith.addi %mul3A_5, %shift_right_arithmetic3A_313 : vector<16xi32>
        %shift_right_arithmetic3A_315 = arith.constant 1 : i32
        %shift_right_arithmetic3A_316 = vector.broadcast %shift_right_arithmetic3A_315 : i32 to vector<16xi32>
        %shift_right_arithmetic3A_317 = arith.shrsi %shift_right_arithmetic3A_167, %shift_right_arithmetic3A_316 : vector<16xi32>
        %add3A_318 = arith.addi %mul3A_5, %shift_right_arithmetic3A_317 : vector<16xi32>
        %shift_right_arithmetic3A_319 = arith.constant 1 : i32
        %shift_right_arithmetic3A_320 = vector.broadcast %shift_right_arithmetic3A_319 : i32 to vector<16xi32>
        %shift_right_arithmetic3A_321 = arith.shrsi %and3A_170, %shift_right_arithmetic3A_320 : vector<16xi32>
        %add3A_322 = arith.addi %mul3A_5, %shift_right_arithmetic3A_321 : vector<16xi32>
        %shift_right_arithmetic3A_323 = arith.constant 1 : i32
        %shift_right_arithmetic3A_324 = vector.broadcast %shift_right_arithmetic3A_323 : i32 to vector<16xi32>
        %shift_right_arithmetic3A_325 = arith.shrsi %shift_right_arithmetic3A_173, %shift_right_arithmetic3A_324 : vector<16xi32>
        %add3A_326 = arith.addi %mul3A_5, %shift_right_arithmetic3A_325 : vector<16xi32>
        %shift_right_arithmetic3A_327 = arith.constant 1 : i32
        %shift_right_arithmetic3A_328 = vector.broadcast %shift_right_arithmetic3A_327 : i32 to vector<16xi32>
        %shift_right_arithmetic3A_329 = arith.shrsi %and3A_176, %shift_right_arithmetic3A_328 : vector<16xi32>
        %add3A_330 = arith.addi %mul3A_5, %shift_right_arithmetic3A_329 : vector<16xi32>
        %shift_right_arithmetic3A_331 = arith.constant 1 : i32
        %shift_right_arithmetic3A_332 = vector.broadcast %shift_right_arithmetic3A_331 : i32 to vector<16xi32>
        %shift_right_arithmetic3A_333 = arith.shrsi %shift_right_arithmetic3A_179, %shift_right_arithmetic3A_332 : vector<16xi32>
        %add3A_334 = arith.addi %mul3A_5, %shift_right_arithmetic3A_333 : vector<16xi32>
        %shift_right_arithmetic3A_335 = arith.constant 1 : i32
        %shift_right_arithmetic3A_336 = vector.broadcast %shift_right_arithmetic3A_335 : i32 to vector<16xi32>
        %shift_right_arithmetic3A_337 = arith.shrsi %and3A_182, %shift_right_arithmetic3A_336 : vector<16xi32>
        %add3A_338 = arith.addi %mul3A_5, %shift_right_arithmetic3A_337 : vector<16xi32>
        %shift_right_arithmetic3A_339 = arith.constant 1 : i32
        %shift_right_arithmetic3A_340 = vector.broadcast %shift_right_arithmetic3A_339 : i32 to vector<16xi32>
        %shift_right_arithmetic3A_341 = arith.shrsi %shift_right_arithmetic3A_185, %shift_right_arithmetic3A_340 : vector<16xi32>
        %add3A_342 = arith.addi %mul3A_5, %shift_right_arithmetic3A_341 : vector<16xi32>
        %shift_right_arithmetic3A_343 = arith.constant 1 : i32
        %shift_right_arithmetic3A_344 = vector.broadcast %shift_right_arithmetic3A_343 : i32 to vector<16xi32>
        %shift_right_arithmetic3A_345 = arith.shrsi %and3A_188, %shift_right_arithmetic3A_344 : vector<16xi32>
        %add3A_346 = arith.addi %mul3A_5, %shift_right_arithmetic3A_345 : vector<16xi32>
        %shift_right_arithmetic3A_347 = arith.constant 1 : i32
        %shift_right_arithmetic3A_348 = vector.broadcast %shift_right_arithmetic3A_347 : i32 to vector<16xi32>
        %shift_right_arithmetic3A_349 = arith.shrsi %shift_right_arithmetic3A_191, %shift_right_arithmetic3A_348 : vector<16xi32>
        %add3A_350 = arith.addi %mul3A_5, %shift_right_arithmetic3A_349 : vector<16xi32>
        %jit3A = arith.constant 8193 : i32
        %jit3A_351 = arith.constant 1 : i32
        %broadcast_in_dim3A_352 = vector.broadcast %jit3A : i32 to vector<16xi32>
        %broadcast_in_dim3A_353 = vector.broadcast %jit3A_351 : i32 to vector<16xi32>
        %select_n3A = arith.select %ne3A_196, %broadcast_in_dim3A_352, %broadcast_in_dim3A_353 : vector<16xi1>, vector<16xi32>
        %jit3A_354 = arith.constant 8193 : i32
        %jit3A_355 = arith.constant 1 : i32
        %broadcast_in_dim3A_356 = vector.broadcast %jit3A_354 : i32 to vector<16xi32>
        %broadcast_in_dim3A_357 = vector.broadcast %jit3A_355 : i32 to vector<16xi32>
        %select_n3A_358 = arith.select %ne3A_202, %broadcast_in_dim3A_356, %broadcast_in_dim3A_357 : vector<16xi1>, vector<16xi32>
        %jit3A_359 = arith.constant 8193 : i32
        %jit3A_360 = arith.constant 1 : i32
        %broadcast_in_dim3A_361 = vector.broadcast %jit3A_359 : i32 to vector<16xi32>
        %broadcast_in_dim3A_362 = vector.broadcast %jit3A_360 : i32 to vector<16xi32>
        %select_n3A_363 = arith.select %ne3A_208, %broadcast_in_dim3A_361, %broadcast_in_dim3A_362 : vector<16xi1>, vector<16xi32>
        %jit3A_364 = arith.constant 8193 : i32
        %jit3A_365 = arith.constant 1 : i32
        %broadcast_in_dim3A_366 = vector.broadcast %jit3A_364 : i32 to vector<16xi32>
        %broadcast_in_dim3A_367 = vector.broadcast %jit3A_365 : i32 to vector<16xi32>
        %select_n3A_368 = arith.select %ne3A_214, %broadcast_in_dim3A_366, %broadcast_in_dim3A_367 : vector<16xi1>, vector<16xi32>
        %jit3A_369 = arith.constant 8193 : i32
        %jit3A_370 = arith.constant 1 : i32
        %broadcast_in_dim3A_371 = vector.broadcast %jit3A_369 : i32 to vector<16xi32>
        %broadcast_in_dim3A_372 = vector.broadcast %jit3A_370 : i32 to vector<16xi32>
        %select_n3A_373 = arith.select %ne3A_220, %broadcast_in_dim3A_371, %broadcast_in_dim3A_372 : vector<16xi1>, vector<16xi32>
        %jit3A_374 = arith.constant 8193 : i32
        %jit3A_375 = arith.constant 1 : i32
        %broadcast_in_dim3A_376 = vector.broadcast %jit3A_374 : i32 to vector<16xi32>
        %broadcast_in_dim3A_377 = vector.broadcast %jit3A_375 : i32 to vector<16xi32>
        %select_n3A_378 = arith.select %ne3A_226, %broadcast_in_dim3A_376, %broadcast_in_dim3A_377 : vector<16xi1>, vector<16xi32>
        %jit3A_379 = arith.constant 8193 : i32
        %jit3A_380 = arith.constant 1 : i32
        %broadcast_in_dim3A_381 = vector.broadcast %jit3A_379 : i32 to vector<16xi32>
        %broadcast_in_dim3A_382 = vector.broadcast %jit3A_380 : i32 to vector<16xi32>
        %select_n3A_383 = arith.select %ne3A_232, %broadcast_in_dim3A_381, %broadcast_in_dim3A_382 : vector<16xi1>, vector<16xi32>
        %jit3A_384 = arith.constant 8193 : i32
        %jit3A_385 = arith.constant 1 : i32
        %broadcast_in_dim3A_386 = vector.broadcast %jit3A_384 : i32 to vector<16xi32>
        %broadcast_in_dim3A_387 = vector.broadcast %jit3A_385 : i32 to vector<16xi32>
        %select_n3A_388 = arith.select %ne3A_238, %broadcast_in_dim3A_386, %broadcast_in_dim3A_387 : vector<16xi1>, vector<16xi32>
        %jit3A_389 = arith.constant 8193 : i32
        %jit3A_390 = arith.constant 1 : i32
        %broadcast_in_dim3A_391 = vector.broadcast %jit3A_389 : i32 to vector<16xi32>
        %broadcast_in_dim3A_392 = vector.broadcast %jit3A_390 : i32 to vector<16xi32>
        %select_n3A_393 = arith.select %ne3A_244, %broadcast_in_dim3A_391, %broadcast_in_dim3A_392 : vector<16xi1>, vector<16xi32>
        %jit3A_394 = arith.constant 8193 : i32
        %jit3A_395 = arith.constant 1 : i32
        %broadcast_in_dim3A_396 = vector.broadcast %jit3A_394 : i32 to vector<16xi32>
        %broadcast_in_dim3A_397 = vector.broadcast %jit3A_395 : i32 to vector<16xi32>
        %select_n3A_398 = arith.select %ne3A_250, %broadcast_in_dim3A_396, %broadcast_in_dim3A_397 : vector<16xi1>, vector<16xi32>
        %jit3A_399 = arith.constant 8193 : i32
        %jit3A_400 = arith.constant 1 : i32
        %broadcast_in_dim3A_401 = vector.broadcast %jit3A_399 : i32 to vector<16xi32>
        %broadcast_in_dim3A_402 = vector.broadcast %jit3A_400 : i32 to vector<16xi32>
        %select_n3A_403 = arith.select %ne3A_256, %broadcast_in_dim3A_401, %broadcast_in_dim3A_402 : vector<16xi1>, vector<16xi32>
        %jit3A_404 = arith.constant 8193 : i32
        %jit3A_405 = arith.constant 1 : i32
        %broadcast_in_dim3A_406 = vector.broadcast %jit3A_404 : i32 to vector<16xi32>
        %broadcast_in_dim3A_407 = vector.broadcast %jit3A_405 : i32 to vector<16xi32>
        %select_n3A_408 = arith.select %ne3A_262, %broadcast_in_dim3A_406, %broadcast_in_dim3A_407 : vector<16xi1>, vector<16xi32>
        %jit3A_409 = arith.constant 8193 : i32
        %jit3A_410 = arith.constant 1 : i32
        %broadcast_in_dim3A_411 = vector.broadcast %jit3A_409 : i32 to vector<16xi32>
        %broadcast_in_dim3A_412 = vector.broadcast %jit3A_410 : i32 to vector<16xi32>
        %select_n3A_413 = arith.select %ne3A_268, %broadcast_in_dim3A_411, %broadcast_in_dim3A_412 : vector<16xi1>, vector<16xi32>
        %jit3A_414 = arith.constant 8193 : i32
        %jit3A_415 = arith.constant 1 : i32
        %broadcast_in_dim3A_416 = vector.broadcast %jit3A_414 : i32 to vector<16xi32>
        %broadcast_in_dim3A_417 = vector.broadcast %jit3A_415 : i32 to vector<16xi32>
        %select_n3A_418 = arith.select %ne3A_274, %broadcast_in_dim3A_416, %broadcast_in_dim3A_417 : vector<16xi1>, vector<16xi32>
        %jit3A_419 = arith.constant 8193 : i32
        %jit3A_420 = arith.constant 1 : i32
        %broadcast_in_dim3A_421 = vector.broadcast %jit3A_419 : i32 to vector<16xi32>
        %broadcast_in_dim3A_422 = vector.broadcast %jit3A_420 : i32 to vector<16xi32>
        %select_n3A_423 = arith.select %ne3A_280, %broadcast_in_dim3A_421, %broadcast_in_dim3A_422 : vector<16xi1>, vector<16xi32>
        %jit3A_424 = arith.constant 8193 : i32
        %jit3A_425 = arith.constant 1 : i32
        %broadcast_in_dim3A_426 = vector.broadcast %jit3A_424 : i32 to vector<16xi32>
        %broadcast_in_dim3A_427 = vector.broadcast %jit3A_425 : i32 to vector<16xi32>
        %select_n3A_428 = arith.select %ne3A_286, %broadcast_in_dim3A_426, %broadcast_in_dim3A_427 : vector<16xi1>, vector<16xi32>
        tpu.vector_store_idx %arg6[%add3A_290], %select_n3A {add = true} : memref<34816xi32, #tpu.memory_space<vmem>>[vector<16xi32>], vector<16xi32>,
        tpu.vector_store_idx %arg6[%add3A_294], %select_n3A_358 {add = true} : memref<34816xi32, #tpu.memory_space<vmem>>[vector<16xi32>], vector<16xi32>,
        tpu.vector_store_idx %arg6[%add3A_298], %select_n3A_363 {add = true} : memref<34816xi32, #tpu.memory_space<vmem>>[vector<16xi32>], vector<16xi32>,
        tpu.vector_store_idx %arg6[%add3A_302], %select_n3A_368 {add = true} : memref<34816xi32, #tpu.memory_space<vmem>>[vector<16xi32>], vector<16xi32>,
        tpu.vector_store_idx %arg6[%add3A_306], %select_n3A_373 {add = true} : memref<34816xi32, #tpu.memory_space<vmem>>[vector<16xi32>], vector<16xi32>,
        tpu.vector_store_idx %arg6[%add3A_310], %select_n3A_378 {add = true} : memref<34816xi32, #tpu.memory_space<vmem>>[vector<16xi32>], vector<16xi32>,
        tpu.vector_store_idx %arg6[%add3A_314], %select_n3A_383 {add = true} : memref<34816xi32, #tpu.memory_space<vmem>>[vector<16xi32>], vector<16xi32>,
        tpu.vector_store_idx %arg6[%add3A_318], %select_n3A_388 {add = true} : memref<34816xi32, #tpu.memory_space<vmem>>[vector<16xi32>], vector<16xi32>,
        tpu.vector_store_idx %arg6[%add3A_322], %select_n3A_393 {add = true} : memref<34816xi32, #tpu.memory_space<vmem>>[vector<16xi32>], vector<16xi32>,
        tpu.vector_store_idx %arg6[%add3A_326], %select_n3A_398 {add = true} : memref<34816xi32, #tpu.memory_space<vmem>>[vector<16xi32>], vector<16xi32>,
        tpu.vector_store_idx %arg6[%add3A_330], %select_n3A_403 {add = true} : memref<34816xi32, #tpu.memory_space<vmem>>[vector<16xi32>], vector<16xi32>,
        tpu.vector_store_idx %arg6[%add3A_334], %select_n3A_408 {add = true} : memref<34816xi32, #tpu.memory_space<vmem>>[vector<16xi32>], vector<16xi32>,
        tpu.vector_store_idx %arg6[%add3A_338], %select_n3A_413 {add = true} : memref<34816xi32, #tpu.memory_space<vmem>>[vector<16xi32>], vector<16xi32>,
        tpu.vector_store_idx %arg6[%add3A_342], %select_n3A_418 {add = true} : memref<34816xi32, #tpu.memory_space<vmem>>[vector<16xi32>], vector<16xi32>,
        tpu.vector_store_idx %arg6[%add3A_346], %select_n3A_423 {add = true} : memref<34816xi32, #tpu.memory_space<vmem>>[vector<16xi32>], vector<16xi32>,
        tpu.vector_store_idx %arg6[%add3A_350], %select_n3A_428 {add = true} : memref<34816xi32, #tpu.memory_space<vmem>>[vector<16xi32>], vector<16xi32>,
      }
      %scan3A_89 = arith.constant 64 : i32
    }
    %scan3A_30 = arith.constant 2 : i32
    %dma_wait3A = arith.constant 0 : i32
    %dma_wait3A_31 = arith.constant 0 : i32
    %dma_wait3A_32 = arith.constant 0 : i32
    %dma_wait3A_33 = tpu.memref_slice %arg5[%dma_wait3A, %dma_wait3A_32] : memref<2x8192xi32, #tpu.memory_space<vmem>> -> memref<1x8192xi32, #tpu.memory_space<vmem>>
    %dma_wait3A_34 = tpu.memref_squeeze %dma_wait3A_33 : memref<1x8192xi32, #tpu.memory_space<vmem>> -> memref<8192xi32, #tpu.memory_space<vmem>>
    %dma_wait3A_35 = arith.constant 0 : i32
    %dma_wait3A_36 = tpu.memref_slice %arg2[%dma_wait3A_35] : memref<524288xi32, #tpu.memory_space<hbm>> -> memref<8192xi32, #tpu.memory_space<hbm>>
    %dma_wait3A_37 = tpu.memref_slice %arg9[%dma_wait3A_31] : memref<2x!tpu.dma_semaphore, #tpu.memory_space<semaphore_mem>> -> memref<1x!tpu.dma_semaphore, #tpu.memory_space<semaphore_mem>>
    %dma_wait3A_38 = tpu.memref_squeeze %dma_wait3A_37 : memref<1x!tpu.dma_semaphore, #tpu.memory_space<semaphore_mem>> -> memref<!tpu.dma_semaphore, #tpu.memory_space<semaphore_mem>>
    %dma_wait3A_39 = arith.constant 0 : i32
    %dma_wait3A_40 = tpu.memref_slice %arg5[%dma_wait3A, %dma_wait3A_39] : memref<2x8192xi32, #tpu.memory_space<vmem>> -> memref<1x8192xi32, #tpu.memory_space<vmem>>
    %dma_wait3A_41 = tpu.memref_squeeze %dma_wait3A_40 : memref<1x8192xi32, #tpu.memory_space<vmem>> -> memref<8192xi32, #tpu.memory_space<vmem>>
    %dma_wait3A_42 = arith.constant 0 : i32
    %dma_wait3A_43 = tpu.memref_slice %arg2[%dma_wait3A_42] : memref<524288xi32, #tpu.memory_space<hbm>> -> memref<8192xi32, #tpu.memory_space<hbm>>
    tpu.wait_dma2 semaphore(%dma_wait3A_38 : memref<!tpu.dma_semaphore, #tpu.memory_space<semaphore_mem>>) src(%dma_wait3A_43 : memref<8192xi32, #tpu.memory_space<hbm>>) dst(%dma_wait3A_41 : memref<8192xi32, #tpu.memory_space<vmem>>)
    %scan3A_44 = arith.constant 0 : i32
    %scan3A_45 = arith.constant 0 : i32
    %scan3A_46 = arith.constant 68 : i32
    %scan3A_47 = arith.addi %scan3A_45, %scan3A_46 : i32
    %scan3A_48 = arith.constant 1 : i32
    scf.for %scan3A_50 = %scan3A_45 to %scan3A_47 step %scan3A_48  : i32 {
      %mul3A_51 = arith.constant 2 : i32
      %mul3A_52 = arith.muli %mul3A_51, %scan3A_50 : i32
      %add3A_53 = arith.constant 0 : i32
      %add3A_54 = arith.addi %mul3A_52, %add3A_53 : i32
      %mul3A_55 = arith.constant 16 : i32
      %mul3A_56 = arith.muli %add3A_54, %mul3A_55 : i32
      %get3A = arith.index_cast %mul3A_56 : i32 to index
      %get3A_57 = tpu.vector_load %arg6[%get3A] {strides = array<i32>} : memref<34816xi32, #tpu.memory_space<vmem>>, vector<16xi32>,
      %add3A_58 = arith.constant 2176 : i32
      %add3A_59 = arith.addi %add3A_58, %mul3A_56 : i32
      %get3A_60 = arith.index_cast %add3A_59 : i32 to index
      %get3A_61 = tpu.vector_load %arg6[%get3A_60] {strides = array<i32>} : memref<34816xi32, #tpu.memory_space<vmem>>, vector<16xi32>,
      %and3A = arith.constant 8191 : i32
      %and3A_62 = vector.broadcast %and3A : i32 to vector<16xi32>
      %and3A_63 = arith.andi %get3A_57, %and3A_62 : vector<16xi32>
      %shift_right_arithmetic3A = arith.constant 13 : i32
      %shift_right_arithmetic3A_64 = vector.broadcast %shift_right_arithmetic3A : i32 to vector<16xi32>
      %shift_right_arithmetic3A_65 = arith.shrsi %get3A_57, %shift_right_arithmetic3A_64 : vector<16xi32>
      %and3A_66 = arith.constant 8191 : i32
      %and3A_67 = vector.broadcast %and3A_66 : i32 to vector<16xi32>
      %and3A_68 = arith.andi %get3A_61, %and3A_67 : vector<16xi32>
      %shift_right_arithmetic3A_69 = arith.constant 13 : i32
      %shift_right_arithmetic3A_70 = vector.broadcast %shift_right_arithmetic3A_69 : i32 to vector<16xi32>
      %shift_right_arithmetic3A_71 = arith.shrsi %get3A_61, %shift_right_arithmetic3A_70 : vector<16xi32>
      %add3A_72 = arith.constant 4352 : i32
      %add3A_73 = arith.addi %add3A_72, %mul3A_56 : i32
      %get3A_74 = arith.index_cast %add3A_73 : i32 to index
      %get3A_75 = tpu.vector_load %arg6[%get3A_74] {strides = array<i32>} : memref<34816xi32, #tpu.memory_space<vmem>>, vector<16xi32>,
      %add3A_76 = arith.constant 6528 : i32
      %add3A_77 = arith.addi %add3A_76, %mul3A_56 : i32
      %get3A_78 = arith.index_cast %add3A_77 : i32 to index
      %get3A_79 = tpu.vector_load %arg6[%get3A_78] {strides = array<i32>} : memref<34816xi32, #tpu.memory_space<vmem>>, vector<16xi32>,
      %and3A_80 = arith.constant 8191 : i32
      %and3A_81 = vector.broadcast %and3A_80 : i32 to vector<16xi32>
      %and3A_82 = arith.andi %get3A_75, %and3A_81 : vector<16xi32>
      %add3A_83 = arith.addi %and3A_63, %and3A_82 : vector<16xi32>
      %shift_right_arithmetic3A_84 = arith.constant 13 : i32
      %shift_right_arithmetic3A_85 = vector.broadcast %shift_right_arithmetic3A_84 : i32 to vector<16xi32>
      %shift_right_arithmetic3A_86 = arith.shrsi %get3A_75, %shift_right_arithmetic3A_85 : vector<16xi32>
      %add3A_87 = arith.addi %shift_right_arithmetic3A_65, %shift_right_arithmetic3A_86 : vector<16xi32>
      %and3A_88 = arith.constant 8191 : i32
      %and3A_89 = vector.broadcast %and3A_88 : i32 to vector<16xi32>
      %and3A_90 = arith.andi %get3A_79, %and3A_89 : vector<16xi32>
      %add3A_91 = arith.addi %and3A_68, %and3A_90 : vector<16xi32>
      %shift_right_arithmetic3A_92 = arith.constant 13 : i32
      %shift_right_arithmetic3A_93 = vector.broadcast %shift_right_arithmetic3A_92 : i32 to vector<16xi32>
      %shift_right_arithmetic3A_94 = arith.shrsi %get3A_79, %shift_right_arithmetic3A_93 : vector<16xi32>
      %add3A_95 = arith.addi %shift_right_arithmetic3A_71, %shift_right_arithmetic3A_94 : vector<16xi32>
      %add3A_96 = arith.constant 8704 : i32
      %add3A_97 = arith.addi %add3A_96, %mul3A_56 : i32
      %get3A_98 = arith.index_cast %add3A_97 : i32 to index
      %get3A_99 = tpu.vector_load %arg6[%get3A_98] {strides = array<i32>} : memref<34816xi32, #tpu.memory_space<vmem>>, vector<16xi32>,
      %add3A_100 = arith.constant 10880 : i32
      %add3A_101 = arith.addi %add3A_100, %mul3A_56 : i32
      %get3A_102 = arith.index_cast %add3A_101 : i32 to index
      %get3A_103 = tpu.vector_load %arg6[%get3A_102] {strides = array<i32>} : memref<34816xi32, #tpu.memory_space<vmem>>, vector<16xi32>,
      %and3A_104 = arith.constant 8191 : i32
      %and3A_105 = vector.broadcast %and3A_104 : i32 to vector<16xi32>
      %and3A_106 = arith.andi %get3A_99, %and3A_105 : vector<16xi32>
      %add3A_107 = arith.addi %add3A_83, %and3A_106 : vector<16xi32>
      %shift_right_arithmetic3A_108 = arith.constant 13 : i32
      %shift_right_arithmetic3A_109 = vector.broadcast %shift_right_arithmetic3A_108 : i32 to vector<16xi32>
      %shift_right_arithmetic3A_110 = arith.shrsi %get3A_99, %shift_right_arithmetic3A_109 : vector<16xi32>
      %add3A_111 = arith.addi %add3A_87, %shift_right_arithmetic3A_110 : vector<16xi32>
      %and3A_112 = arith.constant 8191 : i32
      %and3A_113 = vector.broadcast %and3A_112 : i32 to vector<16xi32>
      %and3A_114 = arith.andi %get3A_103, %and3A_113 : vector<16xi32>
      %add3A_115 = arith.addi %add3A_91, %and3A_114 : vector<16xi32>
      %shift_right_arithmetic3A_116 = arith.constant 13 : i32
      %shift_right_arithmetic3A_117 = vector.broadcast %shift_right_arithmetic3A_116 : i32 to vector<16xi32>
      %shift_right_arithmetic3A_118 = arith.shrsi %get3A_103, %shift_right_arithmetic3A_117 : vector<16xi32>
      %add3A_119 = arith.addi %add3A_95, %shift_right_arithmetic3A_118 : vector<16xi32>
      %add3A_120 = arith.constant 13056 : i32
      %add3A_121 = arith.addi %add3A_120, %mul3A_56 : i32
      %get3A_122 = arith.index_cast %add3A_121 : i32 to index
      %get3A_123 = tpu.vector_load %arg6[%get3A_122] {strides = array<i32>} : memref<34816xi32, #tpu.memory_space<vmem>>, vector<16xi32>,
      %add3A_124 = arith.constant 15232 : i32
      %add3A_125 = arith.addi %add3A_124, %mul3A_56 : i32
      %get3A_126 = arith.index_cast %add3A_125 : i32 to index
      %get3A_127 = tpu.vector_load %arg6[%get3A_126] {strides = array<i32>} : memref<34816xi32, #tpu.memory_space<vmem>>, vector<16xi32>,
      %and3A_128 = arith.constant 8191 : i32
      %and3A_129 = vector.broadcast %and3A_128 : i32 to vector<16xi32>
      %and3A_130 = arith.andi %get3A_123, %and3A_129 : vector<16xi32>
      %add3A_131 = arith.addi %add3A_107, %and3A_130 : vector<16xi32>
      %shift_right_arithmetic3A_132 = arith.constant 13 : i32
      %shift_right_arithmetic3A_133 = vector.broadcast %shift_right_arithmetic3A_132 : i32 to vector<16xi32>
      %shift_right_arithmetic3A_134 = arith.shrsi %get3A_123, %shift_right_arithmetic3A_133 : vector<16xi32>
      %add3A_135 = arith.addi %add3A_111, %shift_right_arithmetic3A_134 : vector<16xi32>
      %and3A_136 = arith.constant 8191 : i32
      %and3A_137 = vector.broadcast %and3A_136 : i32 to vector<16xi32>
      %and3A_138 = arith.andi %get3A_127, %and3A_137 : vector<16xi32>
      %add3A_139 = arith.addi %add3A_115, %and3A_138 : vector<16xi32>
      %shift_right_arithmetic3A_140 = arith.constant 13 : i32
      %shift_right_arithmetic3A_141 = vector.broadcast %shift_right_arithmetic3A_140 : i32 to vector<16xi32>
      %shift_right_arithmetic3A_142 = arith.shrsi %get3A_127, %shift_right_arithmetic3A_141 : vector<16xi32>
      %add3A_143 = arith.addi %add3A_119, %shift_right_arithmetic3A_142 : vector<16xi32>
      %add3A_144 = arith.constant 17408 : i32
      %add3A_145 = arith.addi %add3A_144, %mul3A_56 : i32
      %get3A_146 = arith.index_cast %add3A_145 : i32 to index
      %get3A_147 = tpu.vector_load %arg6[%get3A_146] {strides = array<i32>} : memref<34816xi32, #tpu.memory_space<vmem>>, vector<16xi32>,
      %add3A_148 = arith.constant 19584 : i32
      %add3A_149 = arith.addi %add3A_148, %mul3A_56 : i32
      %get3A_150 = arith.index_cast %add3A_149 : i32 to index
      %get3A_151 = tpu.vector_load %arg6[%get3A_150] {strides = array<i32>} : memref<34816xi32, #tpu.memory_space<vmem>>, vector<16xi32>,
      %and3A_152 = arith.constant 8191 : i32
      %and3A_153 = vector.broadcast %and3A_152 : i32 to vector<16xi32>
      %and3A_154 = arith.andi %get3A_147, %and3A_153 : vector<16xi32>
      %add3A_155 = arith.addi %add3A_131, %and3A_154 : vector<16xi32>
      %shift_right_arithmetic3A_156 = arith.constant 13 : i32
      %shift_right_arithmetic3A_157 = vector.broadcast %shift_right_arithmetic3A_156 : i32 to vector<16xi32>
      %shift_right_arithmetic3A_158 = arith.shrsi %get3A_147, %shift_right_arithmetic3A_157 : vector<16xi32>
      %add3A_159 = arith.addi %add3A_135, %shift_right_arithmetic3A_158 : vector<16xi32>
      %and3A_160 = arith.constant 8191 : i32
      %and3A_161 = vector.broadcast %and3A_160 : i32 to vector<16xi32>
      %and3A_162 = arith.andi %get3A_151, %and3A_161 : vector<16xi32>
      %add3A_163 = arith.addi %add3A_139, %and3A_162 : vector<16xi32>
      %shift_right_arithmetic3A_164 = arith.constant 13 : i32
      %shift_right_arithmetic3A_165 = vector.broadcast %shift_right_arithmetic3A_164 : i32 to vector<16xi32>
      %shift_right_arithmetic3A_166 = arith.shrsi %get3A_151, %shift_right_arithmetic3A_165 : vector<16xi32>
      %add3A_167 = arith.addi %add3A_143, %shift_right_arithmetic3A_166 : vector<16xi32>
      %add3A_168 = arith.constant 21760 : i32
      %add3A_169 = arith.addi %add3A_168, %mul3A_56 : i32
      %get3A_170 = arith.index_cast %add3A_169 : i32 to index
      %get3A_171 = tpu.vector_load %arg6[%get3A_170] {strides = array<i32>} : memref<34816xi32, #tpu.memory_space<vmem>>, vector<16xi32>,
      %add3A_172 = arith.constant 23936 : i32
      %add3A_173 = arith.addi %add3A_172, %mul3A_56 : i32
      %get3A_174 = arith.index_cast %add3A_173 : i32 to index
      %get3A_175 = tpu.vector_load %arg6[%get3A_174] {strides = array<i32>} : memref<34816xi32, #tpu.memory_space<vmem>>, vector<16xi32>,
      %and3A_176 = arith.constant 8191 : i32
      %and3A_177 = vector.broadcast %and3A_176 : i32 to vector<16xi32>
      %and3A_178 = arith.andi %get3A_171, %and3A_177 : vector<16xi32>
      %add3A_179 = arith.addi %add3A_155, %and3A_178 : vector<16xi32>
      %shift_right_arithmetic3A_180 = arith.constant 13 : i32
      %shift_right_arithmetic3A_181 = vector.broadcast %shift_right_arithmetic3A_180 : i32 to vector<16xi32>
      %shift_right_arithmetic3A_182 = arith.shrsi %get3A_171, %shift_right_arithmetic3A_181 : vector<16xi32>
      %add3A_183 = arith.addi %add3A_159, %shift_right_arithmetic3A_182 : vector<16xi32>
      %and3A_184 = arith.constant 8191 : i32
      %and3A_185 = vector.broadcast %and3A_184 : i32 to vector<16xi32>
      %and3A_186 = arith.andi %get3A_175, %and3A_185 : vector<16xi32>
      %add3A_187 = arith.addi %add3A_163, %and3A_186 : vector<16xi32>
      %shift_right_arithmetic3A_188 = arith.constant 13 : i32
      %shift_right_arithmetic3A_189 = vector.broadcast %shift_right_arithmetic3A_188 : i32 to vector<16xi32>
      %shift_right_arithmetic3A_190 = arith.shrsi %get3A_175, %shift_right_arithmetic3A_189 : vector<16xi32>
      %add3A_191 = arith.addi %add3A_167, %shift_right_arithmetic3A_190 : vector<16xi32>
      %add3A_192 = arith.constant 26112 : i32
      %add3A_193 = arith.addi %add3A_192, %mul3A_56 : i32
      %get3A_194 = arith.index_cast %add3A_193 : i32 to index
      %get3A_195 = tpu.vector_load %arg6[%get3A_194] {strides = array<i32>} : memref<34816xi32, #tpu.memory_space<vmem>>, vector<16xi32>,
      %add3A_196 = arith.constant 28288 : i32
      %add3A_197 = arith.addi %add3A_196, %mul3A_56 : i32
      %get3A_198 = arith.index_cast %add3A_197 : i32 to index
      %get3A_199 = tpu.vector_load %arg6[%get3A_198] {strides = array<i32>} : memref<34816xi32, #tpu.memory_space<vmem>>, vector<16xi32>,
      %and3A_200 = arith.constant 8191 : i32
      %and3A_201 = vector.broadcast %and3A_200 : i32 to vector<16xi32>
      %and3A_202 = arith.andi %get3A_195, %and3A_201 : vector<16xi32>
      %add3A_203 = arith.addi %add3A_179, %and3A_202 : vector<16xi32>
      %shift_right_arithmetic3A_204 = arith.constant 13 : i32
      %shift_right_arithmetic3A_205 = vector.broadcast %shift_right_arithmetic3A_204 : i32 to vector<16xi32>
      %shift_right_arithmetic3A_206 = arith.shrsi %get3A_195, %shift_right_arithmetic3A_205 : vector<16xi32>
      %add3A_207 = arith.addi %add3A_183, %shift_right_arithmetic3A_206 : vector<16xi32>
      %and3A_208 = arith.constant 8191 : i32
      %and3A_209 = vector.broadcast %and3A_208 : i32 to vector<16xi32>
      %and3A_210 = arith.andi %get3A_199, %and3A_209 : vector<16xi32>
      %add3A_211 = arith.addi %add3A_187, %and3A_210 : vector<16xi32>
      %shift_right_arithmetic3A_212 = arith.constant 13 : i32
      %shift_right_arithmetic3A_213 = vector.broadcast %shift_right_arithmetic3A_212 : i32 to vector<16xi32>
      %shift_right_arithmetic3A_214 = arith.shrsi %get3A_199, %shift_right_arithmetic3A_213 : vector<16xi32>
      %add3A_215 = arith.addi %add3A_191, %shift_right_arithmetic3A_214 : vector<16xi32>
      %add3A_216 = arith.constant 30464 : i32
      %add3A_217 = arith.addi %add3A_216, %mul3A_56 : i32
      %get3A_218 = arith.index_cast %add3A_217 : i32 to index
      %get3A_219 = tpu.vector_load %arg6[%get3A_218] {strides = array<i32>} : memref<34816xi32, #tpu.memory_space<vmem>>, vector<16xi32>,
      %add3A_220 = arith.constant 32640 : i32
      %add3A_221 = arith.addi %add3A_220, %mul3A_56 : i32
      %get3A_222 = arith.index_cast %add3A_221 : i32 to index
      %get3A_223 = tpu.vector_load %arg6[%get3A_222] {strides = array<i32>} : memref<34816xi32, #tpu.memory_space<vmem>>, vector<16xi32>,
      %and3A_224 = arith.constant 8191 : i32
      %and3A_225 = vector.broadcast %and3A_224 : i32 to vector<16xi32>
      %and3A_226 = arith.andi %get3A_219, %and3A_225 : vector<16xi32>
      %add3A_227 = arith.addi %add3A_203, %and3A_226 : vector<16xi32>
      %shift_right_arithmetic3A_228 = arith.constant 13 : i32
      %shift_right_arithmetic3A_229 = vector.broadcast %shift_right_arithmetic3A_228 : i32 to vector<16xi32>
      %shift_right_arithmetic3A_230 = arith.shrsi %get3A_219, %shift_right_arithmetic3A_229 : vector<16xi32>
      %add3A_231 = arith.addi %add3A_207, %shift_right_arithmetic3A_230 : vector<16xi32>
      %and3A_232 = arith.constant 8191 : i32
      %and3A_233 = vector.broadcast %and3A_232 : i32 to vector<16xi32>
      %and3A_234 = arith.andi %get3A_223, %and3A_233 : vector<16xi32>
      %add3A_235 = arith.addi %add3A_211, %and3A_234 : vector<16xi32>
      %shift_right_arithmetic3A_236 = arith.constant 13 : i32
      %shift_right_arithmetic3A_237 = vector.broadcast %shift_right_arithmetic3A_236 : i32 to vector<16xi32>
      %shift_right_arithmetic3A_238 = arith.shrsi %get3A_223, %shift_right_arithmetic3A_237 : vector<16xi32>
      %add3A_239 = arith.addi %add3A_215, %shift_right_arithmetic3A_238 : vector<16xi32>
      %add3A_240 = arith.addi %add3A_227, %add3A_235 : vector<16xi32>
      %swap3A = arith.index_cast %mul3A_56 : i32 to index
      %swap3A_241 = tpu.vector_load %arg7[%swap3A] {strides = array<i32>} : memref<2176xi32, #tpu.memory_space<vmem>>, vector<16xi32>,
      tpu.vector_store %arg7[%swap3A], %add3A_240 {strides = array<i32>} : memref<2176xi32, #tpu.memory_space<vmem>>, vector<16xi32>,
      %add3A_242 = arith.addi %add3A_231, %add3A_239 : vector<16xi32>
      %swap3A_243 = arith.index_cast %mul3A_56 : i32 to index
      %swap3A_244 = tpu.vector_load %arg8[%swap3A_243] {strides = array<i32>} : memref<2176xi32, #tpu.memory_space<vmem>>, vector<16xi32>,
      tpu.vector_store %arg8[%swap3A_243], %add3A_242 {strides = array<i32>} : memref<2176xi32, #tpu.memory_space<vmem>>, vector<16xi32>,
      %mul3A_245 = arith.constant 2 : i32
      %mul3A_246 = arith.muli %mul3A_245, %scan3A_50 : i32
      %add3A_247 = arith.constant 1 : i32
      %add3A_248 = arith.addi %mul3A_246, %add3A_247 : i32
      %mul3A_249 = arith.constant 16 : i32
      %mul3A_250 = arith.muli %add3A_248, %mul3A_249 : i32
      %get3A_251 = arith.index_cast %mul3A_250 : i32 to index
      %get3A_252 = tpu.vector_load %arg6[%get3A_251] {strides = array<i32>} : memref<34816xi32, #tpu.memory_space<vmem>>, vector<16xi32>,
      %add3A_253 = arith.constant 2176 : i32
      %add3A_254 = arith.addi %add3A_253, %mul3A_250 : i32
      %get3A_255 = arith.index_cast %add3A_254 : i32 to index
      %get3A_256 = tpu.vector_load %arg6[%get3A_255] {strides = array<i32>} : memref<34816xi32, #tpu.memory_space<vmem>>, vector<16xi32>,
      %and3A_257 = arith.constant 8191 : i32
      %and3A_258 = vector.broadcast %and3A_257 : i32 to vector<16xi32>
      %and3A_259 = arith.andi %get3A_252, %and3A_258 : vector<16xi32>
      %shift_right_arithmetic3A_260 = arith.constant 13 : i32
      %shift_right_arithmetic3A_261 = vector.broadcast %shift_right_arithmetic3A_260 : i32 to vector<16xi32>
      %shift_right_arithmetic3A_262 = arith.shrsi %get3A_252, %shift_right_arithmetic3A_261 : vector<16xi32>
      %and3A_263 = arith.constant 8191 : i32
      %and3A_264 = vector.broadcast %and3A_263 : i32 to vector<16xi32>
      %and3A_265 = arith.andi %get3A_256, %and3A_264 : vector<16xi32>
      %shift_right_arithmetic3A_266 = arith.constant 13 : i32
      %shift_right_arithmetic3A_267 = vector.broadcast %shift_right_arithmetic3A_266 : i32 to vector<16xi32>
      %shift_right_arithmetic3A_268 = arith.shrsi %get3A_256, %shift_right_arithmetic3A_267 : vector<16xi32>
      %add3A_269 = arith.constant 4352 : i32
      %add3A_270 = arith.addi %add3A_269, %mul3A_250 : i32
      %get3A_271 = arith.index_cast %add3A_270 : i32 to index
      %get3A_272 = tpu.vector_load %arg6[%get3A_271] {strides = array<i32>} : memref<34816xi32, #tpu.memory_space<vmem>>, vector<16xi32>,
      %add3A_273 = arith.constant 6528 : i32
      %add3A_274 = arith.addi %add3A_273, %mul3A_250 : i32
      %get3A_275 = arith.index_cast %add3A_274 : i32 to index
      %get3A_276 = tpu.vector_load %arg6[%get3A_275] {strides = array<i32>} : memref<34816xi32, #tpu.memory_space<vmem>>, vector<16xi32>,
      %and3A_277 = arith.constant 8191 : i32
      %and3A_278 = vector.broadcast %and3A_277 : i32 to vector<16xi32>
      %and3A_279 = arith.andi %get3A_272, %and3A_278 : vector<16xi32>
      %add3A_280 = arith.addi %and3A_259, %and3A_279 : vector<16xi32>
      %shift_right_arithmetic3A_281 = arith.constant 13 : i32
      %shift_right_arithmetic3A_282 = vector.broadcast %shift_right_arithmetic3A_281 : i32 to vector<16xi32>
      %shift_right_arithmetic3A_283 = arith.shrsi %get3A_272, %shift_right_arithmetic3A_282 : vector<16xi32>
      %add3A_284 = arith.addi %shift_right_arithmetic3A_262, %shift_right_arithmetic3A_283 : vector<16xi32>
      %and3A_285 = arith.constant 8191 : i32
      %and3A_286 = vector.broadcast %and3A_285 : i32 to vector<16xi32>
      %and3A_287 = arith.andi %get3A_276, %and3A_286 : vector<16xi32>
      %add3A_288 = arith.addi %and3A_265, %and3A_287 : vector<16xi32>
      %shift_right_arithmetic3A_289 = arith.constant 13 : i32
      %shift_right_arithmetic3A_290 = vector.broadcast %shift_right_arithmetic3A_289 : i32 to vector<16xi32>
      %shift_right_arithmetic3A_291 = arith.shrsi %get3A_276, %shift_right_arithmetic3A_290 : vector<16xi32>
      %add3A_292 = arith.addi %shift_right_arithmetic3A_268, %shift_right_arithmetic3A_291 : vector<16xi32>
      %add3A_293 = arith.constant 8704 : i32
      %add3A_294 = arith.addi %add3A_293, %mul3A_250 : i32
      %get3A_295 = arith.index_cast %add3A_294 : i32 to index
      %get3A_296 = tpu.vector_load %arg6[%get3A_295] {strides = array<i32>} : memref<34816xi32, #tpu.memory_space<vmem>>, vector<16xi32>,
      %add3A_297 = arith.constant 10880 : i32
      %add3A_298 = arith.addi %add3A_297, %mul3A_250 : i32
      %get3A_299 = arith.index_cast %add3A_298 : i32 to index
      %get3A_300 = tpu.vector_load %arg6[%get3A_299] {strides = array<i32>} : memref<34816xi32, #tpu.memory_space<vmem>>, vector<16xi32>,
      %and3A_301 = arith.constant 8191 : i32
      %and3A_302 = vector.broadcast %and3A_301 : i32 to vector<16xi32>
      %and3A_303 = arith.andi %get3A_296, %and3A_302 : vector<16xi32>
      %add3A_304 = arith.addi %add3A_280, %and3A_303 : vector<16xi32>
      %shift_right_arithmetic3A_305 = arith.constant 13 : i32
      %shift_right_arithmetic3A_306 = vector.broadcast %shift_right_arithmetic3A_305 : i32 to vector<16xi32>
      %shift_right_arithmetic3A_307 = arith.shrsi %get3A_296, %shift_right_arithmetic3A_306 : vector<16xi32>
      %add3A_308 = arith.addi %add3A_284, %shift_right_arithmetic3A_307 : vector<16xi32>
      %and3A_309 = arith.constant 8191 : i32
      %and3A_310 = vector.broadcast %and3A_309 : i32 to vector<16xi32>
      %and3A_311 = arith.andi %get3A_300, %and3A_310 : vector<16xi32>
      %add3A_312 = arith.addi %add3A_288, %and3A_311 : vector<16xi32>
      %shift_right_arithmetic3A_313 = arith.constant 13 : i32
      %shift_right_arithmetic3A_314 = vector.broadcast %shift_right_arithmetic3A_313 : i32 to vector<16xi32>
      %shift_right_arithmetic3A_315 = arith.shrsi %get3A_300, %shift_right_arithmetic3A_314 : vector<16xi32>
      %add3A_316 = arith.addi %add3A_292, %shift_right_arithmetic3A_315 : vector<16xi32>
      %add3A_317 = arith.constant 13056 : i32
      %add3A_318 = arith.addi %add3A_317, %mul3A_250 : i32
      %get3A_319 = arith.index_cast %add3A_318 : i32 to index
      %get3A_320 = tpu.vector_load %arg6[%get3A_319] {strides = array<i32>} : memref<34816xi32, #tpu.memory_space<vmem>>, vector<16xi32>,
      %add3A_321 = arith.constant 15232 : i32
      %add3A_322 = arith.addi %add3A_321, %mul3A_250 : i32
      %get3A_323 = arith.index_cast %add3A_322 : i32 to index
      %get3A_324 = tpu.vector_load %arg6[%get3A_323] {strides = array<i32>} : memref<34816xi32, #tpu.memory_space<vmem>>, vector<16xi32>,
      %and3A_325 = arith.constant 8191 : i32
      %and3A_326 = vector.broadcast %and3A_325 : i32 to vector<16xi32>
      %and3A_327 = arith.andi %get3A_320, %and3A_326 : vector<16xi32>
      %add3A_328 = arith.addi %add3A_304, %and3A_327 : vector<16xi32>
      %shift_right_arithmetic3A_329 = arith.constant 13 : i32
      %shift_right_arithmetic3A_330 = vector.broadcast %shift_right_arithmetic3A_329 : i32 to vector<16xi32>
      %shift_right_arithmetic3A_331 = arith.shrsi %get3A_320, %shift_right_arithmetic3A_330 : vector<16xi32>
      %add3A_332 = arith.addi %add3A_308, %shift_right_arithmetic3A_331 : vector<16xi32>
      %and3A_333 = arith.constant 8191 : i32
      %and3A_334 = vector.broadcast %and3A_333 : i32 to vector<16xi32>
      %and3A_335 = arith.andi %get3A_324, %and3A_334 : vector<16xi32>
      %add3A_336 = arith.addi %add3A_312, %and3A_335 : vector<16xi32>
      %shift_right_arithmetic3A_337 = arith.constant 13 : i32
      %shift_right_arithmetic3A_338 = vector.broadcast %shift_right_arithmetic3A_337 : i32 to vector<16xi32>
      %shift_right_arithmetic3A_339 = arith.shrsi %get3A_324, %shift_right_arithmetic3A_338 : vector<16xi32>
      %add3A_340 = arith.addi %add3A_316, %shift_right_arithmetic3A_339 : vector<16xi32>
      %add3A_341 = arith.constant 17408 : i32
      %add3A_342 = arith.addi %add3A_341, %mul3A_250 : i32
      %get3A_343 = arith.index_cast %add3A_342 : i32 to index
      %get3A_344 = tpu.vector_load %arg6[%get3A_343] {strides = array<i32>} : memref<34816xi32, #tpu.memory_space<vmem>>, vector<16xi32>,
      %add3A_345 = arith.constant 19584 : i32
      %add3A_346 = arith.addi %add3A_345, %mul3A_250 : i32
      %get3A_347 = arith.index_cast %add3A_346 : i32 to index
      %get3A_348 = tpu.vector_load %arg6[%get3A_347] {strides = array<i32>} : memref<34816xi32, #tpu.memory_space<vmem>>, vector<16xi32>,
      %and3A_349 = arith.constant 8191 : i32
      %and3A_350 = vector.broadcast %and3A_349 : i32 to vector<16xi32>
      %and3A_351 = arith.andi %get3A_344, %and3A_350 : vector<16xi32>
      %add3A_352 = arith.addi %add3A_328, %and3A_351 : vector<16xi32>
      %shift_right_arithmetic3A_353 = arith.constant 13 : i32
      %shift_right_arithmetic3A_354 = vector.broadcast %shift_right_arithmetic3A_353 : i32 to vector<16xi32>
      %shift_right_arithmetic3A_355 = arith.shrsi %get3A_344, %shift_right_arithmetic3A_354 : vector<16xi32>
      %add3A_356 = arith.addi %add3A_332, %shift_right_arithmetic3A_355 : vector<16xi32>
      %and3A_357 = arith.constant 8191 : i32
      %and3A_358 = vector.broadcast %and3A_357 : i32 to vector<16xi32>
      %and3A_359 = arith.andi %get3A_348, %and3A_358 : vector<16xi32>
      %add3A_360 = arith.addi %add3A_336, %and3A_359 : vector<16xi32>
      %shift_right_arithmetic3A_361 = arith.constant 13 : i32
      %shift_right_arithmetic3A_362 = vector.broadcast %shift_right_arithmetic3A_361 : i32 to vector<16xi32>
      %shift_right_arithmetic3A_363 = arith.shrsi %get3A_348, %shift_right_arithmetic3A_362 : vector<16xi32>
      %add3A_364 = arith.addi %add3A_340, %shift_right_arithmetic3A_363 : vector<16xi32>
      %add3A_365 = arith.constant 21760 : i32
      %add3A_366 = arith.addi %add3A_365, %mul3A_250 : i32
      %get3A_367 = arith.index_cast %add3A_366 : i32 to index
      %get3A_368 = tpu.vector_load %arg6[%get3A_367] {strides = array<i32>} : memref<34816xi32, #tpu.memory_space<vmem>>, vector<16xi32>,
      %add3A_369 = arith.constant 23936 : i32
      %add3A_370 = arith.addi %add3A_369, %mul3A_250 : i32
      %get3A_371 = arith.index_cast %add3A_370 : i32 to index
      %get3A_372 = tpu.vector_load %arg6[%get3A_371] {strides = array<i32>} : memref<34816xi32, #tpu.memory_space<vmem>>, vector<16xi32>,
      %and3A_373 = arith.constant 8191 : i32
      %and3A_374 = vector.broadcast %and3A_373 : i32 to vector<16xi32>
      %and3A_375 = arith.andi %get3A_368, %and3A_374 : vector<16xi32>
      %add3A_376 = arith.addi %add3A_352, %and3A_375 : vector<16xi32>
      %shift_right_arithmetic3A_377 = arith.constant 13 : i32
      %shift_right_arithmetic3A_378 = vector.broadcast %shift_right_arithmetic3A_377 : i32 to vector<16xi32>
      %shift_right_arithmetic3A_379 = arith.shrsi %get3A_368, %shift_right_arithmetic3A_378 : vector<16xi32>
      %add3A_380 = arith.addi %add3A_356, %shift_right_arithmetic3A_379 : vector<16xi32>
      %and3A_381 = arith.constant 8191 : i32
      %and3A_382 = vector.broadcast %and3A_381 : i32 to vector<16xi32>
      %and3A_383 = arith.andi %get3A_372, %and3A_382 : vector<16xi32>
      %add3A_384 = arith.addi %add3A_360, %and3A_383 : vector<16xi32>
      %shift_right_arithmetic3A_385 = arith.constant 13 : i32
      %shift_right_arithmetic3A_386 = vector.broadcast %shift_right_arithmetic3A_385 : i32 to vector<16xi32>
      %shift_right_arithmetic3A_387 = arith.shrsi %get3A_372, %shift_right_arithmetic3A_386 : vector<16xi32>
      %add3A_388 = arith.addi %add3A_364, %shift_right_arithmetic3A_387 : vector<16xi32>
      %add3A_389 = arith.constant 26112 : i32
      %add3A_390 = arith.addi %add3A_389, %mul3A_250 : i32
      %get3A_391 = arith.index_cast %add3A_390 : i32 to index
      %get3A_392 = tpu.vector_load %arg6[%get3A_391] {strides = array<i32>} : memref<34816xi32, #tpu.memory_space<vmem>>, vector<16xi32>,
      %add3A_393 = arith.constant 28288 : i32
      %add3A_394 = arith.addi %add3A_393, %mul3A_250 : i32
      %get3A_395 = arith.index_cast %add3A_394 : i32 to index
      %get3A_396 = tpu.vector_load %arg6[%get3A_395] {strides = array<i32>} : memref<34816xi32, #tpu.memory_space<vmem>>, vector<16xi32>,
      %and3A_397 = arith.constant 8191 : i32
      %and3A_398 = vector.broadcast %and3A_397 : i32 to vector<16xi32>
      %and3A_399 = arith.andi %get3A_392, %and3A_398 : vector<16xi32>
      %add3A_400 = arith.addi %add3A_376, %and3A_399 : vector<16xi32>
      %shift_right_arithmetic3A_401 = arith.constant 13 : i32
      %shift_right_arithmetic3A_402 = vector.broadcast %shift_right_arithmetic3A_401 : i32 to vector<16xi32>
      %shift_right_arithmetic3A_403 = arith.shrsi %get3A_392, %shift_right_arithmetic3A_402 : vector<16xi32>
      %add3A_404 = arith.addi %add3A_380, %shift_right_arithmetic3A_403 : vector<16xi32>
      %and3A_405 = arith.constant 8191 : i32
      %and3A_406 = vector.broadcast %and3A_405 : i32 to vector<16xi32>
      %and3A_407 = arith.andi %get3A_396, %and3A_406 : vector<16xi32>
      %add3A_408 = arith.addi %add3A_384, %and3A_407 : vector<16xi32>
      %shift_right_arithmetic3A_409 = arith.constant 13 : i32
      %shift_right_arithmetic3A_410 = vector.broadcast %shift_right_arithmetic3A_409 : i32 to vector<16xi32>
      %shift_right_arithmetic3A_411 = arith.shrsi %get3A_396, %shift_right_arithmetic3A_410 : vector<16xi32>
      %add3A_412 = arith.addi %add3A_388, %shift_right_arithmetic3A_411 : vector<16xi32>
      %add3A_413 = arith.constant 30464 : i32
      %add3A_414 = arith.addi %add3A_413, %mul3A_250 : i32
      %get3A_415 = arith.index_cast %add3A_414 : i32 to index
      %get3A_416 = tpu.vector_load %arg6[%get3A_415] {strides = array<i32>} : memref<34816xi32, #tpu.memory_space<vmem>>, vector<16xi32>,
      %add3A_417 = arith.constant 32640 : i32
      %add3A_418 = arith.addi %add3A_417, %mul3A_250 : i32
      %get3A_419 = arith.index_cast %add3A_418 : i32 to index
      %get3A_420 = tpu.vector_load %arg6[%get3A_419] {strides = array<i32>} : memref<34816xi32, #tpu.memory_space<vmem>>, vector<16xi32>,
      %and3A_421 = arith.constant 8191 : i32
      %and3A_422 = vector.broadcast %and3A_421 : i32 to vector<16xi32>
      %and3A_423 = arith.andi %get3A_416, %and3A_422 : vector<16xi32>
      %add3A_424 = arith.addi %add3A_400, %and3A_423 : vector<16xi32>
      %shift_right_arithmetic3A_425 = arith.constant 13 : i32
      %shift_right_arithmetic3A_426 = vector.broadcast %shift_right_arithmetic3A_425 : i32 to vector<16xi32>
      %shift_right_arithmetic3A_427 = arith.shrsi %get3A_416, %shift_right_arithmetic3A_426 : vector<16xi32>
      %add3A_428 = arith.addi %add3A_404, %shift_right_arithmetic3A_427 : vector<16xi32>
      %and3A_429 = arith.constant 8191 : i32
      %and3A_430 = vector.broadcast %and3A_429 : i32 to vector<16xi32>
      %and3A_431 = arith.andi %get3A_420, %and3A_430 : vector<16xi32>
      %add3A_432 = arith.addi %add3A_408, %and3A_431 : vector<16xi32>
      %shift_right_arithmetic3A_433 = arith.constant 13 : i32
      %shift_right_arithmetic3A_434 = vector.broadcast %shift_right_arithmetic3A_433 : i32 to vector<16xi32>
      %shift_right_arithmetic3A_435 = arith.shrsi %get3A_420, %shift_right_arithmetic3A_434 : vector<16xi32>
      %add3A_436 = arith.addi %add3A_412, %shift_right_arithmetic3A_435 : vector<16xi32>
      %add3A_437 = arith.addi %add3A_424, %add3A_432 : vector<16xi32>
      %swap3A_438 = arith.index_cast %mul3A_250 : i32 to index
      %swap3A_439 = tpu.vector_load %arg7[%swap3A_438] {strides = array<i32>} : memref<2176xi32, #tpu.memory_space<vmem>>, vector<16xi32>,
      tpu.vector_store %arg7[%swap3A_438], %add3A_437 {strides = array<i32>} : memref<2176xi32, #tpu.memory_space<vmem>>, vector<16xi32>,
      %add3A_440 = arith.addi %add3A_428, %add3A_436 : vector<16xi32>
      %swap3A_441 = arith.index_cast %mul3A_250 : i32 to index
      %swap3A_442 = tpu.vector_load %arg8[%swap3A_441] {strides = array<i32>} : memref<2176xi32, #tpu.memory_space<vmem>>, vector<16xi32>,
      tpu.vector_store %arg8[%swap3A_441], %add3A_440 {strides = array<i32>} : memref<2176xi32, #tpu.memory_space<vmem>>, vector<16xi32>,
    }
    %scan3A_49 = arith.constant 68 : i32
    "tpu.region"() ({
      %run_scoped3A = tpu.sem_alloc : memref<!tpu.dma_semaphore, #tpu.memory_space<semaphore_mem>>
      %dma_start3A_50 = arith.constant 0 : i32
      %dma_start3A_51 = tpu.memref_slice %arg3[%add3A, %dma_start3A_50] : memref<32x2176xi32, #tpu.memory_space<hbm>> -> memref<1x2176xi32, #tpu.memory_space<hbm>>
      %dma_start3A_52 = tpu.memref_squeeze %dma_start3A_51 : memref<1x2176xi32, #tpu.memory_space<hbm>> -> memref<2176xi32, #tpu.memory_space<hbm>>
      %dma_start3A_53 = arith.constant 0 : i32
      %dma_start3A_54 = tpu.memref_slice %arg3[%add3A, %dma_start3A_53] : memref<32x2176xi32, #tpu.memory_space<hbm>> -> memref<1x2176xi32, #tpu.memory_space<hbm>>
      %dma_start3A_55 = tpu.memref_squeeze %dma_start3A_54 : memref<1x2176xi32, #tpu.memory_space<hbm>> -> memref<2176xi32, #tpu.memory_space<hbm>>
      tpu.enqueue_dma source(%arg7 : memref<2176xi32, #tpu.memory_space<vmem>>) target(%dma_start3A_55 : memref<2176xi32, #tpu.memory_space<hbm>>) target_semaphore(%run_scoped3A : memref<!tpu.dma_semaphore, #tpu.memory_space<semaphore_mem>>)
      %dma_wait3A_56 = arith.constant 0 : i32
      %dma_wait3A_57 = tpu.memref_slice %arg3[%add3A, %dma_wait3A_56] : memref<32x2176xi32, #tpu.memory_space<hbm>> -> memref<1x2176xi32, #tpu.memory_space<hbm>>
      %dma_wait3A_58 = tpu.memref_squeeze %dma_wait3A_57 : memref<1x2176xi32, #tpu.memory_space<hbm>> -> memref<2176xi32, #tpu.memory_space<hbm>>
      %dma_wait3A_59 = arith.constant 0 : i32
      %dma_wait3A_60 = tpu.memref_slice %arg3[%add3A, %dma_wait3A_59] : memref<32x2176xi32, #tpu.memory_space<hbm>> -> memref<1x2176xi32, #tpu.memory_space<hbm>>
      %dma_wait3A_61 = tpu.memref_squeeze %dma_wait3A_60 : memref<1x2176xi32, #tpu.memory_space<hbm>> -> memref<2176xi32, #tpu.memory_space<hbm>>
      tpu.wait_dma2 semaphore(%run_scoped3A : memref<!tpu.dma_semaphore, #tpu.memory_space<semaphore_mem>>) src(%arg7 : memref<2176xi32, #tpu.memory_space<vmem>>) dst(%dma_wait3A_61 : memref<2176xi32, #tpu.memory_space<hbm>>)
      tpu.yield
    }) : () -> ()
    "tpu.region"() ({
      %run_scoped3A = tpu.sem_alloc : memref<!tpu.dma_semaphore, #tpu.memory_space<semaphore_mem>>
      %dma_start3A_50 = arith.constant 0 : i32
      %dma_start3A_51 = tpu.memref_slice %arg4[%add3A, %dma_start3A_50] : memref<32x2176xi32, #tpu.memory_space<hbm>> -> memref<1x2176xi32, #tpu.memory_space<hbm>>
      %dma_start3A_52 = tpu.memref_squeeze %dma_start3A_51 : memref<1x2176xi32, #tpu.memory_space<hbm>> -> memref<2176xi32, #tpu.memory_space<hbm>>
      %dma_start3A_53 = arith.constant 0 : i32
      %dma_start3A_54 = tpu.memref_slice %arg4[%add3A, %dma_start3A_53] : memref<32x2176xi32, #tpu.memory_space<hbm>> -> memref<1x2176xi32, #tpu.memory_space<hbm>>
      %dma_start3A_55 = tpu.memref_squeeze %dma_start3A_54 : memref<1x2176xi32, #tpu.memory_space<hbm>> -> memref<2176xi32, #tpu.memory_space<hbm>>
      tpu.enqueue_dma source(%arg8 : memref<2176xi32, #tpu.memory_space<vmem>>) target(%dma_start3A_55 : memref<2176xi32, #tpu.memory_space<hbm>>) target_semaphore(%run_scoped3A : memref<!tpu.dma_semaphore, #tpu.memory_space<semaphore_mem>>)
      %dma_wait3A_56 = arith.constant 0 : i32
      %dma_wait3A_57 = tpu.memref_slice %arg4[%add3A, %dma_wait3A_56] : memref<32x2176xi32, #tpu.memory_space<hbm>> -> memref<1x2176xi32, #tpu.memory_space<hbm>>
      %dma_wait3A_58 = tpu.memref_squeeze %dma_wait3A_57 : memref<1x2176xi32, #tpu.memory_space<hbm>> -> memref<2176xi32, #tpu.memory_space<hbm>>
      %dma_wait3A_59 = arith.constant 0 : i32
      %dma_wait3A_60 = tpu.memref_slice %arg4[%add3A, %dma_wait3A_59] : memref<32x2176xi32, #tpu.memory_space<hbm>> -> memref<1x2176xi32, #tpu.memory_space<hbm>>
      %dma_wait3A_61 = tpu.memref_squeeze %dma_wait3A_60 : memref<1x2176xi32, #tpu.memory_space<hbm>> -> memref<2176xi32, #tpu.memory_space<hbm>>
      tpu.wait_dma2 semaphore(%run_scoped3A : memref<!tpu.dma_semaphore, #tpu.memory_space<semaphore_mem>>) src(%arg8 : memref<2176xi32, #tpu.memory_space<vmem>>) dst(%dma_wait3A_61 : memref<2176xi32, #tpu.memory_space<hbm>>)
      tpu.yield
    }) : () -> ()
    return
  }
}

module attributes {stable_mosaic.version = 14 : i64} {
  func.func @_pre_body(%arg0: i32, %arg1: memref<512x512xf32, #tpu.memory_space<vmem>>, %arg2: memref<512x512xi32, #tpu.memory_space<vmem>>, %arg3: memref<512x256xi32, #tpu.memory_space<vmem>>) attributes {dimension_semantics = [#tpu.dimension_semantics<arbitrary>], iteration_bounds = array<i64: 4>, scalar_prefetch = 0 : i64, scratch_operands = 0 : i64, tpu.core_type = #tpu.core_type<tc>, window_params = [{transform_indices = @transform_0, window_bounds = array<i64: 512, 512>}, {transform_indices = @transform_1, window_bounds = array<i64: 512, 512>}, {transform_indices = @transform_2, window_bounds = array<i64: 512, 256>}]} {
    %get3A = arith.constant 0 : index
    %get3A_0 = arith.constant 0 : index
    %get3A_1 = vector.load %arg1[%get3A, %get3A_0] : memref<512x512xf32, #tpu.memory_space<vmem>>, vector<512x512xf32>
    %get3A_2 = arith.constant 0 : index
    %get3A_3 = arith.constant 0 : index
    %get3A_4 = vector.load %arg2[%get3A_2, %get3A_3] : memref<512x512xi32, #tpu.memory_space<vmem>>, vector<512x512xi32>
    %ne3A = arith.constant 0 : i32
    %ne3A_5 = vector.broadcast %ne3A : i32 to vector<512x512xi32>
    %ne3A_6 = arith.cmpi ne, %get3A_4, %ne3A_5 : vector<512x512xi32>
    %sub3A = arith.constant 1.000000e+00 : f32
    %sub3A_7 = vector.broadcast %sub3A : f32 to vector<512x512xf32>
    %sub3A_8 = arith.subf %sub3A_7, %get3A_1 : vector<512x512xf32>
    %add3A = arith.constant 1.000000e+00 : f32
    %add3A_9 = vector.broadcast %add3A : f32 to vector<512x512xf32>
    %add3A_10 = arith.addf %add3A_9, %get3A_1 : vector<512x512xf32>
    %select_n3A = arith.select %ne3A_6, %sub3A_8, %add3A_10 : vector<512x512xi1>, vector<512x512xf32>
    %mul3A = arith.constant -2.560000e+02 : f32
    %mul3A_11 = vector.broadcast %mul3A : f32 to vector<512x512xf32>
    %mul3A_12 = arith.mulf %select_n3A, %mul3A_11 : vector<512x512xf32>
    %add3A_13 = arith.constant 2.048000e+03 : f32
    %add3A_14 = vector.broadcast %add3A_13 : f32 to vector<512x512xf32>
    %add3A_15 = arith.addf %mul3A_12, %add3A_14 : vector<512x512xf32>
    %max3A = arith.constant 0.000000e+00 : f32
    %max3A_16 = vector.broadcast %max3A : f32 to vector<512x512xf32>
    %max3A_17 = arith.maximumf %add3A_15, %max3A_16 : vector<512x512xf32>
    %min3A = arith.constant 2.047000e+03 : f32
    %min3A_18 = vector.broadcast %min3A : f32 to vector<512x512xf32>
    %min3A_19 = arith.minimumf %max3A_17, %min3A_18 : vector<512x512xf32>
    %gt3A = arith.constant 0.000000e+00 : f32
    %gt3A_20 = vector.broadcast %gt3A : f32 to vector<512x512xf32>
    %gt3A_21 = arith.cmpf ogt, %select_n3A, %gt3A_20 : vector<512x512xf32>
    %convert_element_type3A = arith.fptosi %min3A_19 : vector<512x512xf32> to vector<512x512xi32>
    %jit3A = arith.constant 2048 : i32
    %broadcast_in_dim3A = vector.broadcast %jit3A : i32 to vector<512x512xi32>
    %select_n3A_22 = arith.select %gt3A_21, %convert_element_type3A, %broadcast_in_dim3A : vector<512x512xi1>, vector<512x512xi32>
    %mul3A_23 = arith.constant 2 : i32
    %mul3A_24 = vector.broadcast %mul3A_23 : i32 to vector<512x512xi32>
    %mul3A_25 = arith.muli %mul3A_24, %select_n3A_22 : vector<512x512xi32>
    %add3A_26 = arith.addi %mul3A_25, %get3A_4 : vector<512x512xi32>
    %slice3A = vector.extract_strided_slice %add3A_26 {offsets = [0, 0], sizes = [512, 256], strides = [1, 1]} : vector<512x512xi32> to vector<512x256xi32>
    %slice3A_27 = vector.extract_strided_slice %add3A_26 {offsets = [0, 256], sizes = [512, 256], strides = [1, 1]} : vector<512x512xi32> to vector<512x256xi32>
    %shift_left3A = arith.constant 16 : i32
    %shift_left3A_28 = vector.broadcast %shift_left3A : i32 to vector<512x256xi32>
    %shift_left3A_29 = arith.shli %slice3A_27, %shift_left3A_28 : vector<512x256xi32>
    %or3A = arith.ori %slice3A, %shift_left3A_29 : vector<512x256xi32>
    %swap3A = arith.constant 0 : index
    %swap3A_30 = arith.constant 0 : index
    %swap3A_31 = vector.load %arg3[%swap3A, %swap3A_30] : memref<512x256xi32, #tpu.memory_space<vmem>>, vector<512x256xi32>
    tpu.vector_store %arg3[%swap3A, %swap3A_30], %or3A {strides = array<i32>} : memref<512x256xi32, #tpu.memory_space<vmem>>, vector<512x256xi32>,
    return
  }
  func.func @transform_0(%arg0: i32) -> (i32, i32) {
    %c0_i32 = arith.constant 0 : i32
    %c0_i32_0 = arith.constant 0 : i32
    return %arg0, %c0_i32 : i32, i32
  }
  func.func @transform_1(%arg0: i32) -> (i32, i32) {
    %c0_i32 = arith.constant 0 : i32
    %c0_i32_0 = arith.constant 0 : i32
    return %arg0, %c0_i32 : i32, i32
  }
  func.func @transform_2(%arg0: i32) -> (i32, i32) {
    %c0_i32 = arith.constant 0 : i32
    %c0_i32_0 = arith.constant 0 : i32
    return %arg0, %c0_i32 : i32, i32
  }
}

module attributes {stable_mosaic.version = 14 : i64} {
  func.func @_epi_body(%arg0: memref<32x2176xi32, #tpu.memory_space<vmem>>, %arg1: memref<32x2176xi32, #tpu.memory_space<vmem>>, %arg2: memref<32x2176xi32, #tpu.memory_space<vmem>>, %arg3: memref<32x2176xi32, #tpu.memory_space<vmem>>, %arg4: memref<1x1xf32, #tpu.memory_space<smem>>) attributes {dimension_semantics = [], scalar_prefetch = 0 : i64, scratch_operands = 0 : i64, tpu.core_type = #tpu.core_type<tc>} {
    %iota3A = tpu.iota {dimensions = array<i32: 1>} : vector<4x32xi32>
    %iota3A_0 = tpu.iota {dimensions = array<i32: 0>} : vector<4x32xi32>
    %jit3A = arith.constant 8 : i32
    %div3A = vector.broadcast %jit3A : i32 to vector<4x32xi32>
    %div3A_1 = arith.divsi %iota3A, %div3A : vector<4x32xi32>
    %sign3A = arith.constant 0 : i32
    %sign3A_2 = vector.broadcast %sign3A : i32 to vector<4x32xi32>
    %sign3A_3 = arith.cmpi sgt, %iota3A, %sign3A_2 : vector<4x32xi32>
    %sign3A_4 = arith.extui %sign3A_3 : vector<4x32xi1> to vector<4x32xi32>
    %sign3A_5 = arith.constant 0 : i32
    %sign3A_6 = vector.broadcast %sign3A_5 : i32 to vector<4x32xi32>
    %sign3A_7 = arith.cmpi slt, %iota3A, %sign3A_6 : vector<4x32xi32>
    %sign3A_8 = arith.extui %sign3A_7 : vector<4x32xi1> to vector<4x32xi32>
    %sign3A_9 = arith.subi %sign3A_4, %sign3A_8 : vector<4x32xi32>
    %sign3A_10 = arith.constant 0 : i32
    %sign3A_11 = arith.cmpi sgt, %jit3A, %sign3A_10 : i32
    %sign3A_12 = arith.extui %sign3A_11 : i1 to i32
    %sign3A_13 = arith.constant 0 : i32
    %sign3A_14 = arith.cmpi slt, %jit3A, %sign3A_13 : i32
    %sign3A_15 = arith.extui %sign3A_14 : i1 to i32
    %sign3A_16 = arith.subi %sign3A_12, %sign3A_15 : i32
    %ne3A = vector.broadcast %sign3A_16 : i32 to vector<4x32xi32>
    %ne3A_17 = arith.cmpi ne, %sign3A_9, %ne3A : vector<4x32xi32>
    %rem3A = vector.broadcast %jit3A : i32 to vector<4x32xi32>
    %rem3A_18 = arith.remsi %iota3A, %rem3A : vector<4x32xi32>
    %ne3A_19 = arith.constant 0 : i32
    %ne3A_20 = vector.broadcast %ne3A_19 : i32 to vector<4x32xi32>
    %ne3A_21 = arith.cmpi ne, %rem3A_18, %ne3A_20 : vector<4x32xi32>
    %and3A = arith.andi %ne3A_17, %ne3A_21 : vector<4x32xi1>
    %sub3A = arith.constant 1 : i32
    %sub3A_22 = vector.broadcast %sub3A : i32 to vector<4x32xi32>
    %sub3A_23 = arith.subi %div3A_1, %sub3A_22 : vector<4x32xi32>
    %select_n3A = arith.select %and3A, %sub3A_23, %div3A_1 : vector<4x32xi1>, vector<4x32xi32>
    %eq3A = arith.cmpi eq, %select_n3A, %iota3A_0 : vector<4x32xi32>
    %convert_element_type3A = arith.extui %eq3A : vector<4x32xi1> to vector<4x32xi32>
    %convert_element_type3A_24 = arith.sitofp %convert_element_type3A : vector<4x32xi32> to vector<4x32xf32>
    %get3A = arith.constant 0 : index
    %get3A_25 = arith.constant 0 : index
    %get3A_26 = vector.load %arg0[%get3A, %get3A_25] : memref<32x2176xi32, #tpu.memory_space<vmem>>, vector<32x2176xi32>
    %convert_element_type3A_27 = arith.sitofp %get3A_26 : vector<32x2176xi32> to vector<32x2176xf32>
    %dot_general3A = arith.constant dense<0.000000e+00> : vector<4x2176xf32>
    %dot_general3A_28 = tpu.matmul %convert_element_type3A_24, %convert_element_type3A_27, %dot_general3A {dimension_numbers = #tpu.dot_dimension_numbers<[1], [0], [0], [1], [0, 0, 1, 1], [], []>, transpose_lhs_hint = false} : vector<4x32xf32>, vector<32x2176xf32>, vector<4x2176xf32> -> vector<4x2176xf32>
    %get3A_29 = arith.constant 0 : index
    %get3A_30 = arith.constant 0 : index
    %get3A_31 = vector.load %arg2[%get3A_29, %get3A_30] : memref<32x2176xi32, #tpu.memory_space<vmem>>, vector<32x2176xi32>
    %convert_element_type3A_32 = arith.sitofp %get3A_31 : vector<32x2176xi32> to vector<32x2176xf32>
    %dot_general3A_33 = arith.constant dense<0.000000e+00> : vector<4x2176xf32>
    %dot_general3A_34 = tpu.matmul %convert_element_type3A_24, %convert_element_type3A_32, %dot_general3A_33 {dimension_numbers = #tpu.dot_dimension_numbers<[1], [0], [0], [1], [0, 0, 1, 1], [], []>, transpose_lhs_hint = false} : vector<4x32xf32>, vector<32x2176xf32>, vector<4x2176xf32> -> vector<4x2176xf32>
    %concatenate3A = tpu.concatenate %dot_general3A_28, %dot_general3A_34 in 0 : vector<4x2176xf32>, vector<4x2176xf32> -> vector<8x2176xf32>
    %get3A_35 = arith.constant 0 : index
    %get3A_36 = arith.constant 0 : index
    %get3A_37 = vector.load %arg1[%get3A_35, %get3A_36] : memref<32x2176xi32, #tpu.memory_space<vmem>>, vector<32x2176xi32>
    %convert_element_type3A_38 = arith.sitofp %get3A_37 : vector<32x2176xi32> to vector<32x2176xf32>
    %dot_general3A_39 = arith.constant dense<0.000000e+00> : vector<4x2176xf32>
    %dot_general3A_40 = tpu.matmul %convert_element_type3A_24, %convert_element_type3A_38, %dot_general3A_39 {dimension_numbers = #tpu.dot_dimension_numbers<[1], [0], [0], [1], [0, 0, 1, 1], [], []>, transpose_lhs_hint = false} : vector<4x32xf32>, vector<32x2176xf32>, vector<4x2176xf32> -> vector<4x2176xf32>
    %get3A_41 = arith.constant 0 : index
    %get3A_42 = arith.constant 0 : index
    %get3A_43 = vector.load %arg3[%get3A_41, %get3A_42] : memref<32x2176xi32, #tpu.memory_space<vmem>>, vector<32x2176xi32>
    %convert_element_type3A_44 = arith.sitofp %get3A_43 : vector<32x2176xi32> to vector<32x2176xf32>
    %dot_general3A_45 = arith.constant dense<0.000000e+00> : vector<4x2176xf32>
    %dot_general3A_46 = tpu.matmul %convert_element_type3A_24, %convert_element_type3A_44, %dot_general3A_45 {dimension_numbers = #tpu.dot_dimension_numbers<[1], [0], [0], [1], [0, 0, 1, 1], [], []>, transpose_lhs_hint = false} : vector<4x32xf32>, vector<32x2176xf32>, vector<4x2176xf32> -> vector<4x2176xf32>
    %concatenate3A_47 = tpu.concatenate %dot_general3A_40, %dot_general3A_46 in 0 : vector<4x2176xf32>, vector<4x2176xf32> -> vector<8x2176xf32>
    %reduce_sum3A = arith.constant dense<0.000000e+00> : vector<8xf32>
    %reduce_sum3A_48 = vector.multi_reduction <add>, %concatenate3A_47, %reduce_sum3A [1] : vector<8x2176xf32> to vector<8xf32>
    %broadcast_in_dim3A = vector.shape_cast %reduce_sum3A_48 : vector<8xf32> to vector<8x1xf32>
    %slice3A = vector.extract_strided_slice %concatenate3A {offsets = [0, 0], sizes = [8, 2048], strides = [1, 1]} : vector<8x2176xf32> to vector<8x2048xf32>
    %slice3A_49 = vector.extract_strided_slice %concatenate3A_47 {offsets = [0, 0], sizes = [8, 2048], strides = [1, 1]} : vector<8x2176xf32> to vector<8x2048xf32>
    %iota3A_50 = tpu.iota {dimensions = array<i32: 0>} : vector<2048x2048xi32>
    %iota3A_51 = tpu.iota {dimensions = array<i32: 1>} : vector<2048x2048xi32>
    %le3A = arith.cmpi sle, %iota3A_50, %iota3A_51 : vector<2048x2048xi32>
    %convert_element_type3A_52 = arith.extui %le3A : vector<2048x2048xi1> to vector<2048x2048xi32>
    %convert_element_type3A_53 = arith.sitofp %convert_element_type3A_52 : vector<2048x2048xi32> to vector<2048x2048xf32>
    %dot_general3A_54 = arith.constant dense<0.000000e+00> : vector<8x2048xf32>
    %dot_general3A_55 = tpu.matmul %slice3A, %convert_element_type3A_53, %dot_general3A_54 {dimension_numbers = #tpu.dot_dimension_numbers<[1], [0], [0], [1], [0, 0, 1, 1], [], []>, transpose_lhs_hint = false} : vector<8x2048xf32>, vector<2048x2048xf32>, vector<8x2048xf32> -> vector<8x2048xf32>
    %dot_general3A_56 = arith.constant dense<0.000000e+00> : vector<8x2048xf32>
    %dot_general3A_57 = tpu.matmul %slice3A_49, %convert_element_type3A_53, %dot_general3A_56 {dimension_numbers = #tpu.dot_dimension_numbers<[1], [0], [0], [1], [0, 0, 1, 1], [], []>, transpose_lhs_hint = false} : vector<8x2048xf32>, vector<2048x2048xf32>, vector<8x2048xf32> -> vector<8x2048xf32>
    %add3A = vector.broadcast %broadcast_in_dim3A : vector<8x1xf32> to vector<8x2048xf32>
    %add3A_58 = arith.addf %add3A, %dot_general3A_55 : vector<8x2048xf32>
    %sub3A_59 = arith.subf %add3A_58, %dot_general3A_57 : vector<8x2048xf32>
    %gt3A = arith.constant 0.000000e+00 : f32
    %gt3A_60 = vector.broadcast %gt3A : f32 to vector<8x2048xf32>
    %gt3A_61 = arith.cmpf ogt, %sub3A_59, %gt3A_60 : vector<8x2048xf32>
    %sub3A_62 = vector.broadcast %broadcast_in_dim3A : vector<8x1xf32> to vector<8x2048xf32>
    %sub3A_63 = arith.subf %sub3A_62, %dot_general3A_57 : vector<8x2048xf32>
    %gt3A_64 = arith.constant 0.000000e+00 : f32
    %gt3A_65 = vector.broadcast %gt3A_64 : f32 to vector<8x2048xf32>
    %gt3A_66 = arith.cmpf ogt, %sub3A_59, %gt3A_65 : vector<8x2048xf32>
    %jit3A_67 = arith.constant 1.000000e+00 : f32
    %broadcast_in_dim3A_68 = vector.broadcast %jit3A_67 : f32 to vector<8x2048xf32>
    %select_n3A_69 = arith.select %gt3A_66, %sub3A_59, %broadcast_in_dim3A_68 : vector<8x2048xi1>, vector<8x2048xf32>
    %div3A_70 = arith.divf %sub3A_63, %select_n3A_69 : vector<8x2048xf32>
    %sub3A_71 = arith.constant 1.000000e+00 : f32
    %sub3A_72 = vector.broadcast %sub3A_71 : f32 to vector<8x2048xf32>
    %sub3A_73 = arith.subf %sub3A_72, %div3A_70 : vector<8x2048xf32>
    %jit3A_74 = arith.constant 0.000000e+00 : f32
    %broadcast_in_dim3A_75 = vector.broadcast %jit3A_74 : f32 to vector<8x2048xf32>
    %select_n3A_76 = arith.select %gt3A_61, %sub3A_73, %broadcast_in_dim3A_75 : vector<8x2048xi1>, vector<8x2048xf32>
    %broadcast_in_dim3A_77 = arith.constant 0.000000e+00 : f32
    %broadcast_in_dim3A_78 = vector.broadcast %broadcast_in_dim3A_77 : f32 to vector<8x1xf32>
    %slice3A_79 = vector.extract_strided_slice %select_n3A_76 {offsets = [0, 0], sizes = [8, 2047], strides = [1, 1]} : vector<8x2048xf32> to vector<8x2047xf32>
    %concatenate3A_80 = tpu.concatenate %broadcast_in_dim3A_78, %slice3A_79 in 1 : vector<8x1xf32>, vector<8x2047xf32> -> vector<8x2048xf32>
    %iota3A_81 = tpu.iota {dimensions = array<i32: 1>} : vector<8x2048xi32>
    %convert_element_type3A_82 = arith.sitofp %iota3A_81 : vector<8x2048xi32> to vector<8x2048xf32>
    %add3A_83 = arith.constant 5.000000e-01 : f32
    %add3A_84 = vector.broadcast %add3A_83 : f32 to vector<8x2048xf32>
    %add3A_85 = arith.addf %convert_element_type3A_82, %add3A_84 : vector<8x2048xf32>
    %mul3A = arith.constant 3.906250e-03 : f32
    %mul3A_86 = vector.broadcast %mul3A : f32 to vector<8x2048xf32>
    %mul3A_87 = arith.mulf %add3A_85, %mul3A_86 : vector<8x2048xf32>
    %sub3A_88 = arith.constant 8.000000e+00 : f32
    %sub3A_89 = vector.broadcast %sub3A_88 : f32 to vector<8x2048xf32>
    %sub3A_90 = arith.subf %sub3A_89, %mul3A_87 : vector<8x2048xf32>
    %sub3A_91 = arith.subf %select_n3A_76, %concatenate3A_80 : vector<8x2048xf32>
    %mul3A_92 = arith.mulf %sub3A_90, %sub3A_91 : vector<8x2048xf32>
    %reduce_sum3A_93 = arith.constant dense<0.000000e+00> : vector<8xf32>
    %reduce_sum3A_94 = vector.multi_reduction <add>, %mul3A_92, %reduce_sum3A_93 [1] : vector<8x2048xf32> to vector<8xf32>
    %reduce_sum3A_95 = vector.shape_cast %reduce_sum3A_94 : vector<8xf32> to vector<1x8xf32>
    %reduce_sum3A_96 = arith.constant dense<0.000000e+00> : vector<1xf32>
    %reduce_sum3A_97 = vector.multi_reduction <add>, %reduce_sum3A_95, %reduce_sum3A_96 [1] : vector<1x8xf32> to vector<1xf32>
    %reduce_sum3A_98 = vector.shape_cast %reduce_sum3A_97 : vector<1xf32> to vector<1x1xf32>
    %reduce_sum3A_99 = vector.extract %reduce_sum3A_98[0, 0] : f32 from vector<1x1xf32>
    %mul3A_100 = arith.constant 1.250000e-01 : f32
    %mul3A_101 = arith.mulf %reduce_sum3A_99, %mul3A_100 : f32
    %swap3A = arith.constant 0 : index
    %swap3A_102 = arith.constant 0 : index
    %swap3A_103 = memref.load %arg4[%swap3A, %swap3A_102] : memref<1x1xf32, #tpu.memory_space<smem>>
    memref.store %mul3A_101, %arg4[%swap3A, %swap3A_102] : memref<1x1xf32, #tpu.memory_space<smem>>
    return
  }
}

</mosaic_0001>

<sc_bundles>
// kernel: kernel.10.cloned.1.call-start
scs
__scs_entry_jumppad:
0x0: {  	(pc) =	sbr.rel $0x88, $3  }
0x1: {  	(tag) =	ssettag $0x0;
	lr =	simm.s32 $0x1  }
0x2: {  	[smem:$0x3F9F] =	sst lr;
	_ =	strace $0xD0000000  }
0x3: {  	_ = 	snop  }
0x4: {  	_ = 	snop  }
0x5: {  	_ = 	snop  }
0x6: {  	_ = 	snop  }
0x7: {  	_ = 	snop  }
__scs_overlays_trampoline_lowered:
0x8: {  	[smem:$0x3FAE] =	sst s0  }
0x9: {  	[smem:$0x3FAF] =	sst s1  }
0xa: {  	[smem:$0x3FB0] =	sst s2  }
0xb: {  	[smem:$0x3FB1] =	sst s3  }
0xc: {  	[smem:$0x3FB2] =	sst s4  }
0xd: {  	[smem:$0x3FB3] =	sst s5  }
0xe: {  	[smem:$0x3FB4] =	sst s6  }
0xf: {  	[smem:$0x3FB5] =	sst s7  }
0x10: {  	[smem:$0x3FB6] =	sst s8  }
0x11: {  	[smem:$0x3FB7] =	sst s9;
	s0 =	simm.s32 @!p0 $0x0  }
0x12: {  	s1 =	sld [smem:$0x3F9D];
	s0 =	simm.s32 @p0 $0x1  }
0x13: {  	[smem:$0x3FB8] =	sst s0;
	s0 =	simm.s32 @!p1 $0x0  }
0x14: {  	s2 =	sld [smem:$0x3F9C];
	s0 =	simm.s32 @p1 $0x1  }
0x15: {  	[smem:$0x3FB9] =	sst s0;
	s0 =	simm.s32 @!p2 $0x0  }
0x16: {  	s3 =	sld [smem:$0x3FDB];
	s0 =	simm.s32 @p2 $0x1  }
0x17: {  	s4 =	simm.s32 $0x1BF5;
	[smem:$0x3FBB] =	sst s0  }
0x18: {  	s0 =	sld [smem:$0x3F9E];
	_ =	swait.ge [sflag:s4], $0x0  }
0x19: {  	s7 =	sld [smem:$0x3F9F]  }
0x1a: {  	s8 =	sadd.s32 $0xFFFFE003, lr  }
0x1b: {  	s9 =	sadd.s32 $0xFFFFFEF7, lr;
	s5 =	simm.s32 $0xFFFFFFFF;
	p2 =	slt.u32 s8, $0xFFFFF086  }
0x1c: {  	p1 =	slt.u32 s9, $0xF7A;
	s5 =	simm.s32 @!p2 $0x0  }
0x1d: {  	s5 =	simm.s32 @p1 $0x1;
	p0 =	seq.s32 s7, s2  }
0x1e: {  	s7 =	smul.u32 @!p0 $0xF7A, s2;
	p2 =	seq.s32 @!p0 s5, $0x0  }
0x1f: {  	s9 =	smul.u32 $0xF7A, s1;
	s8 =	simm.s32 @!p0 $0x1BF5;
	p2 =	por !p2, p0  }
0x20: {  	[sflag:s8] =	ssyncset.s32 @!p0 $0xFFFFF086;
	s6 =	sadd.s32 @!p0 s3, s7;
	s7 =	simm.s32 @!p0 $0x108  }
0x21: {  	s3 =	sadd.s32 s3, s9;
	s6 =	sadd.s32 @!p0 $0x88, s6;
	s7 =	simm.s32 @p2 $0x1082  }
0x22: {  	[simem:s7], [sflag:s8] =	dma.local @!p0 [hbm:s6], $0xF7A  }
0x23: {  	s9 =	sor.u32 $0xD0000000, s2;
	s6 =	simm.s32 $0x108;
	_ =	swait.ge @!p0 [sflag:s8], $0x0  }
0x24: {  	s3 =	sadd.s32 $0x88, s3;
	s6 =	simm.s32 @!p1 $0x1082;
	[sflag:s4] =	ssyncset.s32 $0xFFFFF086  }
0x25: {  	[simem:s6], [sflag:s4] =	dma.local [hbm:s3], $0xF7A  }
0x26: {  	[smem:$0x3F9F] =	sst s1;
	(tag) =	ssettag s2;
	_ =	strace s9  }
0x27: {  	s1 =	sld [smem:$0x3FAF]  }
0x28: {  	s2 =	sld [smem:$0x3FB0]  }
0x29: {  	s4 =	sld [smem:$0x3FB2]  }
0x2a: {  	p0 =	seq.s32 s5, $0x0;
	s5 =	sld [smem:$0x3FB3]  }
0x2b: {  	s6 =	sld [smem:$0x3FB4]  }
0x2c: {  	s7 =	sld [smem:$0x3FB5]  }
0x2d: {  	s3 =	simm.s32 $0x108;
	s8 =	sld [smem:$0x3FB6]  }
0x2e: {  	s3 =	simm.s32 @!p0 $0x1082;
	s9 =	sld [smem:$0x3FB7]  }
0x2f: {  	lr =	sadd.s32 s0, s3;
	s0 =	sld [smem:$0x3FAE]  }
0x30: {  	s3 =	sld [smem:$0x3FB1]  }
0x31: {  	[smem:$0x3FBA] =	sst s10  }
0x32: {  	s10 =	sld [smem:$0x3FB8];
	_ =	sdelay $0x3  }
0x33: {  	p0 =	seq.s32 s10, $0x1;
	s10 =	sld [smem:$0x3FBA];
	_ =	sdelay $0x3  }
0x34: {  	[smem:$0x3FBA] =	sst s10  }
0x35: {  	s10 =	sld [smem:$0x3FB9];
	_ =	sdelay $0x3  }
0x36: {  	p1 =	seq.s32 s10, $0x1;
	s10 =	sld [smem:$0x3FBA];
	_ =	sdelay $0x3  }
0x37: {  	[smem:$0x3FBA] =	sst s10  }
0x38: {  	s10 =	sld [smem:$0x3FBB]  }
0x39: {  	_ = 	snop;
	(pc) =	sbr.ind lr, $3  }
0x3a: {  	_ = 	snop  }
0x3b: {  	_ = 	snop  }
0x3c: {  	p2 =	seq.s32 s10, $0x1;
	s10 =	sld [smem:$0x3FBA]  }
0x3d: {  	_ =	shalt  }
0x3e: {  	_ =	shalt  }
0x3f: {  	_ =	shalt  }
0x40: {  	_ =	shalt  }
0x41: {  	_ =	shalt  }
0x42: {  	_ =	shalt  }
0x43: {  	_ =	shalt  }
0x44: {  	_ =	shalt  }
0x45: {  	_ =	shalt  }
0x46: {  	_ =	shalt  }
0x47: {  	_ =	shalt  }
0x48: {  	_ =	shalt  }
0x49: {  	_ =	shalt  }
0x4a: {  	_ =	shalt  }
0x4b: {  	_ =	shalt  }
0x4c: {  	_ =	shalt  }
0x4d: {  	_ =	shalt  }
0x4e: {  	_ =	shalt  }
0x4f: {  	_ =	shalt  }
0x50: {  	_ =	shalt  }
0x51: {  	_ =	shalt  }
0x52: {  	_ =	shalt  }
0x53: {  	_ =	shalt  }
0x54: {  	_ =	shalt  }
0x55: {  	_ =	shalt  }
0x56: {  	_ =	shalt  }
0x57: {  	_ =	shalt  }
0x58: {  	_ =	shalt  }
0x59: {  	_ =	shalt  }
0x5a: {  	_ =	shalt  }
0x5b: {  	_ =	shalt  }
0x5c: {  	_ =	shalt  }
0x5d: {  	_ =	shalt  }
0x5e: {  	_ =	shalt  }
0x5f: {  	_ =	shalt  }
0x60: {  	_ =	shalt  }
0x61: {  	_ =	shalt  }
0x62: {  	_ =	shalt  }
0x63: {  	_ =	shalt  }
0x64: {  	_ =	shalt  }
0x65: {  	_ =	shalt  }
0x66: {  	_ =	shalt  }
0x67: {  	_ =	shalt  }
0x68: {  	_ =	shalt  }
0x69: {  	_ =	shalt  }
0x6a: {  	_ =	shalt  }
0x6b: {  	_ =	shalt  }
0x6c: {  	_ =	shalt  }
0x6d: {  	_ =	shalt  }
0x6e: {  	_ =	shalt  }
0x6f: {  	_ =	shalt  }
0x70: {  	_ =	shalt  }
0x71: {  	_ =	shalt  }
0x72: {  	_ =	shalt  }
0x73: {  	_ =	shalt  }
0x74: {  	_ =	shalt  }
0x75: {  	_ =	shalt  }
0x76: {  	_ =	shalt  }
0x77: {  	_ =	shalt  }
0x78: {  	_ =	shalt  }
0x79: {  	_ =	shalt  }
0x7a: {  	_ =	shalt  }
0x7b: {  	_ =	shalt  }
0x7c: {  	_ =	shalt  }
0x7d: {  	_ =	shalt  }
0x7e: {  	_ =	shalt  }
0x7f: {  	_ =	shalt  }
0x80: {  	_ =	shalt  }
0x81: {  	_ =	shalt  }
0x82: {  	_ =	shalt  }
0x83: {  	_ =	shalt  }
0x84: {  	_ =	shalt  }
0x85: {  	_ =	shalt  }
0x86: {  	_ =	shalt  }
0x87: {  	_ =	shalt  }
.Lfunc_end0:
.L_simem_size_0:
called_computation.1_lowered:
.L_overlay_start_0:
0x88: {  	s2 =	sld [smem:$0x3FD9]  }
0x89: {  	s3 =	sld [smem:$0x3FFE];
	_ =	sdelay $0x1  }
0x8a: {  	s1 =	srdreg.scid  }
0x8b: {  	s0 =	sand.u32 $0x1, s1  }
0x8c: {  	s16 =	sshll.u32 s0, $0xA;
	s2 =	sadd.s32 s3, s2  }
0x8d: {  	s2 =	sadd.s32 s2, s16  }
0x8e: {  	[smem:$0x3FC6] =	sst s2  }
0x8f: {  	_ = 	snop  }
0x90: {  	(tm) =	ssettm $0x1  }
0x91: {  	s17 =	sld [smem:$0x3FFB];
	_ =	sdelay $0x3  }
0x92: {  	_ =	strace s17  }
0x93: {  	s2 =	sld [smem:$0x3FFC];
	_ =	sdelay $0x3  }
0x94: {  	_ =	strace s2  }
0x95: {  	s2 =	sld [smem:$0x3FFD];
	_ =	sdelay $0x3  }
0x96: {  	_ =	strace s2  }
0x97: {  	_ =	strace $0x8FFFFFFF  }
0x98: {  	s18 =	sld [smem:$0x3FDB];
	_ =	sdelay $0x1  }
0x99: {  	s19 =	simm.s32 $_scs_section_size  }
0x9a: {  	s4 =	simm.s32 $_size__tile_overlayer_lowered;
	s5 =	simm.s32 $_tile_overlayer_lowered  }
0x9b: {  	s22 =	simm.s32 $0x1BFF;
	s21 =	sshll.u32 s5, $0x1;
	s2 =	sadd.s32 s19, s18  }
0x9c: {  	s6 =	simm.s32 $0x0;
	s20 =	sshll.u32 s4, $0x1;
	s4 =	sadd.s32 s21, s2  }
0x9d: {  	[timem:s6], [sflag:s22] =	dma.local [hbm:s4], s20  }
0x9e: {  	_ =	swait.ge [sflag:s22], s20  }
0x9f: {  	s3 =	ssub.s32 $0x0, s20;
	[sflag:s22] =	ssyncset.done $0x0  }
0xa0: {  	[sflag:s22] =	ssyncadd.s32 s3;
	_ =	sdelay $0x1  }
0xa1: {  	s23 =	simm.s32 $0x1B8B  }
0xa2: {  	_ =	swait.ge [sflag:s23], $0x1  }
0xa3: {  	[sflag:s23] =	ssyncset.done $0x0  }
0xa4: {  	s25 =	simm.s32 $0x1B8E;
	s24 =	sld [smem:$0x3FFE];
	[sflag:s23] =	ssyncadd.s32 $0xFFFFFFFF  }
0xa5: {  	s26 =	simm.s32 $execute0_lowered;
	[smem:$0x3FD2] =	sst s25  }
0xa6: {  	s4 =	sshll.u32 s26, $0x1;
	_ =	strace $0x80000046;
	[dreg:$0x1] =	wrdreg $0xFFFFFFFF  }
0xa7: {  	s28 =	simm.s32 $_size_execute0_lowered;
	s2 =	sadd.s32 s2, s4;
	[dreg:$0x0] =	wrdreg $0x0  }
0xa8: {  	s4 =	sshll.u32 s28, $0x1;
	[dreg:$0x2] =	wrdreg s2  }
0xa9: {  	[dreg:$0x3] =	wrdreg s4  }
0xaa: {  	[dreg:$0x4] =	wrdreg $0xC0  }
0xab: {  	_ =	task [dreg:s6], $0x5FFFF  }
0xac: {  	[dreg:$0x1] =	wrdreg $0xFFFFFFFF  }
0xad: {  	[dreg:$0x0] =	wrdreg $0x60  }
0xae: {  	[dreg:$0x2] =	wrdreg s24  }
0xaf: {  	[dreg:$0x3] =	wrdreg $0xA  }
0xb0: {  	_ =	task.clear_ibuf [dreg:s6], $0x4FFFF;
	_ =	strace $0x90000046  }
0xb1: {  	s29 =	simm.s32 $0xA;
	_ =	strace $0x80000048  }
0xb2: {  	_ =	swait.ge [sflag:s29], $0x1  }
0xb3: {  	[sflag:s29] =	ssyncadd.s32 $0xFFFFFFFF  }
0xb4: {  	_ =	strace $0x90000048  }
0xb5: {  	_ =	sfence  }
0xb6: {  	s30 =	sld [smem:$0x0];
	_ =	sdelay $0x2  }
0xb7: {  	s31 =	sshll.u32 s1, $0xD;
	s1 =	sshrl.u32 s1, $0x2  }
0xb8: {  	s3 =	sand.u32 $0x4000, s31;
	s1 =	sadd.s32 s1, s30  }
0xb9: {  	s0 =	sor.u32 s3, s0;
	s1 =	sshll.u32 s1, $0x11  }
0xba: {  	s0 =	sor.u32 s1, s0  }
0xbb: {  	s0 =	sadd.s32 $0x8F2B, s0  }
0xbc: {  	[sflag:s0] =	ssyncadd.remote.s32 $0x1  }
0xbd: {  	_ =	sfence.sel $0xFFFF  }
0xbe: {  	[dreg:$0x0] =	wrdreg $0xFFFFFFFF;
	(pc) =	sbr.abs _section_cstart, $3  }
0xbf: {  	[dreg:$0x1] =	wrdreg $0xFFFFFFFF  }
0xc0: {  	_ =	task.clear_ibuf [dreg:s6], $0x2FFFF;
	_ =	strace $0x9FFFFFFF  }
0xc1: {  	(tm) =	ssettm $0x7FFFFFFF  }
tec
execute0_lowered:
.L_overlay_start_1:
0x0: {  	(tag) =	ssettag $0x1  }
0x1: {  	s0 =	srdreg.scid  }
0x2: {  	s4 =	rddreg [dreg:$0x0];
	s2 =	simm.s32 $0x0;
	s3 =	sand.u32 $0x1, s0  }
0x3: {  	s8 =	simm.s32 $0x1;
	s0 =	stileid.u32;
	s1 =	sshll.u32 s3, $0x4  }
0x4: {  	s9 =	simm.s32 $0x80;
	s10 =	simm.s32 $0x400;
	s5 =	sor.u32 s0, s1  }
0x5: {  	s11 =	simm.s32 $0xC800;
	s12 =	simm.s32 $0x3;
	s6 =	sshrl.u32 s5, $0x3  }
0x6: {  	s13 =	simm.s32 $0xD080;
	s7 =	sshll.u32 s0, $0x7;
	s6 =	smul.u32 $0x4400, s6  }
0x7: {  	s14 =	simm.s32 $0x0;
	[smem:$0x7FF] =	sst s2;
	s7 =	sand.u32 $0x380, s7  }
0x8: {  	s3 =	ssub.s32 $0x2, s3;
	s1 =	rddreg [dreg:$0x1];
	s6 =	sor.u32 s7, s6  }
0x9: {  	_ =	strace $0x80000047;
	s5 =	sshll.u32 s5, $0xB;
	s6 =	sshrl.u32 s6, $0x3  }
0xa: {  	v1 =	vlaneseq.u32;
	s31 =	sshrl.u32 s3, $0x1;
	s5 =	sadd.s32 s5, s4;
	s6 =	sadd.s32 s6, s4  }
0xb: {  	v1 =	vmul.u32 $0x880, v1;
	s7 =	ssub.s32 s3, s31;
	s3 =	sadd.s32 $0x2200, s5;
	s4 =	sadd.s32 $0x12200, s6  }
0xc: {  	v0 =	vimm.s32 $0x0;
	v2 =	vimm.s32 $0x2001;
	s5 =	sadd.s32 $0x14400, s6;
	s6 =	smax.u32 s7, $0x1;
	s7 =	simm.s32 $0x4000  }
.LBB2_1:
0xd: {  	s16 =	simm.s32 $0x0;
	s15 =	simm.s32 $0x200  }
.LBB2_2:
0xe: {  	p0 =	sne.s32 s15, $0x21E00;
	[tilespmem:s16+$0x4070] =	vst v0  }
0xf: {  	[tilespmem:s16+$0x4000] =	vst v0  }
0x10: {  	[tilespmem:s16+$0x4010] =	vst v0  }
.Ltmp0:
0x11: {  	[tilespmem:s16+$0x4020] =	vst v0;
	(pc) =	sbr.rel @p0 .LBB2_2-.Ltmp0, $4  }
0x12: {  	[tilespmem:s16+$0x4030] =	vst v0  }
0x13: {  	[tilespmem:s16+$0x4040] =	vst v0  }
0x14: {  	[tilespmem:s16+$0x4050] =	vst v0  }
0x15: {  	[tilespmem:s16+$0x4060] =	vst v0;
	s16 =	sshra.s32 s15, $0x2;
	s15 =	sadd.s32 $0x200, s15  }
0x16: {  	[tilespmem:s16+$0x4070] =	vst v0  }
0x17: {  	[tilespmem:s16+$0x4000] =	vst v0  }
0x18: {  	[tilespmem:s16+$0x4010] =	vst v0  }
0x19: {  	[tilespmem:s16+$0x4020] =	vst v0  }
0x1a: {  	[tilespmem:s16+$0x4030] =	vst v0  }
0x1b: {  	[tilespmem:s16+$0x4040] =	vst v0  }
0x1c: {  	[tilespmem:s16+$0x4050] =	vst v0  }
0x1d: {  	s15 =	simm.s32 $0x0;
	[tilespmem:s16+$0x4060] =	vst v0;
	s16 =	simm.s32 $0x0;
	s17 =	simm.s32 $0x0  }
.LBB2_4:
0x1e: {  	p0 =	seq.s32 s17, $0x3F0  }
.Ltmp1:
0x1f: {  	_ = 	snop;
	(pc) =	sbr.rel @!p0 .LBB2_4-.Ltmp1, $4  }
0x20: {  	_ = 	snop  }
0x21: {  	s18 =	sadd.s32 s17, s3  }
0x22: {  	[tilespmem:s16], [sflag:$0x1] =	stream.linear.gather [hbm4b:s18+s15], $0x80, $0x38;
	[tilespmem:$0xD900] =	vst v63  }
0x23: {  	s17 =	sadd.s32 $0x10, s17;
	s16 =	sadd.s32 $0x100, s16  }
0x24: {  	p1 =	por $0x1, $0x1  }
.LBB2_7:
0x25: {  	s16 =	sadd.s32 $0x1, s15  }
0x26: {  	s17 =	sand.u32 $0x1, s16  }
0x27: {  	p0 =	por p1, p1;
	s18 =	sshll.u32 s16, $0x7;
	s19 =	sshll.u32 s17, $0xA  }
0x28: {  	s20 =	simm.s32 $0x10;
	s18 =	sand.u32 $0x80, s18;
	s19 =	sadd.s32 s19, s3  }
0x29: {  	s17 =	sadd.s32 $0x1, s17;
	s21 =	sadd.s32 $0x100, s18;
	s22 =	sadd.s32 $0x0, s19  }
.LBB2_8:
0x2a: {  	[tilespmem:s18], [sflag:s17] =	stream.linear.gather [hbm4b:s22+s2], $0x80, $0x38;
	[tilespmem:$0xD900] =	vst v63  }
0x2b: {  	s22 =	smov.u32 s20;
	s18 =	smov.u32 s21;
	p1 =	sne.s32 s20, $0x3F0  }
.Ltmp2:
0x2c: {  	s20 =	sadd.s32 $0x10, s20;
	(pc) =	sbr.rel @p1 .LBB2_8-.Ltmp2, $2  }
0x2d: {  	_ =	sdelay $0x2  }
0x2e: {  	s21 =	sadd.s32 $0x100, s21;
	s22 =	sadd.s32 s22, s19  }
0x2f: {  	s15 =	sshll.u32 s15, $0x7  }
0x30: {  	s15 =	sand.u32 $0x3FFFFF80, s15  }
0x31: {  	s15 =	sor.u32 $0x40, s15  }
0x32: {  	v3 =	vmov s15  }
0x33: {  	[tilespmem:s18], [sflag:s17] =	stream.linear.gather [hbm4b:s22+s2], $0x80, $0x38;
	[tilespmem:$0xD900] =	vst v63  }
0x34: {  	_ =	swait.ge [sflag:s16], $0x2000  }
0x35: {  	[sflag:s16] =	ssyncset.done $0x0  }
0x36: {  	s31 =	simm.s32 $0x0;
	[sflag:s16] =	ssyncadd.s32 $0xFFFFE000  }
0x37: {  	v4 =	vld.idx.msk [tilespmem:v3+s31+$0xFFFFFFC0 ss:$0x1], $0xffff  }
0x38: {  	v5 =	vld.idx.msk [tilespmem:v3+s31+$0xFFFFFFD0 ss:$0x1], $0xffff  }
0x39: {  	v7 =	vld.idx.msk [tilespmem:v3+s31+$0xFFFFFFE0 ss:$0x1], $0xffff;
	_ =	sdelay $0x3  }
0x3a: {  	v6 =	vand.u32 $0x1, v4;
	v8 =	vshrl.u32 v4, $0x1;
	v9 =	vshra.s32 v4, $0x11  }
0x3b: {  	v10 =	vld.idx.msk [tilespmem:v3+s31+$0xFFFFFFF0 ss:$0x1], $0xffff;
	v11 =	vshrl.u32 v5, $0x1;
	v13 =	vand.u32 $0x1, v5;
	v15 =	vshrl.u32 v7, $0x1  }
0x3c: {  	vm0 =	veq.s32 v6, $0x0;
	v6 =	vand.u32 $0x10000, v4;
	v4 =	vand.u32 $0x7FFF, v8  }
0x3d: {  	v8 =	vand.u32 $0x10000, v5;
	v14 =	vadd.s32 v1, v9;
	v9 =	vand.u32 $0x7FFF, v11  }
0x3e: {  	v11 =	vand.u32 $0x10000, v7;
	v12 =	vadd.s32 v1, v4;
	v16 =	vadd.s32 v1, v9  }
0x3f: {  	vm1 =	veq.s32 v6, $0x0;
	v9 =	vshra.s32 v5, $0x11;
	v5 =	vand.u32 $0x7FFF, v15  }
0x40: {  	v15 =	vand.u32 $0x1, v10;
	v17 =	vsel vm0, $0x1, v2;
	vm0 =	veq.s32 v13, $0x0  }
0x41: {  	vm2 =	veq.s32 v11, $0x0;
	v11 =	vshra.s32 v7, $0x11;
	v7 =	vand.u32 $0x1, v7  }
0x42: {  	v21 =	vld.idx.msk [tilespmem:v3+s31+$0x0 ss:$0x1], $0xffff;
	v18 =	vadd.s32 v1, v5;
	v19 =	vsel vm1, $0x1, v2;
	v20 =	vsel vm0, $0x1, v2  }
0x43: {  	v4 =	vld.idx.msk [tilespmem:v3+s31+$0x30 ss:$0x1], $0xffff;
	vm0 =	veq.s32 v8, $0x0;
	vm1 =	veq.s32 v7, $0x0;
	v22 =	vadd.s32 v1, v9  }
0x44: {  	v6 =	vld.idx.msk [tilespmem:v3+s31+$0x10 ss:$0x1], $0xffff;
	v8 =	vshra.s32 v10, $0x11;
	v9 =	vshrl.u32 v10, $0x1;
	v25 =	vsel vm2, $0x1, v2  }
0x45: {  	v10 =	vand.u32 $0x10000, v10;
	v29 =	vadd.s32 v1, v11;
	v23 =	vsel vm1, $0x1, v2  }
0x46: {  	v5 =	vld.idx.msk [tilespmem:v3+s31+$0x20 ss:$0x1], $0xffff;
	v27 =	vsel vm0, $0x1, v2;
	v28 =	vand.u32 $0x7FFF, v9;
	v9 =	vadd.s32 v1, v8  }
0x47: {  	vm0 =	veq.s32 v15, $0x0;
	vm1 =	veq.s32 v10, $0x0;
	v10 =	vshra.s32 v21, $0x11  }
0x48: {  	v11 =	vadd.s32 v1, v10;
	v10 =	vand.u32 $0x10000, v21;
	v15 =	vsel vm1, $0x1, v2  }
0x49: {  	vm2 =	veq.s32 v10, $0x0;
	v7 =	vshrl.u32 v4, $0x1;
	v24 =	vand.u32 $0x1, v6  }
0x4a: {  	v13 =	vshrl.u32 v6, $0x1;
	[tilespmem:v12+s7+$0x0] =	vst.idx.add.s32.msk $0xffff, v17;
	v12 =	vand.u32 $0x1, v21;
	v30 =	vshra.s32 v6, $0x11  }
0x4b: {  	v17 =	vadd.s32 v1, v28;
	v26 =	vshrl.u32 v5, $0x1;
	v8 =	vand.u32 $0x7FFF, v13;
	[tilespmem:v14+s7+$0x0] =	vst.idx.add.s32.msk $0xffff, v19  }
0x4c: {  	v13 =	vsel vm0, $0x1, v2;
	vm0 =	veq.s32 v12, $0x0;
	v12 =	vshrl.u32 v21, $0x1;
	[tilespmem:v16+s7+$0x0] =	vst.idx.add.s32.msk $0xffff, v20  }
0x4d: {  	v10 =	vadd.s32 v1, v30;
	v14 =	vsel vm2, $0x1, v2;
	v12 =	vand.u32 $0x7FFF, v12;
	[tilespmem:v22+s7+$0x0] =	vst.idx.add.s32.msk $0xffff, v27  }
0x4e: {  	vm1 =	veq.s32 v24, $0x0;
	v19 =	vand.u32 $0x7FFF, v26;
	v16 =	vadd.s32 v1, v12;
	[tilespmem:v18+s7+$0x0] =	vst.idx.add.s32.msk $0xffff, v23  }
0x4f: {  	s15 =	simm.s32 $0x400;
	v8 =	vadd.s32 v1, v8;
	v12 =	vadd.s32 v1, v19;
	v18 =	vshra.s32 v5, $0x11;
	[tilespmem:v29+s7+$0x0] =	vst.idx.add.s32.msk $0xffff, v25  }
.LBB2_10:
0x50: {  	p1 =	seq.s32 s15, $0xFC00;
	v6 =	vand.u32 $0x10000, v6;
	v19 =	vand.u32 $0x1, v5;
	v18 =	vadd.s32 v1, v18;
	[tilespmem:v17+s7+$0x0] =	vst.idx.add.s32.msk $0xffff, v13;
	s16 =	smov.u32 s15;
	s15 =	sadd.s32 $0x400, s15  }
0x51: {  	vm2 =	veq.s32 v6, $0x0;
	vm3 =	veq.s32 v19, $0x0;
	v6 =	vsel vm1, $0x1, v2;
	[tilespmem:v9+s7+$0x0] =	vst.idx.add.s32.msk $0xffff, v15  }
0x52: {  	v7 =	vand.u32 $0x7FFF, v7;
	v9 =	vsel vm0, $0x1, v2;
	v13 =	vsel vm2, $0x1, v2  }
0x53: {  	v15 =	vshra.s32 v4, $0x11;
	v7 =	vadd.s32 v1, v7;
	v17 =	vsel vm3, $0x1, v2;
	[tilespmem:v16+s7+$0x0] =	vst.idx.add.s32.msk $0xffff, v9  }
0x54: {  	v5 =	vand.u32 $0x10000, v5;
	v15 =	vadd.s32 v1, v15;
	v9 =	vand.u32 $0x1, v4;
	[tilespmem:v11+s7+$0x0] =	vst.idx.add.s32.msk $0xffff, v14  }
0x55: {  	vm0 =	veq.s32 v5, $0x0;
	v4 =	vand.u32 $0x10000, v4;
	vm1 =	veq.s32 v9, $0x0;
	[tilespmem:v8+s7+$0x0] =	vst.idx.add.s32.msk $0xffff, v6  }
0x56: {  	vm2 =	veq.s32 v4, $0x0;
	v4 =	vsel vm0, $0x1, v2;
	[tilespmem:v10+s7+$0x0] =	vst.idx.add.s32.msk $0xffff, v13  }
0x57: {  	v5 =	vsel vm1, $0x1, v2;
	[tilespmem:v12+s7+$0x0] =	vst.idx.add.s32.msk $0xffff, v17  }
0x58: {  	v6 =	vsel vm2, $0x1, v2;
	[tilespmem:v18+s7+$0x0] =	vst.idx.add.s32.msk $0xffff, v4  }
0x59: {  	[tilespmem:v7+s7+$0x0] =	vst.idx.add.s32.msk $0xffff, v5  }
0x5a: {  	s16 =	sshra.s32 s16, $0x2;
	[tilespmem:v15+s7+$0x0] =	vst.idx.add.s32.msk $0xffff, v6  }
0x5b: {  	v4 =	vld.idx.msk [tilespmem:v3+s16+$0xFFFFFFC0 ss:$0x1], $0xffff;
	_ =	sdelay $0x1  }
0x5c: {  	v7 =	vld.idx.msk [tilespmem:v3+s16+$0xFFFFFFD0 ss:$0x1], $0xffff;
	_ =	sdelay $0x1  }
0x5d: {  	v8 =	vld.idx.msk [tilespmem:v3+s16+$0xFFFFFFE0 ss:$0x1], $0xffff;
	_ =	sdelay $0x1  }
0x5e: {  	v5 =	vand.u32 $0x1, v4;
	v6 =	vshrl.u32 v4, $0x1;
	v10 =	vshra.s32 v4, $0x11;
	v9 =	vld.idx.msk [tilespmem:v3+s16+$0xFFFFFFF0 ss:$0x1], $0xffff  }
0x5f: {  	v11 =	vand.u32 $0x10000, v4;
	vm0 =	veq.s32 v5, $0x0;
	v4 =	vand.u32 $0x7FFF, v6  }
0x60: {  	v12 =	vand.u32 $0x10000, v7;
	v5 =	vshrl.u32 v7, $0x1;
	v13 =	vadd.s32 v1, v4  }
0x61: {  	v10 =	vadd.s32 v1, v10;
	v14 =	vand.u32 $0x1, v7;
	v6 =	vand.u32 $0x7FFF, v5;
	v4 =	vld.idx.msk [tilespmem:v3+s16+$0x30 ss:$0x1], $0xffff  }
0x62: {  	v15 =	vand.u32 $0x10000, v8;
	v16 =	vshrl.u32 v8, $0x1;
	v17 =	vadd.s32 v1, v6;
	v5 =	vld.idx.msk [tilespmem:v3+s16+$0x20 ss:$0x1], $0xffff  }
0x63: {  	vm1 =	veq.s32 v11, $0x0;
	v11 =	vshra.s32 v7, $0x11;
	v7 =	vand.u32 $0x7FFF, v16;
	v6 =	vld.idx.msk [tilespmem:v3+s16+$0x10 ss:$0x1], $0xffff  }
0x64: {  	v19 =	vsel vm0, $0x1, v2;
	v18 =	vand.u32 $0x1, v9;
	v20 =	vadd.s32 v1, v7;
	v16 =	vld.idx.msk [tilespmem:v3+s16+$0x0 ss:$0x1], $0xffff  }
0x65: {  	vm0 =	veq.s32 v14, $0x0;
	v14 =	vshra.s32 v8, $0x11;
	vm2 =	veq.s32 v15, $0x0;
	[tilespmem:v13+s7+$0x0] =	vst.idx.add.s32.msk $0xffff, v19  }
0x66: {  	v7 =	vand.u32 $0x1, v8;
	v8 =	vsel vm1, $0x1, v2;
	v13 =	vsel vm0, $0x1, v2  }
0x67: {  	vm1 =	veq.s32 v7, $0x0;
	vm0 =	veq.s32 v12, $0x0;
	v7 =	vshrl.u32 v4, $0x1  }
0x68: {  	v11 =	vadd.s32 v1, v11;
	v12 =	vshra.s32 v9, $0x11;
	v15 =	vsel vm1, $0x1, v2;
	[tilespmem:v10+s7+$0x0] =	vst.idx.add.s32.msk $0xffff, v8  }
0x69: {  	v21 =	vsel vm2, $0x1, v2;
	v19 =	vand.u32 $0x1, v6;
	v8 =	vshrl.u32 v9, $0x1;
	[tilespmem:v17+s7+$0x0] =	vst.idx.add.s32.msk $0xffff, v13  }
0x6a: {  	v22 =	vshrl.u32 v5, $0x1;
	v10 =	vshrl.u32 v6, $0x1;
	v17 =	vsel vm0, $0x1, v2  }
0x6b: {  	v13 =	vand.u32 $0x10000, v9;
	v23 =	vand.u32 $0x7FFF, v8;
	v9 =	vadd.s32 v1, v12  }
0x6c: {  	vm0 =	veq.s32 v18, $0x0;
	v8 =	vand.u32 $0x7FFF, v10;
	vm1 =	veq.s32 v13, $0x0  }
0x6d: {  	v10 =	vshra.s32 v16, $0x11;
	v13 =	vsel vm0, $0x1, v2;
	v8 =	vadd.s32 v1, v8;
	[tilespmem:v11+s7+$0x0] =	vst.idx.add.s32.msk $0xffff, v17  }
0x6e: {  	v24 =	vadd.s32 v1, v14;
	v14 =	vshra.s32 v6, $0x11;
	v12 =	vand.u32 $0x1, v16;
	[tilespmem:v20+s7+$0x0] =	vst.idx.add.s32.msk $0xffff, v15  }
.Ltmp3:
0x6f: {  	v11 =	vadd.s32 v1, v10;
	v17 =	vadd.s32 v1, v23;
	v15 =	vsel vm1, $0x1, v2;
	(pc) =	sbr.rel @!p1 .LBB2_10-.Ltmp3, $4  }
0x70: {  	v18 =	vand.u32 $0x10000, v16;
	v16 =	vshrl.u32 v16, $0x1;
	v10 =	vadd.s32 v1, v14  }
0x71: {  	vm0 =	veq.s32 v12, $0x0;
	v12 =	vand.u32 $0x7FFF, v16;
	vm1 =	veq.s32 v18, $0x0  }
0x72: {  	v16 =	vadd.s32 v1, v12;
	v20 =	vand.u32 $0x7FFF, v22;
	v14 =	vsel vm1, $0x1, v2  }
0x73: {  	v18 =	vshra.s32 v5, $0x11;
	vm1 =	veq.s32 v19, $0x0;
	v12 =	vadd.s32 v1, v20;
	[tilespmem:v24+s7+$0x0] =	vst.idx.add.s32.msk $0xffff, v21  }
0x74: {  	_ =	sdelay $0x3  }
0x75: {  	v3 =	vand.u32 $0x10000, v6;
	[tilespmem:v17+s7+$0x0] =	vst.idx.add.s32.msk $0xffff, v13  }
0x76: {  	v52 =	vand.u32 $0x1, v5;
	v53 =	vadd.s32 v1, v18;
	v54 =	vsel vm0, $0x1, v2;
	[tilespmem:v9+s7+$0x0] =	vst.idx.add.s32.msk $0xffff, v15  }
0x77: {  	v55 =	vsel vm1, $0x1, v2;
	vm12 =	veq.s32 v3, $0x0;
	v3 =	vand.u32 $0x7FFF, v7;
	[tilespmem:v16+s7+$0x0] =	vst.idx.add.s32.msk $0xffff, v54  }
0x78: {  	v56 =	vshra.s32 v4, $0x11;
	v58 =	vand.u32 $0x10000, v5;
	v3 =	vadd.s32 v1, v3;
	[tilespmem:v11+s7+$0x0] =	vst.idx.add.s32.msk $0xffff, v14  }
0x79: {  	vm2 =	veq.s32 v52, $0x0;
	v7 =	vadd.s32 v1, v56;
	v57 =	vsel vm12, $0x1, v2;
	[tilespmem:v8+s7+$0x0] =	vst.idx.add.s32.msk $0xffff, v55  }
0x7a: {  	v60 =	vand.u32 $0x1, v4;
	vm13 =	veq.s32 v58, $0x0;
	v59 =	vsel vm2, $0x1, v2;
	[tilespmem:v10+s7+$0x0] =	vst.idx.add.s32.msk $0xffff, v57  }
0x7b: {  	v61 =	vand.u32 $0x10000, v4;
	vm14 =	veq.s32 v60, $0x0;
	v5 =	vsel vm13, $0x1, v2;
	[tilespmem:v12+s7+$0x0] =	vst.idx.add.s32.msk $0xffff, v59  }
0x7c: {  	vm15 =	veq.s32 v61, $0x0;
	v62 =	vsel vm14, $0x1, v2;
	[tilespmem:v53+s7+$0x0] =	vst.idx.add.s32.msk $0xffff, v5  }
0x7d: {  	v63 =	vsel vm15, $0x1, v2;
	[tilespmem:v3+s7+$0x0] =	vst.idx.add.s32.msk $0xffff, v62  }
0x7e: {  	[tilespmem:v7+s7+$0x0] =	vst.idx.add.s32.msk $0xffff, v63  }
.Ltmp4:
0x7f: {  	(pc) =	sbr.rel @p0 .LBB2_7-.Ltmp4, $2  }
0x80: {  	_ =	sdelay $0x2  }
0x81: {  	s15 =	simm.s32 $0x1;
	p1 =	por $0x0, $0x0  }
0x82: {  	_ =	swait.ge [sflag:s8], $0x2000  }
0x83: {  	[sflag:s8] =	ssyncset.done $0x0  }
0x84: {  	s15 =	simm.s32 $0x0;
	[sflag:s8] =	ssyncadd.s32 $0xFFFFE000  }
0x85: {  	v4 =	vld [tilespmem:s15+$0x7310]  }
0x86: {  	v9 =	vld [tilespmem:s15+$0x7B90]  }
0x87: {  	v5 =	vld [tilespmem:s15+$0x6210]  }
0x88: {  	v6 =	vld [tilespmem:s15+$0x5990]  }
0x89: {  	v7 =	vld [tilespmem:s15+$0x4890]  }
0x8a: {  	v8 =	vld [tilespmem:s15+$0x4000]  }
0x8b: {  	v11 =	vld [tilespmem:s15+$0x8C90]  }
0x8c: {  	v13 =	vld [tilespmem:s15+$0x9510]  }
0x8d: {  	v10 =	vld [tilespmem:s15+$0x5110]  }
0x8e: {  	v14 =	vld [tilespmem:s15+$0x4010]  }
0x8f: {  	v12 =	vld [tilespmem:s15+$0x9D90]  }
0x90: {  	v15 =	vld [tilespmem:s15+$0xBF90]  }
0x91: {  	v3 =	vld [tilespmem:s15+$0xA610]  }
0x92: {  	v21 =	vld [tilespmem:s15+$0xAE90];
	v16 =	vshra.s32 v9, $0xD;
	v18 =	vand.u32 $0x1FFF, v4  }
0x93: {  	v24 =	vld [tilespmem:s15+$0xB710];
	v17 =	vshra.s32 v4, $0xD;
	v19 =	vand.u32 $0x1FFF, v6;
	v20 =	vshra.s32 v5, $0xD  }
0x94: {  	v28 =	vld [tilespmem:s15+$0x8410];
	v22 =	vshra.s32 v8, $0xD;
	v23 =	vshra.s32 v6, $0xD;
	v6 =	vand.u32 $0x1FFF, v7  }
0x95: {  	v33 =	vld [tilespmem:s15+$0x6A90];
	v26 =	vand.u32 $0x1FFF, v5;
	v25 =	vand.u32 $0x1FFF, v10;
	v27 =	vand.u32 $0x1FFF, v14  }
0x96: {  	v4 =	vand.u32 $0x1FFF, v13;
	v29 =	vand.u32 $0x1FFF, v8;
	v5 =	vand.u32 $0x1FFF, v12  }
0x97: {  	s16 =	simm.s32 $0x0;
	v30 =	vshra.s32 v10, $0xD;
	v31 =	vshra.s32 v12, $0xD;
	v32 =	vshra.s32 v7, $0xD  }
0x98: {  	s16 =	sand.u32 $0xFE0, s16;
	v34 =	vshra.s32 v3, $0xD;
	v8 =	vand.u32 $0x1FFF, v21;
	v10 =	vand.u32 $0x1FFF, v11  }
0x99: {  	v35 =	vld [tilespmem:s16+$0x6200];
	v7 =	vand.u32 $0x1FFF, v24;
	v36 =	vshra.s32 v15, $0xD;
	v12 =	vand.u32 $0x1FFF, v28  }
0x9a: {  	v37 =	vld [tilespmem:s16+$0x8C80];
	v14 =	vshra.s32 v14, $0xD;
	v39 =	vand.u32 $0x1FFF, v33;
	v40 =	vand.u32 $0x1FFF, v9  }
0x9b: {  	v41 =	vld [tilespmem:s16+$0x5980];
	v61 =	vshra.s32 v21, $0xD;
	v21 =	vshra.s32 v33, $0xD;
	v13 =	vshra.s32 v13, $0xD  }
0x9c: {  	v27 =	vadd.s32 v27, v6;
	v6 =	vand.u32 $0x1FFF, v15;
	v9 =	vadd.s32 v14, v32;
	v14 =	vld [tilespmem:s16+$0x6A80]  }
0x9d: {  	v15 =	vadd.s32 v25, v27;
	v25 =	vld [tilespmem:s16+$0x5100];
	v27 =	vshra.s32 v24, $0xD;
	v24 =	vshra.s32 v28, $0xD  }
0x9e: {  	v28 =	vshra.s32 v11, $0xD;
	v11 =	vadd.s32 v30, v9;
	v38 =	vadd.s32 v19, v15;
	v15 =	vld [tilespmem:s16+$0x4880]  }
0x9f: {  	v62 =	vand.u32 $0x1FFF, v35;
	v35 =	vshra.s32 v35, $0xD;
	v11 =	vadd.s32 v23, v11  }
0xa0: {  	v9 =	vshra.s32 v37, $0xD;
	v20 =	vadd.s32 v20, v11;
	v26 =	vadd.s32 v26, v38  }
0xa1: {  	v11 =	vld [tilespmem:s16+$0x7B80];
	v20 =	vadd.s32 v21, v20;
	v26 =	vadd.s32 v39, v26;
	v42 =	vshra.s32 v14, $0xD  }
0xa2: {  	v19 =	vld [tilespmem:s16+$0x8400];
	v17 =	vadd.s32 v17, v20;
	v20 =	vshra.s32 v41, $0xD;
	v23 =	vand.u32 $0x1FFF, v25  }
0xa3: {  	v63 =	vshra.s32 v25, $0xD;
	v25 =	vand.u32 $0x1FFF, v15;
	v15 =	vshra.s32 v15, $0xD  }
0xa4: {  	v44 =	vand.u32 $0x1FFF, v14;
	v43 =	vadd.s32 v22, v15;
	v15 =	vadd.s32 v16, v17  }
0xa5: {  	v21 =	vld [tilespmem:s16+$0x9D80];
	v14 =	vadd.s32 v29, v25;
	v17 =	vand.u32 $0x1FFF, v41;
	v16 =	vadd.s32 v24, v15  }
0xa6: {  	v25 =	vand.u32 $0x1FFF, v11;
	v29 =	vadd.s32 v18, v26;
	v16 =	vadd.s32 v28, v16  }
0xa7: {  	v15 =	vshra.s32 v19, $0xD;
	v14 =	vadd.s32 v23, v14;
	v13 =	vadd.s32 v13, v16  }
0xa8: {  	v22 =	vld [tilespmem:s16+$0x7300];
	v24 =	vand.u32 $0x1FFF, v37;
	v23 =	vadd.s32 v63, v43;
	v13 =	vadd.s32 v31, v13  }
0xa9: {  	v23 =	vadd.s32 v20, v23;
	v20 =	vld [tilespmem:s16+$0xBF80];
	v16 =	vadd.s32 v17, v14;
	v13 =	vadd.s32 v34, v13  }
0xaa: {  	v14 =	vshra.s32 v21, $0xD;
	v17 =	vld [tilespmem:s16+$0xAE80];
	v28 =	vadd.s32 v62, v16;
	v13 =	vadd.s32 v61, v13  }
0xab: {  	v16 =	vld [tilespmem:s16+$0xB700];
	v18 =	vadd.s32 v44, v28;
	v13 =	vadd.s32 v27, v13;
	v27 =	vadd.s32 v35, v23  }
0xac: {  	s20 =	simm.s32 $0x80;
	s17 =	simm.s32 $0x20;
	v23 =	vld [tilespmem:s16+$0x9500];
	v13 =	vadd.s32 v36, v13;
	v26 =	vadd.s32 v42, v27;
	v27 =	vadd.s32 v40, v29  }
.LBB2_13:
0xad: {  	s18 =	smov.u32 s20  }
0xae: {  	s19 =	sshra.s32 s20, $0x2;
	v28 =	vand.u32 $0x1FFF, v22;
	v29 =	vld [tilespmem:s16+$0xA600];
	s16 =	sand.u32 $0xFE0, s17;
	v3 =	vand.u32 $0x1FFF, v3;
	v12 =	vadd.s32 v12, v27;
	s18 =	sadd.s32 $0x80, s20  }
0xaf: {  	p0 =	sne.s32 s20, $0x2180;
	v22 =	vshra.s32 v22, $0xD;
	v18 =	vadd.s32 v28, v18;
	v10 =	vadd.s32 v10, v12;
	v27 =	vld [tilespmem:s19+$0x7310]  }
0xb0: {  	v12 =	vand.u32 $0x1FFF, v19;
	v18 =	vadd.s32 v25, v18;
	v4 =	vadd.s32 v4, v10;
	v28 =	vld [tilespmem:s19+$0x7B90]  }
0xb1: {  	v19 =	vand.u32 $0x1FFF, v20;
	v12 =	vadd.s32 v12, v18;
	v4 =	vadd.s32 v5, v4;
	v10 =	vld [tilespmem:s19+$0x6210]  }
0xb2: {  	v18 =	vand.u32 $0x1FFF, v23;
	v12 =	vadd.s32 v24, v12;
	v3 =	vadd.s32 v3, v4;
	v5 =	vld [tilespmem:s19+$0x5990]  }
0xb3: {  	v4 =	vand.u32 $0x1FFF, v21;
	v12 =	vadd.s32 v18, v12;
	v3 =	vadd.s32 v8, v3;
	v24 =	vld [tilespmem:s19+$0x4890]  }
0xb4: {  	v18 =	vand.u32 $0x1FFF, v29;
	v4 =	vadd.s32 v4, v12;
	v3 =	vadd.s32 v7, v3;
	v8 =	vld [tilespmem:s19+$0x4000]  }
0xb5: {  	v7 =	vand.u32 $0x1FFF, v17;
	v4 =	vadd.s32 v18, v4;
	v3 =	vadd.s32 v6, v3  }
0xb6: {  	v6 =	vand.u32 $0x1FFF, v16;
	v25 =	vshra.s32 v28, $0xD;
	v4 =	vadd.s32 v7, v4;
	[tilespmem:s15+$0xC810] =	vst v3  }
0xb7: {  	v18 =	vand.u32 $0x1FFF, v27;
	v21 =	vshra.s32 v27, $0xD;
	v3 =	vadd.s32 v6, v4;
	v27 =	vld [tilespmem:s19+$0x8C90]  }
0xb8: {  	v4 =	vshra.s32 v11, $0xD;
	v6 =	vadd.s32 v22, v26;
	v3 =	vadd.s32 v19, v3;
	v30 =	vld [tilespmem:s19+$0x9510]  }
0xb9: {  	v26 =	vshra.s32 v10, $0xD;
	v11 =	vand.u32 $0x1FFF, v5;
	v7 =	vld [tilespmem:s19+$0x5110];
	[tilespmem:s15+$0xC800] =	vst v3;
	v3 =	vadd.s32 v4, v6  }
0xba: {  	v4 =	vshra.s32 v23, $0xD;
	v6 =	vshra.s32 v20, $0xD;
	v19 =	vld [tilespmem:s19+$0x4010];
	v3 =	vadd.s32 v15, v3  }
0xbb: {  	v20 =	vshra.s32 v5, $0xD;
	v15 =	vshra.s32 v8, $0xD;
	v12 =	vld [tilespmem:s19+$0x9D90];
	v3 =	vadd.s32 v9, v3  }
0xbc: {  	v16 =	vshra.s32 v16, $0xD;
	v5 =	vshra.s32 v29, $0xD;
	v9 =	vld [tilespmem:s19+$0xBF90];
	v4 =	vadd.s32 v4, v3  }
0xbd: {  	v22 =	vand.u32 $0x1FFF, v24;
	v23 =	vand.u32 $0x1FFF, v10;
	v3 =	vld [tilespmem:s19+$0xA610];
	v4 =	vadd.s32 v14, v4  }
0xbe: {  	v10 =	vshra.s32 v17, $0xD;
	v14 =	vand.u32 $0x1FFF, v7;
	v29 =	vld [tilespmem:s19+$0xAE90];
	v5 =	vadd.s32 v5, v4  }
0xbf: {  	v4 =	vand.u32 $0x1FFF, v30;
	v17 =	vand.u32 $0x1FFF, v19;
	v31 =	vld [tilespmem:s19+$0xB710];
	v10 =	vadd.s32 v10, v5  }
0xc0: {  	v32 =	vand.u32 $0x1FFF, v8;
	v33 =	vld [tilespmem:s19+$0x8410];
	v5 =	vand.u32 $0x1FFF, v12;
	v8 =	vadd.s32 v16, v10  }
0xc1: {  	v16 =	vshra.s32 v7, $0xD;
	v34 =	vshra.s32 v12, $0xD;
	v6 =	vadd.s32 v6, v8;
	[tilespmem:s15+$0xD090] =	vst v13  }
0xc2: {  	v13 =	vshra.s32 v24, $0xD;
	v24 =	vld [tilespmem:s19+$0x6A90];
	v35 =	vshra.s32 v3, $0xD;
	[tilespmem:s15+$0xD080] =	vst v6;
	s15 =	smov.u32 s19  }
0xc3: {  	v17 =	vadd.s32 v17, v22;
	v36 =	vld [tilespmem:s16+$0x5100];
	v8 =	vand.u32 $0x1FFF, v29  }
0xc4: {  	v10 =	vand.u32 $0x1FFF, v27;
	v38 =	vshra.s32 v9, $0xD;
	v37 =	vld [tilespmem:s16+$0x6200];
	v7 =	vand.u32 $0x1FFF, v31  }
0xc5: {  	v6 =	vand.u32 $0x1FFF, v9;
	v9 =	vadd.s32 v14, v17;
	v39 =	vld [tilespmem:s16+$0x8C80];
	v12 =	vand.u32 $0x1FFF, v33  }
0xc6: {  	v14 =	vshra.s32 v19, $0xD;
	v17 =	vadd.s32 v11, v9;
	v31 =	vshra.s32 v31, $0xD;
	v22 =	vld [tilespmem:s16+$0x7300]  }
0xc7: {  	v28 =	vand.u32 $0x1FFF, v28;
	v9 =	vadd.s32 v14, v13;
	v40 =	vld [tilespmem:s16+$0x4880];
	v41 =	vand.u32 $0x1FFF, v24  }
0xc8: {  	v27 =	vshra.s32 v27, $0xD;
	v29 =	vshra.s32 v29, $0xD;
	v14 =	vshra.s32 v33, $0xD;
	v13 =	vld [tilespmem:s16+$0x6A80]  }
0xc9: {  	v30 =	vshra.s32 v30, $0xD;
	v11 =	vadd.s32 v16, v9;
	v24 =	vshra.s32 v24, $0xD;
	v33 =	vld [tilespmem:s16+$0x5980]  }
0xca: {  	v11 =	vadd.s32 v20, v11;
	v16 =	vand.u32 $0x1FFF, v37;
	v19 =	vld [tilespmem:s16+$0x8400];
	v9 =	vshra.s32 v39, $0xD  }
0xcb: {  	v26 =	vadd.s32 v26, v11;
	v20 =	vand.u32 $0x1FFF, v36;
	v36 =	vshra.s32 v36, $0xD  }
0xcc: {  	v24 =	vadd.s32 v24, v26;
	v37 =	vshra.s32 v37, $0xD;
	v42 =	vand.u32 $0x1FFF, v40;
	v11 =	vld [tilespmem:s16+$0x7B80]  }
0xcd: {  	v24 =	vadd.s32 v21, v24;
	v26 =	vshra.s32 v40, $0xD;
	v40 =	vshra.s32 v13, $0xD  }
0xce: {  	v26 =	vadd.s32 v15, v26;
	v15 =	vadd.s32 v25, v24;
	v43 =	vshra.s32 v33, $0xD;
	v21 =	vld [tilespmem:s16+$0x9D80]  }
0xcf: {  	v44 =	vand.u32 $0x1FFF, v13;
	v13 =	vadd.s32 v32, v42;
	v14 =	vadd.s32 v14, v15  }
0xd0: {  	v13 =	vadd.s32 v20, v13;
	v15 =	vshra.s32 v19, $0xD;
	v14 =	vadd.s32 v27, v14  }
0xd1: {  	v20 =	vand.u32 $0x1FFF, v33;
	v14 =	vadd.s32 v30, v14;
	v25 =	vand.u32 $0x1FFF, v11  }
0xd2: {  	v24 =	vand.u32 $0x1FFF, v39;
	v13 =	vadd.s32 v20, v13;
	v20 =	vadd.s32 v34, v14  }
.Ltmp5:
0xd3: {  	v27 =	vadd.s32 v16, v13;
	v13 =	vadd.s32 v35, v20;
	v14 =	vshra.s32 v21, $0xD;
	(pc) =	sbr.rel @p0 .LBB2_13-.Ltmp5, $4  }
0xd4: {  	v23 =	vadd.s32 v23, v17;
	v20 =	vadd.s32 v36, v26;
	v13 =	vadd.s32 v29, v13;
	v16 =	vld [tilespmem:s16+$0xB700]  }
0xd5: {  	v23 =	vadd.s32 v41, v23;
	v26 =	vadd.s32 v43, v20;
	v13 =	vadd.s32 v31, v13;
	v17 =	vld [tilespmem:s16+$0xAE80]  }
0xd6: {  	v29 =	vadd.s32 v18, v23;
	v26 =	vadd.s32 v37, v26;
	v13 =	vadd.s32 v38, v13;
	v20 =	vld [tilespmem:s16+$0xBF80]  }
0xd7: {  	s17 =	sadd.s32 $0x20, s17;
	s20 =	smov.u32 s18;
	v18 =	vadd.s32 v44, v27;
	v27 =	vadd.s32 v28, v29;
	v26 =	vadd.s32 v40, v26;
	v23 =	vld [tilespmem:s16+$0x9500]  }
0xd8: {  	v28 =	vand.u32 $0x1FFF, v22;
	v3 =	vand.u32 $0x1FFF, v3  }
0xd9: {  	v12 =	vadd.s32 v12, v27;
	v48 =	vshra.s32 v22, $0xD;
	v50 =	vand.u32 $0x1FFF, v19  }
0xda: {  	v53 =	vand.u32 $0x1FFF, v21;
	v54 =	vshra.s32 v11, $0xD;
	v18 =	vadd.s32 v28, v18  }
0xdb: {  	v10 =	vadd.s32 v10, v12;
	v55 =	vadd.s32 v48, v26;
	v60 =	vand.u32 $0x1FFF, v16  }
0xdc: {  	v49 =	vld [tilespmem:s16+$0xA600];
	v18 =	vadd.s32 v25, v18;
	v4 =	vadd.s32 v4, v10;
	v57 =	vadd.s32 v54, v55  }
0xdd: {  	v58 =	vand.u32 $0x1FFF, v17;
	v62 =	vshra.s32 v17, $0xD;
	v12 =	vadd.s32 v50, v18  }
0xde: {  	v4 =	vadd.s32 v5, v4;
	v52 =	vand.u32 $0x1FFF, v23;
	v12 =	vadd.s32 v24, v12  }
0xdf: {  	v51 =	vand.u32 $0x1FFF, v20;
	v3 =	vadd.s32 v3, v4;
	v5 =	vadd.s32 v52, v12  }
0xe0: {  	v59 =	vshra.s32 v23, $0xD;
	v4 =	vadd.s32 v53, v5;
	v5 =	vadd.s32 v15, v57  }
0xe1: {  	v3 =	vadd.s32 v8, v3;
	v56 =	vand.u32 $0x1FFF, v49;
	v5 =	vadd.s32 v9, v5  }
0xe2: {  	v61 =	vshra.s32 v49, $0xD;
	v4 =	vadd.s32 v56, v4;
	v5 =	vadd.s32 v59, v5  }
0xe3: {  	v3 =	vadd.s32 v7, v3;
	v4 =	vadd.s32 v58, v4;
	v5 =	vadd.s32 v14, v5  }
0xe4: {  	v3 =	vadd.s32 v6, v3;
	v4 =	vadd.s32 v60, v4;
	v5 =	vadd.s32 v61, v5  }
0xe5: {  	v63 =	vshra.s32 v16, $0xD;
	[tilespmem:s15+$0xC810] =	vst v3;
	v3 =	vadd.s32 v51, v4;
	v5 =	vadd.s32 v62, v5  }
0xe6: {  	[tilespmem:s15+$0xC800] =	vst v3;
	v3 =	vshra.s32 v20, $0xD;
	v4 =	vadd.s32 v63, v5  }
0xe7: {  	[tilespmem:s15+$0xD090] =	vst v13;
	v3 =	vadd.s32 v3, v4  }
0xe8: {  	[tilespmem:s15+$0xD080] =	vst v3  }
0xe9: {  	[hbm4b:s4+s9] =	stream.strided.scatter [tilespmem:s11], [sflag:$0x3], $0x880, s10, s9, $0x38;
	[tilespmem:$0xD900] =	vst v63  }
0xea: {  	s14 =	sadd.s32 $0x1, s14;
	_ =	swait.ge [sflag:s12], $0x880  }
0xeb: {  	p0 =	sne.s32 s14, s6;
	[sflag:s12] =	ssyncset.done $0x0  }
.Ltmp6:
0xec: {  	[sflag:s12] =	ssyncadd.s32 $0xFFFFF780;
	(pc) =	sbr.rel @p0 .LBB2_1-.Ltmp6, $4  }
0xed: {  	[hbm4b:s5+s9] =	stream.strided.scatter [tilespmem:s13], [sflag:$0x3], $0x880, s10, s9, $0x38;
	[tilespmem:$0xD900] =	vst v63  }
0xee: {  	_ =	swait.ge [sflag:s12], $0x880  }
0xef: {  	[sflag:s12] =	ssyncset.done $0x0  }
0xf0: {  	[sflag:s12] =	ssyncadd.s32 $0xFFFFF780  }
0xf1: {  	_ =	sfence.sel $0x180000  }
0xf2: {  	[bflag:$0x0] =	sbarrier.arrive $0xFFFF  }
0xf3: {  	p0 =	sne.s32 s0, $0x0;
	_ =	strace $0x90000047  }
0xf4: {  	s0 =	sadd.s32 @!p0 $0x100000, s1;
	[bflag:$0x2] =	sbarrier.arrive $0xFFFF  }
0xf5: {  	[sflag:s0] =	ssyncadd.tile.s32 @!p0 $0x1;
	_ =	shalt  }
.Lfunc_end2:
_tile_overlayer_lowered:
.L_overlay_start_2:
0xf6: {  	(tag) =	ssettag $0x2  }
0xf7: {  	s0 =	rddreg [dreg:$0x0];
	s2 =	stileid.u32  }
0xf8: {  	s1 =	rddreg [dreg:$0x1];
	p0 =	sne.s32 s2, $0x0  }
0xf9: {  	s3 =	rddreg [dreg:$0x2];
	[bflag:$0x3] =	sbarrier.arrive $0xFFFF;
	s2 =	simm.s32 @!p0 $0x1C03  }
0xfa: {  	[timem:s3], [sflag:s2] =	dma.local @!p0 [hbm:s0], s1  }
0xfb: {  	s0 =	simm.s32 @!p0 $0x3  }
0xfc: {  	_ =	swait.ge @!p0 [sflag:s0], s1  }
0xfd: {  	s1 =	ssub.s32 @!p0 $0x0, s1;
	[sflag:s0] =	ssyncset.done @!p0 $0x0  }
0xfe: {  	[sflag:s0] =	ssyncadd.s32 @!p0 s1  }
0xff: {  	[bflag:$0x3] =	sbarrier.arrive $0xFFFF  }
0x100: {  	_ =	shalt  }

// kernel: kernel.7.cloned.1.call-start
scs
__scs_entry_jumppad:
0x0: {  	(pc) =	sbr.rel $0x88, $3  }
0x1: {  	(tag) =	ssettag $0x0;
	lr =	simm.s32 $0x1  }
0x2: {  	[smem:$0x3F9F] =	sst lr;
	_ =	strace $0xD0000000  }
0x3: {  	_ = 	snop  }
0x4: {  	_ = 	snop  }
0x5: {  	_ = 	snop  }
0x6: {  	_ = 	snop  }
0x7: {  	_ = 	snop  }
__scs_overlays_trampoline_lowered:
0x8: {  	[smem:$0x3FAE] =	sst s0  }
0x9: {  	[smem:$0x3FAF] =	sst s1  }
0xa: {  	[smem:$0x3FB0] =	sst s2  }
0xb: {  	[smem:$0x3FB1] =	sst s3  }
0xc: {  	[smem:$0x3FB2] =	sst s4  }
0xd: {  	[smem:$0x3FB3] =	sst s5  }
0xe: {  	[smem:$0x3FB4] =	sst s6  }
0xf: {  	[smem:$0x3FB5] =	sst s7  }
0x10: {  	[smem:$0x3FB6] =	sst s8  }
0x11: {  	[smem:$0x3FB7] =	sst s9;
	s0 =	simm.s32 @!p0 $0x0  }
0x12: {  	s1 =	sld [smem:$0x3F9D];
	s0 =	simm.s32 @p0 $0x1  }
0x13: {  	[smem:$0x3FB8] =	sst s0;
	s0 =	simm.s32 @!p1 $0x0  }
0x14: {  	s2 =	sld [smem:$0x3F9C];
	s0 =	simm.s32 @p1 $0x1  }
0x15: {  	[smem:$0x3FB9] =	sst s0;
	s0 =	simm.s32 @!p2 $0x0  }
0x16: {  	s3 =	sld [smem:$0x3FDB];
	s0 =	simm.s32 @p2 $0x1  }
0x17: {  	s4 =	simm.s32 $0x1BF5;
	[smem:$0x3FBB] =	sst s0  }
0x18: {  	s0 =	sld [smem:$0x3F9E];
	_ =	swait.ge [sflag:s4], $0x0  }
0x19: {  	s7 =	sld [smem:$0x3F9F]  }
0x1a: {  	s8 =	sadd.s32 $0xFFFFE003, lr  }
0x1b: {  	s9 =	sadd.s32 $0xFFFFFEF7, lr;
	s5 =	simm.s32 $0xFFFFFFFF;
	p2 =	slt.u32 s8, $0xFFFFF086  }
0x1c: {  	p1 =	slt.u32 s9, $0xF7A;
	s5 =	simm.s32 @!p2 $0x0  }
0x1d: {  	s5 =	simm.s32 @p1 $0x1;
	p0 =	seq.s32 s7, s2  }
0x1e: {  	s7 =	smul.u32 @!p0 $0xF7A, s2;
	p2 =	seq.s32 @!p0 s5, $0x0  }
0x1f: {  	s9 =	smul.u32 $0xF7A, s1;
	s8 =	simm.s32 @!p0 $0x1BF5;
	p2 =	por !p2, p0  }
0x20: {  	[sflag:s8] =	ssyncset.s32 @!p0 $0xFFFFF086;
	s6 =	sadd.s32 @!p0 s3, s7;
	s7 =	simm.s32 @!p0 $0x108  }
0x21: {  	s3 =	sadd.s32 s3, s9;
	s6 =	sadd.s32 @!p0 $0x88, s6;
	s7 =	simm.s32 @p2 $0x1082  }
0x22: {  	[simem:s7], [sflag:s8] =	dma.local @!p0 [hbm:s6], $0xF7A  }
0x23: {  	s9 =	sor.u32 $0xD0000000, s2;
	s6 =	simm.s32 $0x108;
	_ =	swait.ge @!p0 [sflag:s8], $0x0  }
0x24: {  	s3 =	sadd.s32 $0x88, s3;
	s6 =	simm.s32 @!p1 $0x1082;
	[sflag:s4] =	ssyncset.s32 $0xFFFFF086  }
0x25: {  	[simem:s6], [sflag:s4] =	dma.local [hbm:s3], $0xF7A  }
0x26: {  	[smem:$0x3F9F] =	sst s1;
	(tag) =	ssettag s2;
	_ =	strace s9  }
0x27: {  	s1 =	sld [smem:$0x3FAF]  }
0x28: {  	s2 =	sld [smem:$0x3FB0]  }
0x29: {  	s4 =	sld [smem:$0x3FB2]  }
0x2a: {  	p0 =	seq.s32 s5, $0x0;
	s5 =	sld [smem:$0x3FB3]  }
0x2b: {  	s6 =	sld [smem:$0x3FB4]  }
0x2c: {  	s7 =	sld [smem:$0x3FB5]  }
0x2d: {  	s3 =	simm.s32 $0x108;
	s8 =	sld [smem:$0x3FB6]  }
0x2e: {  	s3 =	simm.s32 @!p0 $0x1082;
	s9 =	sld [smem:$0x3FB7]  }
0x2f: {  	lr =	sadd.s32 s0, s3;
	s0 =	sld [smem:$0x3FAE]  }
0x30: {  	s3 =	sld [smem:$0x3FB1]  }
0x31: {  	[smem:$0x3FBA] =	sst s10  }
0x32: {  	s10 =	sld [smem:$0x3FB8];
	_ =	sdelay $0x3  }
0x33: {  	p0 =	seq.s32 s10, $0x1;
	s10 =	sld [smem:$0x3FBA];
	_ =	sdelay $0x3  }
0x34: {  	[smem:$0x3FBA] =	sst s10  }
0x35: {  	s10 =	sld [smem:$0x3FB9];
	_ =	sdelay $0x3  }
0x36: {  	p1 =	seq.s32 s10, $0x1;
	s10 =	sld [smem:$0x3FBA];
	_ =	sdelay $0x3  }
0x37: {  	[smem:$0x3FBA] =	sst s10  }
0x38: {  	s10 =	sld [smem:$0x3FBB]  }
0x39: {  	_ = 	snop;
	(pc) =	sbr.ind lr, $3  }
0x3a: {  	_ = 	snop  }
0x3b: {  	_ = 	snop  }
0x3c: {  	p2 =	seq.s32 s10, $0x1;
	s10 =	sld [smem:$0x3FBA]  }
0x3d: {  	_ =	shalt  }
0x3e: {  	_ =	shalt  }
0x3f: {  	_ =	shalt  }
0x40: {  	_ =	shalt  }
0x41: {  	_ =	shalt  }
0x42: {  	_ =	shalt  }
0x43: {  	_ =	shalt  }
0x44: {  	_ =	shalt  }
0x45: {  	_ =	shalt  }
0x46: {  	_ =	shalt  }
0x47: {  	_ =	shalt  }
0x48: {  	_ =	shalt  }
0x49: {  	_ =	shalt  }
0x4a: {  	_ =	shalt  }
0x4b: {  	_ =	shalt  }
0x4c: {  	_ =	shalt  }
0x4d: {  	_ =	shalt  }
0x4e: {  	_ =	shalt  }
0x4f: {  	_ =	shalt  }
0x50: {  	_ =	shalt  }
0x51: {  	_ =	shalt  }
0x52: {  	_ =	shalt  }
0x53: {  	_ =	shalt  }
0x54: {  	_ =	shalt  }
0x55: {  	_ =	shalt  }
0x56: {  	_ =	shalt  }
0x57: {  	_ =	shalt  }
0x58: {  	_ =	shalt  }
0x59: {  	_ =	shalt  }
0x5a: {  	_ =	shalt  }
0x5b: {  	_ =	shalt  }
0x5c: {  	_ =	shalt  }
0x5d: {  	_ =	shalt  }
0x5e: {  	_ =	shalt  }
0x5f: {  	_ =	shalt  }
0x60: {  	_ =	shalt  }
0x61: {  	_ =	shalt  }
0x62: {  	_ =	shalt  }
0x63: {  	_ =	shalt  }
0x64: {  	_ =	shalt  }
0x65: {  	_ =	shalt  }
0x66: {  	_ =	shalt  }
0x67: {  	_ =	shalt  }
0x68: {  	_ =	shalt  }
0x69: {  	_ =	shalt  }
0x6a: {  	_ =	shalt  }
0x6b: {  	_ =	shalt  }
0x6c: {  	_ =	shalt  }
0x6d: {  	_ =	shalt  }
0x6e: {  	_ =	shalt  }
0x6f: {  	_ =	shalt  }
0x70: {  	_ =	shalt  }
0x71: {  	_ =	shalt  }
0x72: {  	_ =	shalt  }
0x73: {  	_ =	shalt  }
0x74: {  	_ =	shalt  }
0x75: {  	_ =	shalt  }
0x76: {  	_ =	shalt  }
0x77: {  	_ =	shalt  }
0x78: {  	_ =	shalt  }
0x79: {  	_ =	shalt  }
0x7a: {  	_ =	shalt  }
0x7b: {  	_ =	shalt  }
0x7c: {  	_ =	shalt  }
0x7d: {  	_ =	shalt  }
0x7e: {  	_ =	shalt  }
0x7f: {  	_ =	shalt  }
0x80: {  	_ =	shalt  }
0x81: {  	_ =	shalt  }
0x82: {  	_ =	shalt  }
0x83: {  	_ =	shalt  }
0x84: {  	_ =	shalt  }
0x85: {  	_ =	shalt  }
0x86: {  	_ =	shalt  }
0x87: {  	_ =	shalt  }
.Lfunc_end0:
.L_simem_size_0:
called_computation_lowered:
.L_overlay_start_0:
0x88: {  	s2 =	sld [smem:$0x3FD9]  }
0x89: {  	s3 =	sld [smem:$0x3FFE];
	_ =	sdelay $0x1  }
0x8a: {  	s1 =	srdreg.scid  }
0x8b: {  	s0 =	sand.u32 $0x1, s1  }
0x8c: {  	s17 =	sshll.u32 s0, $0xA;
	s2 =	sadd.s32 s3, s2  }
0x8d: {  	s2 =	sadd.s32 s2, s17  }
0x8e: {  	[smem:$0x3FC6] =	sst s2  }
0x8f: {  	_ = 	snop  }
0x90: {  	(tm) =	ssettm $0x1  }
0x91: {  	s18 =	sld [smem:$0x3FFB];
	_ =	sdelay $0x3  }
0x92: {  	_ =	strace s18  }
0x93: {  	s2 =	sld [smem:$0x3FFC];
	_ =	sdelay $0x3  }
0x94: {  	_ =	strace s2  }
0x95: {  	s2 =	sld [smem:$0x3FFD];
	_ =	sdelay $0x3  }
0x96: {  	_ =	strace s2  }
0x97: {  	_ =	strace $0x8FFFFFFF  }
0x98: {  	s19 =	sld [smem:$0x3FDB];
	_ =	sdelay $0x1  }
0x99: {  	s20 =	simm.s32 $_scs_section_size  }
0x9a: {  	s4 =	simm.s32 $_size__tile_overlayer_lowered;
	s5 =	simm.s32 $_tile_overlayer_lowered  }
0x9b: {  	s6 =	simm.s32 $0x1BFF;
	s21 =	sshll.u32 s5, $0x1;
	s3 =	sadd.s32 s20, s19  }
0x9c: {  	s22 =	simm.s32 $0x0;
	s4 =	sshll.u32 s4, $0x1;
	s5 =	sadd.s32 s21, s3  }
0x9d: {  	[timem:s22], [sflag:s6] =	dma.local [hbm:s5], s4  }
0x9e: {  	_ =	swait.ge [sflag:s6], s4  }
0x9f: {  	s4 =	ssub.s32 $0x0, s4;
	[sflag:s6] =	ssyncset.done $0x0  }
0xa0: {  	[sflag:s6] =	ssyncadd.s32 s4;
	_ =	sdelay $0x1  }
0xa1: {  	s23 =	simm.s32 $0x1B8B  }
0xa2: {  	_ =	swait.ge [sflag:s23], $0x1  }
0xa3: {  	[sflag:s23] =	ssyncset.done $0x0  }
0xa4: {  	[sflag:s23] =	ssyncadd.s32 $0xFFFFFFFF  }
0xa5: {  	s4 =	sld [smem:$0x0]  }
0xa6: {  	s5 =	sand.u32 $0xFFFFFFFE, s1  }
0xa7: {  	p0 =	sne.s32 s1, s5  }
0xa8: {  	s5 =	sshll.u32 @p0 s5, $0xE  }
0xa9: {  	s5 =	sadd.s32 @p0 $0x11B8D, s5;
	s6 =	sshll.u32 @p0 s4, $0x11  }
0xaa: {  	s5 =	sor.u32 @p0 s6, s5  }
0xab: {  	[sflag:s5] =	ssyncadd.remote.s32 @p0 $0x1;
	_ =	sdelay $0x1  }
0xac: {  	s5 =	simm.s32 @p0 $0x1B8D  }
0xad: {  	_ =	swait.eq @p0 [sflag:s5], $0x1  }
0xae: {  	[sflag:s5] =	ssyncadd.s32 @p0 $0xFFFFFFFF  }
0xaf: {  	s6 =	sshll.u32 @!p0 s1, $0xE  }
0xb0: {  	s6 =	sor.u32 @!p0 $0x4000, s6;
	s5 =	simm.s32 @!p0 $0x1B8D  }
0xb1: {  	s4 =	sshll.u32 @!p0 s4, $0x11;
	s6 =	sadd.s32 @!p0 $0x11B8D, s6;
	_ =	swait.eq @!p0 [sflag:s5], $0x1  }
0xb2: {  	s4 =	sor.u32 @!p0 s4, s6;
	[sflag:s5] =	ssyncadd.s32 @!p0 $0xFFFFFFFF  }
0xb3: {  	s25 =	simm.s32 $0x1B8E;
	s24 =	sld [smem:$0x3FFE];
	[sflag:s4] =	ssyncadd.remote.s32 @!p0 $0x1  }
0xb4: {  	s26 =	simm.s32 $execute0_lowered;
	[smem:$0x3FD2] =	sst s25  }
0xb5: {  	s5 =	sshll.u32 s26, $0x1;
	_ =	strace $0x80000049;
	[dreg:$0x1] =	wrdreg $0xFFFFFFFF  }
0xb6: {  	s28 =	simm.s32 $_size_execute0_lowered;
	s3 =	sadd.s32 s3, s5;
	[dreg:$0x0] =	wrdreg $0x0  }
0xb7: {  	s5 =	sshll.u32 s28, $0x1;
	[dreg:$0x2] =	wrdreg s3  }
0xb8: {  	[dreg:$0x3] =	wrdreg s5  }
0xb9: {  	[dreg:$0x4] =	wrdreg $0xC0  }
0xba: {  	_ =	task [dreg:s22], $0x5FFFF  }
0xbb: {  	[dreg:$0x1] =	wrdreg $0xFFFFFFFF  }
0xbc: {  	[dreg:$0x0] =	wrdreg $0x60  }
0xbd: {  	[dreg:$0x2] =	wrdreg s24  }
0xbe: {  	[dreg:$0x3] =	wrdreg $0x9  }
0xbf: {  	_ =	task.clear_ibuf [dreg:s22], $0x4FFFF;
	_ =	strace $0x90000049  }
0xc0: {  	s29 =	simm.s32 $0x9;
	_ =	strace $0x8000004B  }
0xc1: {  	_ =	swait.ge [sflag:s29], $0x1  }
0xc2: {  	[sflag:s29] =	ssyncadd.s32 $0xFFFFFFFF  }
0xc3: {  	_ =	strace $0x9000004B  }
0xc4: {  	_ =	sfence  }
0xc5: {  	s30 =	sld [smem:$0x0];
	_ =	sdelay $0x2  }
0xc6: {  	s31 =	sshll.u32 s1, $0xD;
	s1 =	sshrl.u32 s1, $0x2  }
0xc7: {  	s4 =	sand.u32 $0x4000, s31;
	s1 =	sadd.s32 s1, s30  }
0xc8: {  	s0 =	sor.u32 s4, s0;
	s1 =	sshll.u32 s1, $0x11  }
0xc9: {  	s0 =	sor.u32 s1, s0  }
0xca: {  	s0 =	sadd.s32 $0x8F2B, s0  }
0xcb: {  	[sflag:s0] =	ssyncadd.remote.s32 $0x1  }
0xcc: {  	_ =	sfence.sel $0xFFFF  }
0xcd: {  	[dreg:$0x0] =	wrdreg $0xFFFFFFFF;
	(pc) =	sbr.abs _section_cstart, $3  }
0xce: {  	[dreg:$0x1] =	wrdreg $0xFFFFFFFF  }
0xcf: {  	_ =	task.clear_ibuf [dreg:s22], $0x2FFFF;
	_ =	strace $0x9FFFFFFF  }
0xd0: {  	(tm) =	ssettm $0x7FFFFFFF  }
0xd1: {  	_ =	shalt  }
tec
execute0_lowered:
.L_overlay_start_1:
0x0: {  	(tag) =	ssettag $0x1  }
0x1: {  	s0 =	srdreg.scid  }
0x2: {  	s4 =	rddreg [dreg:$0x0];
	s2 =	simm.s32 $0x0;
	s3 =	sand.u32 $0x1, s0  }
0x3: {  	s8 =	simm.s32 $0x1;
	s0 =	stileid.u32;
	s1 =	sshll.u32 s3, $0x4  }
0x4: {  	s9 =	simm.s32 $0x80;
	s10 =	simm.s32 $0x400;
	s5 =	sor.u32 s0, s1  }
0x5: {  	s11 =	simm.s32 $0xC800;
	s12 =	simm.s32 $0x3;
	s6 =	sshrl.u32 s5, $0x3  }
0x6: {  	s13 =	simm.s32 $0xD080;
	s7 =	sshll.u32 s0, $0x7;
	s6 =	smul.u32 $0x4400, s6  }
0x7: {  	s14 =	simm.s32 $0x0;
	[smem:$0x7FF] =	sst s2;
	s7 =	sand.u32 $0x380, s7  }
0x8: {  	s3 =	ssub.s32 $0x2, s3;
	s1 =	rddreg [dreg:$0x1];
	s6 =	sor.u32 s7, s6  }
0x9: {  	_ =	strace $0x8000004A;
	s5 =	sshll.u32 s5, $0xB;
	s6 =	sshrl.u32 s6, $0x3  }
0xa: {  	v1 =	vlaneseq.u32;
	s31 =	sshrl.u32 s3, $0x1;
	s5 =	sadd.s32 s5, s4;
	s6 =	sadd.s32 s6, s4  }
0xb: {  	v1 =	vmul.u32 $0x880, v1;
	s7 =	ssub.s32 s3, s31;
	s3 =	sadd.s32 $0x16600, s5;
	s4 =	sadd.s32 $0x26600, s6  }
0xc: {  	v0 =	vimm.s32 $0x0;
	v2 =	vimm.s32 $0x2001;
	s5 =	sadd.s32 $0x28800, s6;
	s6 =	smax.u32 s7, $0x1;
	s7 =	simm.s32 $0x4000  }
.LBB2_1:
0xd: {  	s16 =	simm.s32 $0x0;
	s15 =	simm.s32 $0x200  }
.LBB2_2:
0xe: {  	p0 =	sne.s32 s15, $0x21E00;
	[tilespmem:s16+$0x4070] =	vst v0  }
0xf: {  	[tilespmem:s16+$0x4000] =	vst v0  }
0x10: {  	[tilespmem:s16+$0x4010] =	vst v0  }
.Ltmp0:
0x11: {  	[tilespmem:s16+$0x4020] =	vst v0;
	(pc) =	sbr.rel @p0 .LBB2_2-.Ltmp0, $4  }
0x12: {  	[tilespmem:s16+$0x4030] =	vst v0  }
0x13: {  	[tilespmem:s16+$0x4040] =	vst v0  }
0x14: {  	[tilespmem:s16+$0x4050] =	vst v0  }
0x15: {  	[tilespmem:s16+$0x4060] =	vst v0;
	s16 =	sshra.s32 s15, $0x2;
	s15 =	sadd.s32 $0x200, s15  }
0x16: {  	[tilespmem:s16+$0x4070] =	vst v0  }
0x17: {  	[tilespmem:s16+$0x4000] =	vst v0  }
0x18: {  	[tilespmem:s16+$0x4010] =	vst v0  }
0x19: {  	[tilespmem:s16+$0x4020] =	vst v0  }
0x1a: {  	[tilespmem:s16+$0x4030] =	vst v0  }
0x1b: {  	[tilespmem:s16+$0x4040] =	vst v0  }
0x1c: {  	[tilespmem:s16+$0x4050] =	vst v0  }
0x1d: {  	s15 =	simm.s32 $0x0;
	[tilespmem:s16+$0x4060] =	vst v0;
	s16 =	simm.s32 $0x0;
	s17 =	simm.s32 $0x0  }
.LBB2_4:
0x1e: {  	p0 =	seq.s32 s17, $0x3F0  }
.Ltmp1:
0x1f: {  	_ = 	snop;
	(pc) =	sbr.rel @!p0 .LBB2_4-.Ltmp1, $4  }
0x20: {  	_ = 	snop  }
0x21: {  	s18 =	sadd.s32 s17, s3  }
0x22: {  	[tilespmem:s16], [sflag:$0x1] =	stream.linear.gather [hbm4b:s18+s15], $0x80, $0x38;
	[tilespmem:$0xD900] =	vst v63  }
0x23: {  	s17 =	sadd.s32 $0x10, s17;
	s16 =	sadd.s32 $0x100, s16  }
0x24: {  	p1 =	por $0x1, $0x1  }
.LBB2_7:
0x25: {  	s16 =	sadd.s32 $0x1, s15  }
0x26: {  	s17 =	sand.u32 $0x1, s16  }
0x27: {  	p0 =	por p1, p1;
	s18 =	sshll.u32 s16, $0x7;
	s19 =	sshll.u32 s17, $0xA  }
0x28: {  	s20 =	simm.s32 $0x10;
	s18 =	sand.u32 $0x80, s18;
	s19 =	sadd.s32 s19, s3  }
0x29: {  	s17 =	sadd.s32 $0x1, s17;
	s21 =	sadd.s32 $0x100, s18;
	s22 =	sadd.s32 $0x0, s19  }
.LBB2_8:
0x2a: {  	[tilespmem:s18], [sflag:s17] =	stream.linear.gather [hbm4b:s22+s2], $0x80, $0x38;
	[tilespmem:$0xD900] =	vst v63  }
0x2b: {  	s22 =	smov.u32 s20;
	s18 =	smov.u32 s21;
	p1 =	sne.s32 s20, $0x3F0  }
.Ltmp2:
0x2c: {  	s20 =	sadd.s32 $0x10, s20;
	(pc) =	sbr.rel @p1 .LBB2_8-.Ltmp2, $2  }
0x2d: {  	_ =	sdelay $0x2  }
0x2e: {  	s21 =	sadd.s32 $0x100, s21;
	s22 =	sadd.s32 s22, s19  }
0x2f: {  	s15 =	sshll.u32 s15, $0x7  }
0x30: {  	s15 =	sand.u32 $0x3FFFFF80, s15  }
0x31: {  	s15 =	sor.u32 $0x40, s15  }
0x32: {  	v3 =	vmov s15  }
0x33: {  	[tilespmem:s18], [sflag:s17] =	stream.linear.gather [hbm4b:s22+s2], $0x80, $0x38;
	[tilespmem:$0xD900] =	vst v63  }
0x34: {  	_ =	swait.ge [sflag:s16], $0x2000  }
0x35: {  	[sflag:s16] =	ssyncset.done $0x0  }
0x36: {  	s31 =	simm.s32 $0x0;
	[sflag:s16] =	ssyncadd.s32 $0xFFFFE000  }
0x37: {  	v4 =	vld.idx.msk [tilespmem:v3+s31+$0xFFFFFFC0 ss:$0x1], $0xffff  }
0x38: {  	v5 =	vld.idx.msk [tilespmem:v3+s31+$0xFFFFFFD0 ss:$0x1], $0xffff  }
0x39: {  	v7 =	vld.idx.msk [tilespmem:v3+s31+$0xFFFFFFE0 ss:$0x1], $0xffff;
	_ =	sdelay $0x3  }
0x3a: {  	v6 =	vand.u32 $0x1, v4;
	v8 =	vshrl.u32 v4, $0x1;
	v9 =	vshra.s32 v4, $0x11  }
0x3b: {  	v10 =	vld.idx.msk [tilespmem:v3+s31+$0xFFFFFFF0 ss:$0x1], $0xffff;
	v11 =	vshrl.u32 v5, $0x1;
	v13 =	vand.u32 $0x1, v5;
	v15 =	vshrl.u32 v7, $0x1  }
0x3c: {  	vm0 =	veq.s32 v6, $0x0;
	v6 =	vand.u32 $0x10000, v4;
	v4 =	vand.u32 $0x7FFF, v8  }
0x3d: {  	v8 =	vand.u32 $0x10000, v5;
	v14 =	vadd.s32 v1, v9;
	v9 =	vand.u32 $0x7FFF, v11  }
0x3e: {  	v11 =	vand.u32 $0x10000, v7;
	v12 =	vadd.s32 v1, v4;
	v16 =	vadd.s32 v1, v9  }
0x3f: {  	vm1 =	veq.s32 v6, $0x0;
	v9 =	vshra.s32 v5, $0x11;
	v5 =	vand.u32 $0x7FFF, v15  }
0x40: {  	v15 =	vand.u32 $0x1, v10;
	v17 =	vsel vm0, $0x1, v2;
	vm0 =	veq.s32 v13, $0x0  }
0x41: {  	vm2 =	veq.s32 v11, $0x0;
	v11 =	vshra.s32 v7, $0x11;
	v7 =	vand.u32 $0x1, v7  }
0x42: {  	v21 =	vld.idx.msk [tilespmem:v3+s31+$0x0 ss:$0x1], $0xffff;
	v18 =	vadd.s32 v1, v5;
	v19 =	vsel vm1, $0x1, v2;
	v20 =	vsel vm0, $0x1, v2  }
0x43: {  	v4 =	vld.idx.msk [tilespmem:v3+s31+$0x30 ss:$0x1], $0xffff;
	vm0 =	veq.s32 v8, $0x0;
	vm1 =	veq.s32 v7, $0x0;
	v22 =	vadd.s32 v1, v9  }
0x44: {  	v6 =	vld.idx.msk [tilespmem:v3+s31+$0x10 ss:$0x1], $0xffff;
	v8 =	vshra.s32 v10, $0x11;
	v9 =	vshrl.u32 v10, $0x1;
	v25 =	vsel vm2, $0x1, v2  }
0x45: {  	v10 =	vand.u32 $0x10000, v10;
	v29 =	vadd.s32 v1, v11;
	v23 =	vsel vm1, $0x1, v2  }
0x46: {  	v5 =	vld.idx.msk [tilespmem:v3+s31+$0x20 ss:$0x1], $0xffff;
	v27 =	vsel vm0, $0x1, v2;
	v28 =	vand.u32 $0x7FFF, v9;
	v9 =	vadd.s32 v1, v8  }
0x47: {  	vm0 =	veq.s32 v15, $0x0;
	vm1 =	veq.s32 v10, $0x0;
	v10 =	vshra.s32 v21, $0x11  }
0x48: {  	v11 =	vadd.s32 v1, v10;
	v10 =	vand.u32 $0x10000, v21;
	v15 =	vsel vm1, $0x1, v2  }
0x49: {  	vm2 =	veq.s32 v10, $0x0;
	v7 =	vshrl.u32 v4, $0x1;
	v24 =	vand.u32 $0x1, v6  }
0x4a: {  	v13 =	vshrl.u32 v6, $0x1;
	[tilespmem:v12+s7+$0x0] =	vst.idx.add.s32.msk $0xffff, v17;
	v12 =	vand.u32 $0x1, v21;
	v30 =	vshra.s32 v6, $0x11  }
0x4b: {  	v17 =	vadd.s32 v1, v28;
	v26 =	vshrl.u32 v5, $0x1;
	v8 =	vand.u32 $0x7FFF, v13;
	[tilespmem:v14+s7+$0x0] =	vst.idx.add.s32.msk $0xffff, v19  }
0x4c: {  	v13 =	vsel vm0, $0x1, v2;
	vm0 =	veq.s32 v12, $0x0;
	v12 =	vshrl.u32 v21, $0x1;
	[tilespmem:v16+s7+$0x0] =	vst.idx.add.s32.msk $0xffff, v20  }
0x4d: {  	v10 =	vadd.s32 v1, v30;
	v14 =	vsel vm2, $0x1, v2;
	v12 =	vand.u32 $0x7FFF, v12;
	[tilespmem:v22+s7+$0x0] =	vst.idx.add.s32.msk $0xffff, v27  }
0x4e: {  	vm1 =	veq.s32 v24, $0x0;
	v19 =	vand.u32 $0x7FFF, v26;
	v16 =	vadd.s32 v1, v12;
	[tilespmem:v18+s7+$0x0] =	vst.idx.add.s32.msk $0xffff, v23  }
0x4f: {  	s15 =	simm.s32 $0x400;
	v8 =	vadd.s32 v1, v8;
	v12 =	vadd.s32 v1, v19;
	v18 =	vshra.s32 v5, $0x11;
	[tilespmem:v29+s7+$0x0] =	vst.idx.add.s32.msk $0xffff, v25  }
.LBB2_10:
0x50: {  	p1 =	seq.s32 s15, $0xFC00;
	v6 =	vand.u32 $0x10000, v6;
	v19 =	vand.u32 $0x1, v5;
	v18 =	vadd.s32 v1, v18;
	[tilespmem:v17+s7+$0x0] =	vst.idx.add.s32.msk $0xffff, v13;
	s16 =	smov.u32 s15;
	s15 =	sadd.s32 $0x400, s15  }
0x51: {  	vm2 =	veq.s32 v6, $0x0;
	vm3 =	veq.s32 v19, $0x0;
	v6 =	vsel vm1, $0x1, v2;
	[tilespmem:v9+s7+$0x0] =	vst.idx.add.s32.msk $0xffff, v15  }
0x52: {  	v7 =	vand.u32 $0x7FFF, v7;
	v9 =	vsel vm0, $0x1, v2;
	v13 =	vsel vm2, $0x1, v2  }
0x53: {  	v15 =	vshra.s32 v4, $0x11;
	v7 =	vadd.s32 v1, v7;
	v17 =	vsel vm3, $0x1, v2;
	[tilespmem:v16+s7+$0x0] =	vst.idx.add.s32.msk $0xffff, v9  }
0x54: {  	v5 =	vand.u32 $0x10000, v5;
	v15 =	vadd.s32 v1, v15;
	v9 =	vand.u32 $0x1, v4;
	[tilespmem:v11+s7+$0x0] =	vst.idx.add.s32.msk $0xffff, v14  }
0x55: {  	vm0 =	veq.s32 v5, $0x0;
	v4 =	vand.u32 $0x10000, v4;
	vm1 =	veq.s32 v9, $0x0;
	[tilespmem:v8+s7+$0x0] =	vst.idx.add.s32.msk $0xffff, v6  }
0x56: {  	vm2 =	veq.s32 v4, $0x0;
	v4 =	vsel vm0, $0x1, v2;
	[tilespmem:v10+s7+$0x0] =	vst.idx.add.s32.msk $0xffff, v13  }
0x57: {  	v5 =	vsel vm1, $0x1, v2;
	[tilespmem:v12+s7+$0x0] =	vst.idx.add.s32.msk $0xffff, v17  }
0x58: {  	v6 =	vsel vm2, $0x1, v2;
	[tilespmem:v18+s7+$0x0] =	vst.idx.add.s32.msk $0xffff, v4  }
0x59: {  	[tilespmem:v7+s7+$0x0] =	vst.idx.add.s32.msk $0xffff, v5  }
0x5a: {  	s16 =	sshra.s32 s16, $0x2;
	[tilespmem:v15+s7+$0x0] =	vst.idx.add.s32.msk $0xffff, v6  }
0x5b: {  	v4 =	vld.idx.msk [tilespmem:v3+s16+$0xFFFFFFC0 ss:$0x1], $0xffff;
	_ =	sdelay $0x1  }
0x5c: {  	v7 =	vld.idx.msk [tilespmem:v3+s16+$0xFFFFFFD0 ss:$0x1], $0xffff;
	_ =	sdelay $0x1  }
0x5d: {  	v8 =	vld.idx.msk [tilespmem:v3+s16+$0xFFFFFFE0 ss:$0x1], $0xffff;
	_ =	sdelay $0x1  }
0x5e: {  	v5 =	vand.u32 $0x1, v4;
	v6 =	vshrl.u32 v4, $0x1;
	v10 =	vshra.s32 v4, $0x11;
	v9 =	vld.idx.msk [tilespmem:v3+s16+$0xFFFFFFF0 ss:$0x1], $0xffff  }
0x5f: {  	v11 =	vand.u32 $0x10000, v4;
	vm0 =	veq.s32 v5, $0x0;
	v4 =	vand.u32 $0x7FFF, v6  }
0x60: {  	v12 =	vand.u32 $0x10000, v7;
	v5 =	vshrl.u32 v7, $0x1;
	v13 =	vadd.s32 v1, v4  }
0x61: {  	v10 =	vadd.s32 v1, v10;
	v14 =	vand.u32 $0x1, v7;
	v6 =	vand.u32 $0x7FFF, v5;
	v4 =	vld.idx.msk [tilespmem:v3+s16+$0x30 ss:$0x1], $0xffff  }
0x62: {  	v15 =	vand.u32 $0x10000, v8;
	v16 =	vshrl.u32 v8, $0x1;
	v17 =	vadd.s32 v1, v6;
	v5 =	vld.idx.msk [tilespmem:v3+s16+$0x20 ss:$0x1], $0xffff  }
0x63: {  	vm1 =	veq.s32 v11, $0x0;
	v11 =	vshra.s32 v7, $0x11;
	v7 =	vand.u32 $0x7FFF, v16;
	v6 =	vld.idx.msk [tilespmem:v3+s16+$0x10 ss:$0x1], $0xffff  }
0x64: {  	v19 =	vsel vm0, $0x1, v2;
	v18 =	vand.u32 $0x1, v9;
	v20 =	vadd.s32 v1, v7;
	v16 =	vld.idx.msk [tilespmem:v3+s16+$0x0 ss:$0x1], $0xffff  }
0x65: {  	vm0 =	veq.s32 v14, $0x0;
	v14 =	vshra.s32 v8, $0x11;
	vm2 =	veq.s32 v15, $0x0;
	[tilespmem:v13+s7+$0x0] =	vst.idx.add.s32.msk $0xffff, v19  }
0x66: {  	v7 =	vand.u32 $0x1, v8;
	v8 =	vsel vm1, $0x1, v2;
	v13 =	vsel vm0, $0x1, v2  }
0x67: {  	vm1 =	veq.s32 v7, $0x0;
	vm0 =	veq.s32 v12, $0x0;
	v7 =	vshrl.u32 v4, $0x1  }
0x68: {  	v11 =	vadd.s32 v1, v11;
	v12 =	vshra.s32 v9, $0x11;
	v15 =	vsel vm1, $0x1, v2;
	[tilespmem:v10+s7+$0x0] =	vst.idx.add.s32.msk $0xffff, v8  }
0x69: {  	v21 =	vsel vm2, $0x1, v2;
	v19 =	vand.u32 $0x1, v6;
	v8 =	vshrl.u32 v9, $0x1;
	[tilespmem:v17+s7+$0x0] =	vst.idx.add.s32.msk $0xffff, v13  }
0x6a: {  	v22 =	vshrl.u32 v5, $0x1;
	v10 =	vshrl.u32 v6, $0x1;
	v17 =	vsel vm0, $0x1, v2  }
0x6b: {  	v13 =	vand.u32 $0x10000, v9;
	v23 =	vand.u32 $0x7FFF, v8;
	v9 =	vadd.s32 v1, v12  }
0x6c: {  	vm0 =	veq.s32 v18, $0x0;
	v8 =	vand.u32 $0x7FFF, v10;
	vm1 =	veq.s32 v13, $0x0  }
0x6d: {  	v10 =	vshra.s32 v16, $0x11;
	v13 =	vsel vm0, $0x1, v2;
	v8 =	vadd.s32 v1, v8;
	[tilespmem:v11+s7+$0x0] =	vst.idx.add.s32.msk $0xffff, v17  }
0x6e: {  	v24 =	vadd.s32 v1, v14;
	v14 =	vshra.s32 v6, $0x11;
	v12 =	vand.u32 $0x1, v16;
	[tilespmem:v20+s7+$0x0] =	vst.idx.add.s32.msk $0xffff, v15  }
.Ltmp3:
0x6f: {  	v11 =	vadd.s32 v1, v10;
	v17 =	vadd.s32 v1, v23;
	v15 =	vsel vm1, $0x1, v2;
	(pc) =	sbr.rel @!p1 .LBB2_10-.Ltmp3, $4  }
0x70: {  	v18 =	vand.u32 $0x10000, v16;
	v16 =	vshrl.u32 v16, $0x1;
	v10 =	vadd.s32 v1, v14  }
0x71: {  	vm0 =	veq.s32 v12, $0x0;
	v12 =	vand.u32 $0x7FFF, v16;
	vm1 =	veq.s32 v18, $0x0  }
0x72: {  	v16 =	vadd.s32 v1, v12;
	v20 =	vand.u32 $0x7FFF, v22;
	v14 =	vsel vm1, $0x1, v2  }
0x73: {  	v18 =	vshra.s32 v5, $0x11;
	vm1 =	veq.s32 v19, $0x0;
	v12 =	vadd.s32 v1, v20;
	[tilespmem:v24+s7+$0x0] =	vst.idx.add.s32.msk $0xffff, v21  }
0x74: {  	_ =	sdelay $0x3  }
0x75: {  	v3 =	vand.u32 $0x10000, v6;
	[tilespmem:v17+s7+$0x0] =	vst.idx.add.s32.msk $0xffff, v13  }
0x76: {  	v52 =	vand.u32 $0x1, v5;
	v53 =	vadd.s32 v1, v18;
	v54 =	vsel vm0, $0x1, v2;
	[tilespmem:v9+s7+$0x0] =	vst.idx.add.s32.msk $0xffff, v15  }
0x77: {  	v55 =	vsel vm1, $0x1, v2;
	vm12 =	veq.s32 v3, $0x0;
	v3 =	vand.u32 $0x7FFF, v7;
	[tilespmem:v16+s7+$0x0] =	vst.idx.add.s32.msk $0xffff, v54  }
0x78: {  	v56 =	vshra.s32 v4, $0x11;
	v58 =	vand.u32 $0x10000, v5;
	v3 =	vadd.s32 v1, v3;
	[tilespmem:v11+s7+$0x0] =	vst.idx.add.s32.msk $0xffff, v14  }
0x79: {  	vm2 =	veq.s32 v52, $0x0;
	v7 =	vadd.s32 v1, v56;
	v57 =	vsel vm12, $0x1, v2;
	[tilespmem:v8+s7+$0x0] =	vst.idx.add.s32.msk $0xffff, v55  }
0x7a: {  	v60 =	vand.u32 $0x1, v4;
	vm13 =	veq.s32 v58, $0x0;
	v59 =	vsel vm2, $0x1, v2;
	[tilespmem:v10+s7+$0x0] =	vst.idx.add.s32.msk $0xffff, v57  }
0x7b: {  	v61 =	vand.u32 $0x10000, v4;
	vm14 =	veq.s32 v60, $0x0;
	v5 =	vsel vm13, $0x1, v2;
	[tilespmem:v12+s7+$0x0] =	vst.idx.add.s32.msk $0xffff, v59  }
0x7c: {  	vm15 =	veq.s32 v61, $0x0;
	v62 =	vsel vm14, $0x1, v2;
	[tilespmem:v53+s7+$0x0] =	vst.idx.add.s32.msk $0xffff, v5  }
0x7d: {  	v63 =	vsel vm15, $0x1, v2;
	[tilespmem:v3+s7+$0x0] =	vst.idx.add.s32.msk $0xffff, v62  }
0x7e: {  	[tilespmem:v7+s7+$0x0] =	vst.idx.add.s32.msk $0xffff, v63  }
.Ltmp4:
0x7f: {  	(pc) =	sbr.rel @p0 .LBB2_7-.Ltmp4, $2  }
0x80: {  	_ =	sdelay $0x2  }
0x81: {  	s15 =	simm.s32 $0x1;
	p1 =	por $0x0, $0x0  }
0x82: {  	_ =	swait.ge [sflag:s8], $0x2000  }
0x83: {  	[sflag:s8] =	ssyncset.done $0x0  }
0x84: {  	s15 =	simm.s32 $0x0;
	[sflag:s8] =	ssyncadd.s32 $0xFFFFE000  }
0x85: {  	v4 =	vld [tilespmem:s15+$0x7310]  }
0x86: {  	v9 =	vld [tilespmem:s15+$0x7B90]  }
0x87: {  	v5 =	vld [tilespmem:s15+$0x6210]  }
0x88: {  	v6 =	vld [tilespmem:s15+$0x5990]  }
0x89: {  	v7 =	vld [tilespmem:s15+$0x4890]  }
0x8a: {  	v8 =	vld [tilespmem:s15+$0x4000]  }
0x8b: {  	v11 =	vld [tilespmem:s15+$0x8C90]  }
0x8c: {  	v13 =	vld [tilespmem:s15+$0x9510]  }
0x8d: {  	v10 =	vld [tilespmem:s15+$0x5110]  }
0x8e: {  	v14 =	vld [tilespmem:s15+$0x4010]  }
0x8f: {  	v12 =	vld [tilespmem:s15+$0x9D90]  }
0x90: {  	v15 =	vld [tilespmem:s15+$0xBF90]  }
0x91: {  	v3 =	vld [tilespmem:s15+$0xA610]  }
0x92: {  	v21 =	vld [tilespmem:s15+$0xAE90];
	v16 =	vshra.s32 v9, $0xD;
	v18 =	vand.u32 $0x1FFF, v4  }
0x93: {  	v24 =	vld [tilespmem:s15+$0xB710];
	v17 =	vshra.s32 v4, $0xD;
	v19 =	vand.u32 $0x1FFF, v6;
	v20 =	vshra.s32 v5, $0xD  }
0x94: {  	v28 =	vld [tilespmem:s15+$0x8410];
	v22 =	vshra.s32 v8, $0xD;
	v23 =	vshra.s32 v6, $0xD;
	v6 =	vand.u32 $0x1FFF, v7  }
0x95: {  	v33 =	vld [tilespmem:s15+$0x6A90];
	v26 =	vand.u32 $0x1FFF, v5;
	v25 =	vand.u32 $0x1FFF, v10;
	v27 =	vand.u32 $0x1FFF, v14  }
0x96: {  	v4 =	vand.u32 $0x1FFF, v13;
	v29 =	vand.u32 $0x1FFF, v8;
	v5 =	vand.u32 $0x1FFF, v12  }
0x97: {  	s16 =	simm.s32 $0x0;
	v30 =	vshra.s32 v10, $0xD;
	v31 =	vshra.s32 v12, $0xD;
	v32 =	vshra.s32 v7, $0xD  }
0x98: {  	s16 =	sand.u32 $0xFE0, s16;
	v34 =	vshra.s32 v3, $0xD;
	v8 =	vand.u32 $0x1FFF, v21;
	v10 =	vand.u32 $0x1FFF, v11  }
0x99: {  	v35 =	vld [tilespmem:s16+$0x6200];
	v7 =	vand.u32 $0x1FFF, v24;
	v36 =	vshra.s32 v15, $0xD;
	v12 =	vand.u32 $0x1FFF, v28  }
0x9a: {  	v37 =	vld [tilespmem:s16+$0x8C80];
	v14 =	vshra.s32 v14, $0xD;
	v39 =	vand.u32 $0x1FFF, v33;
	v40 =	vand.u32 $0x1FFF, v9  }
0x9b: {  	v41 =	vld [tilespmem:s16+$0x5980];
	v61 =	vshra.s32 v21, $0xD;
	v21 =	vshra.s32 v33, $0xD;
	v13 =	vshra.s32 v13, $0xD  }
0x9c: {  	v27 =	vadd.s32 v27, v6;
	v6 =	vand.u32 $0x1FFF, v15;
	v9 =	vadd.s32 v14, v32;
	v14 =	vld [tilespmem:s16+$0x6A80]  }
0x9d: {  	v15 =	vadd.s32 v25, v27;
	v25 =	vld [tilespmem:s16+$0x5100];
	v27 =	vshra.s32 v24, $0xD;
	v24 =	vshra.s32 v28, $0xD  }
0x9e: {  	v28 =	vshra.s32 v11, $0xD;
	v11 =	vadd.s32 v30, v9;
	v38 =	vadd.s32 v19, v15;
	v15 =	vld [tilespmem:s16+$0x4880]  }
0x9f: {  	v62 =	vand.u32 $0x1FFF, v35;
	v35 =	vshra.s32 v35, $0xD;
	v11 =	vadd.s32 v23, v11  }
0xa0: {  	v9 =	vshra.s32 v37, $0xD;
	v20 =	vadd.s32 v20, v11;
	v26 =	vadd.s32 v26, v38  }
0xa1: {  	v11 =	vld [tilespmem:s16+$0x7B80];
	v20 =	vadd.s32 v21, v20;
	v26 =	vadd.s32 v39, v26;
	v42 =	vshra.s32 v14, $0xD  }
0xa2: {  	v19 =	vld [tilespmem:s16+$0x8400];
	v17 =	vadd.s32 v17, v20;
	v20 =	vshra.s32 v41, $0xD;
	v23 =	vand.u32 $0x1FFF, v25  }
0xa3: {  	v63 =	vshra.s32 v25, $0xD;
	v25 =	vand.u32 $0x1FFF, v15;
	v15 =	vshra.s32 v15, $0xD  }
0xa4: {  	v44 =	vand.u32 $0x1FFF, v14;
	v43 =	vadd.s32 v22, v15;
	v15 =	vadd.s32 v16, v17  }
0xa5: {  	v21 =	vld [tilespmem:s16+$0x9D80];
	v14 =	vadd.s32 v29, v25;
	v17 =	vand.u32 $0x1FFF, v41;
	v16 =	vadd.s32 v24, v15  }
0xa6: {  	v25 =	vand.u32 $0x1FFF, v11;
	v29 =	vadd.s32 v18, v26;
	v16 =	vadd.s32 v28, v16  }
0xa7: {  	v15 =	vshra.s32 v19, $0xD;
	v14 =	vadd.s32 v23, v14;
	v13 =	vadd.s32 v13, v16  }
0xa8: {  	v22 =	vld [tilespmem:s16+$0x7300];
	v24 =	vand.u32 $0x1FFF, v37;
	v23 =	vadd.s32 v63, v43;
	v13 =	vadd.s32 v31, v13  }
0xa9: {  	v23 =	vadd.s32 v20, v23;
	v20 =	vld [tilespmem:s16+$0xBF80];
	v16 =	vadd.s32 v17, v14;
	v13 =	vadd.s32 v34, v13  }
0xaa: {  	v14 =	vshra.s32 v21, $0xD;
	v17 =	vld [tilespmem:s16+$0xAE80];
	v28 =	vadd.s32 v62, v16;
	v13 =	vadd.s32 v61, v13  }
0xab: {  	v16 =	vld [tilespmem:s16+$0xB700];
	v18 =	vadd.s32 v44, v28;
	v13 =	vadd.s32 v27, v13;
	v27 =	vadd.s32 v35, v23  }
0xac: {  	s20 =	simm.s32 $0x80;
	s17 =	simm.s32 $0x20;
	v23 =	vld [tilespmem:s16+$0x9500];
	v13 =	vadd.s32 v36, v13;
	v26 =	vadd.s32 v42, v27;
	v27 =	vadd.s32 v40, v29  }
.LBB2_13:
0xad: {  	s18 =	smov.u32 s20  }
0xae: {  	s19 =	sshra.s32 s20, $0x2;
	v28 =	vand.u32 $0x1FFF, v22;
	v29 =	vld [tilespmem:s16+$0xA600];
	s16 =	sand.u32 $0xFE0, s17;
	v3 =	vand.u32 $0x1FFF, v3;
	v12 =	vadd.s32 v12, v27;
	s18 =	sadd.s32 $0x80, s20  }
0xaf: {  	p0 =	sne.s32 s20, $0x2180;
	v22 =	vshra.s32 v22, $0xD;
	v18 =	vadd.s32 v28, v18;
	v10 =	vadd.s32 v10, v12;
	v27 =	vld [tilespmem:s19+$0x7310]  }
0xb0: {  	v12 =	vand.u32 $0x1FFF, v19;
	v18 =	vadd.s32 v25, v18;
	v4 =	vadd.s32 v4, v10;
	v28 =	vld [tilespmem:s19+$0x7B90]  }
0xb1: {  	v19 =	vand.u32 $0x1FFF, v20;
	v12 =	vadd.s32 v12, v18;
	v4 =	vadd.s32 v5, v4;
	v10 =	vld [tilespmem:s19+$0x6210]  }
0xb2: {  	v18 =	vand.u32 $0x1FFF, v23;
	v12 =	vadd.s32 v24, v12;
	v3 =	vadd.s32 v3, v4;
	v5 =	vld [tilespmem:s19+$0x5990]  }
0xb3: {  	v4 =	vand.u32 $0x1FFF, v21;
	v12 =	vadd.s32 v18, v12;
	v3 =	vadd.s32 v8, v3;
	v24 =	vld [tilespmem:s19+$0x4890]  }
0xb4: {  	v18 =	vand.u32 $0x1FFF, v29;
	v4 =	vadd.s32 v4, v12;
	v3 =	vadd.s32 v7, v3;
	v8 =	vld [tilespmem:s19+$0x4000]  }
0xb5: {  	v7 =	vand.u32 $0x1FFF, v17;
	v4 =	vadd.s32 v18, v4;
	v3 =	vadd.s32 v6, v3  }
0xb6: {  	v6 =	vand.u32 $0x1FFF, v16;
	v25 =	vshra.s32 v28, $0xD;
	v4 =	vadd.s32 v7, v4;
	[tilespmem:s15+$0xC810] =	vst v3  }
0xb7: {  	v18 =	vand.u32 $0x1FFF, v27;
	v21 =	vshra.s32 v27, $0xD;
	v3 =	vadd.s32 v6, v4;
	v27 =	vld [tilespmem:s19+$0x8C90]  }
0xb8: {  	v4 =	vshra.s32 v11, $0xD;
	v6 =	vadd.s32 v22, v26;
	v3 =	vadd.s32 v19, v3;
	v30 =	vld [tilespmem:s19+$0x9510]  }
0xb9: {  	v26 =	vshra.s32 v10, $0xD;
	v11 =	vand.u32 $0x1FFF, v5;
	v7 =	vld [tilespmem:s19+$0x5110];
	[tilespmem:s15+$0xC800] =	vst v3;
	v3 =	vadd.s32 v4, v6  }
0xba: {  	v4 =	vshra.s32 v23, $0xD;
	v6 =	vshra.s32 v20, $0xD;
	v19 =	vld [tilespmem:s19+$0x4010];
	v3 =	vadd.s32 v15, v3  }
0xbb: {  	v20 =	vshra.s32 v5, $0xD;
	v15 =	vshra.s32 v8, $0xD;
	v12 =	vld [tilespmem:s19+$0x9D90];
	v3 =	vadd.s32 v9, v3  }
0xbc: {  	v16 =	vshra.s32 v16, $0xD;
	v5 =	vshra.s32 v29, $0xD;
	v9 =	vld [tilespmem:s19+$0xBF90];
	v4 =	vadd.s32 v4, v3  }
0xbd: {  	v22 =	vand.u32 $0x1FFF, v24;
	v23 =	vand.u32 $0x1FFF, v10;
	v3 =	vld [tilespmem:s19+$0xA610];
	v4 =	vadd.s32 v14, v4  }
0xbe: {  	v10 =	vshra.s32 v17, $0xD;
	v14 =	vand.u32 $0x1FFF, v7;
	v29 =	vld [tilespmem:s19+$0xAE90];
	v5 =	vadd.s32 v5, v4  }
0xbf: {  	v4 =	vand.u32 $0x1FFF, v30;
	v17 =	vand.u32 $0x1FFF, v19;
	v31 =	vld [tilespmem:s19+$0xB710];
	v10 =	vadd.s32 v10, v5  }
0xc0: {  	v32 =	vand.u32 $0x1FFF, v8;
	v33 =	vld [tilespmem:s19+$0x8410];
	v5 =	vand.u32 $0x1FFF, v12;
	v8 =	vadd.s32 v16, v10  }
0xc1: {  	v16 =	vshra.s32 v7, $0xD;
	v34 =	vshra.s32 v12, $0xD;
	v6 =	vadd.s32 v6, v8;
	[tilespmem:s15+$0xD090] =	vst v13  }
0xc2: {  	v13 =	vshra.s32 v24, $0xD;
	v24 =	vld [tilespmem:s19+$0x6A90];
	v35 =	vshra.s32 v3, $0xD;
	[tilespmem:s15+$0xD080] =	vst v6;
	s15 =	smov.u32 s19  }
0xc3: {  	v17 =	vadd.s32 v17, v22;
	v36 =	vld [tilespmem:s16+$0x5100];
	v8 =	vand.u32 $0x1FFF, v29  }
0xc4: {  	v10 =	vand.u32 $0x1FFF, v27;
	v38 =	vshra.s32 v9, $0xD;
	v37 =	vld [tilespmem:s16+$0x6200];
	v7 =	vand.u32 $0x1FFF, v31  }
0xc5: {  	v6 =	vand.u32 $0x1FFF, v9;
	v9 =	vadd.s32 v14, v17;
	v39 =	vld [tilespmem:s16+$0x8C80];
	v12 =	vand.u32 $0x1FFF, v33  }
0xc6: {  	v14 =	vshra.s32 v19, $0xD;
	v17 =	vadd.s32 v11, v9;
	v31 =	vshra.s32 v31, $0xD;
	v22 =	vld [tilespmem:s16+$0x7300]  }
0xc7: {  	v28 =	vand.u32 $0x1FFF, v28;
	v9 =	vadd.s32 v14, v13;
	v40 =	vld [tilespmem:s16+$0x4880];
	v41 =	vand.u32 $0x1FFF, v24  }
0xc8: {  	v27 =	vshra.s32 v27, $0xD;
	v29 =	vshra.s32 v29, $0xD;
	v14 =	vshra.s32 v33, $0xD;
	v13 =	vld [tilespmem:s16+$0x6A80]  }
0xc9: {  	v30 =	vshra.s32 v30, $0xD;
	v11 =	vadd.s32 v16, v9;
	v24 =	vshra.s32 v24, $0xD;
	v33 =	vld [tilespmem:s16+$0x5980]  }
0xca: {  	v11 =	vadd.s32 v20, v11;
	v16 =	vand.u32 $0x1FFF, v37;
	v19 =	vld [tilespmem:s16+$0x8400];
	v9 =	vshra.s32 v39, $0xD  }
0xcb: {  	v26 =	vadd.s32 v26, v11;
	v20 =	vand.u32 $0x1FFF, v36;
	v36 =	vshra.s32 v36, $0xD  }
0xcc: {  	v24 =	vadd.s32 v24, v26;
	v37 =	vshra.s32 v37, $0xD;
	v42 =	vand.u32 $0x1FFF, v40;
	v11 =	vld [tilespmem:s16+$0x7B80]  }
0xcd: {  	v24 =	vadd.s32 v21, v24;
	v26 =	vshra.s32 v40, $0xD;
	v40 =	vshra.s32 v13, $0xD  }
0xce: {  	v26 =	vadd.s32 v15, v26;
	v15 =	vadd.s32 v25, v24;
	v43 =	vshra.s32 v33, $0xD;
	v21 =	vld [tilespmem:s16+$0x9D80]  }
0xcf: {  	v44 =	vand.u32 $0x1FFF, v13;
	v13 =	vadd.s32 v32, v42;
	v14 =	vadd.s32 v14, v15  }
0xd0: {  	v13 =	vadd.s32 v20, v13;
	v15 =	vshra.s32 v19, $0xD;
	v14 =	vadd.s32 v27, v14  }
0xd1: {  	v20 =	vand.u32 $0x1FFF, v33;
	v14 =	vadd.s32 v30, v14;
	v25 =	vand.u32 $0x1FFF, v11  }
0xd2: {  	v24 =	vand.u32 $0x1FFF, v39;
	v13 =	vadd.s32 v20, v13;
	v20 =	vadd.s32 v34, v14  }
.Ltmp5:
0xd3: {  	v27 =	vadd.s32 v16, v13;
	v13 =	vadd.s32 v35, v20;
	v14 =	vshra.s32 v21, $0xD;
	(pc) =	sbr.rel @p0 .LBB2_13-.Ltmp5, $4  }
0xd4: {  	v23 =	vadd.s32 v23, v17;
	v20 =	vadd.s32 v36, v26;
	v13 =	vadd.s32 v29, v13;
	v16 =	vld [tilespmem:s16+$0xB700]  }
0xd5: {  	v23 =	vadd.s32 v41, v23;
	v26 =	vadd.s32 v43, v20;
	v13 =	vadd.s32 v31, v13;
	v17 =	vld [tilespmem:s16+$0xAE80]  }
0xd6: {  	v29 =	vadd.s32 v18, v23;
	v26 =	vadd.s32 v37, v26;
	v13 =	vadd.s32 v38, v13;
	v20 =	vld [tilespmem:s16+$0xBF80]  }
0xd7: {  	s17 =	sadd.s32 $0x20, s17;
	s20 =	smov.u32 s18;
	v18 =	vadd.s32 v44, v27;
	v27 =	vadd.s32 v28, v29;
	v26 =	vadd.s32 v40, v26;
	v23 =	vld [tilespmem:s16+$0x9500]  }
0xd8: {  	v28 =	vand.u32 $0x1FFF, v22;
	v3 =	vand.u32 $0x1FFF, v3  }
0xd9: {  	v12 =	vadd.s32 v12, v27;
	v48 =	vshra.s32 v22, $0xD;
	v50 =	vand.u32 $0x1FFF, v19  }
0xda: {  	v53 =	vand.u32 $0x1FFF, v21;
	v54 =	vshra.s32 v11, $0xD;
	v18 =	vadd.s32 v28, v18  }
0xdb: {  	v10 =	vadd.s32 v10, v12;
	v55 =	vadd.s32 v48, v26;
	v60 =	vand.u32 $0x1FFF, v16  }
0xdc: {  	v49 =	vld [tilespmem:s16+$0xA600];
	v18 =	vadd.s32 v25, v18;
	v4 =	vadd.s32 v4, v10;
	v57 =	vadd.s32 v54, v55  }
0xdd: {  	v58 =	vand.u32 $0x1FFF, v17;
	v62 =	vshra.s32 v17, $0xD;
	v12 =	vadd.s32 v50, v18  }
0xde: {  	v4 =	vadd.s32 v5, v4;
	v52 =	vand.u32 $0x1FFF, v23;
	v12 =	vadd.s32 v24, v12  }
0xdf: {  	v51 =	vand.u32 $0x1FFF, v20;
	v3 =	vadd.s32 v3, v4;
	v5 =	vadd.s32 v52, v12  }
0xe0: {  	v59 =	vshra.s32 v23, $0xD;
	v4 =	vadd.s32 v53, v5;
	v5 =	vadd.s32 v15, v57  }
0xe1: {  	v3 =	vadd.s32 v8, v3;
	v56 =	vand.u32 $0x1FFF, v49;
	v5 =	vadd.s32 v9, v5  }
0xe2: {  	v61 =	vshra.s32 v49, $0xD;
	v4 =	vadd.s32 v56, v4;
	v5 =	vadd.s32 v59, v5  }
0xe3: {  	v3 =	vadd.s32 v7, v3;
	v4 =	vadd.s32 v58, v4;
	v5 =	vadd.s32 v14, v5  }
0xe4: {  	v3 =	vadd.s32 v6, v3;
	v4 =	vadd.s32 v60, v4;
	v5 =	vadd.s32 v61, v5  }
0xe5: {  	v63 =	vshra.s32 v16, $0xD;
	[tilespmem:s15+$0xC810] =	vst v3;
	v3 =	vadd.s32 v51, v4;
	v5 =	vadd.s32 v62, v5  }
0xe6: {  	[tilespmem:s15+$0xC800] =	vst v3;
	v3 =	vshra.s32 v20, $0xD;
	v4 =	vadd.s32 v63, v5  }
0xe7: {  	[tilespmem:s15+$0xD090] =	vst v13;
	v3 =	vadd.s32 v3, v4  }
0xe8: {  	[tilespmem:s15+$0xD080] =	vst v3  }
0xe9: {  	[hbm4b:s4+s9] =	stream.strided.scatter [tilespmem:s11], [sflag:$0x3], $0x880, s10, s9, $0x38;
	[tilespmem:$0xD900] =	vst v63  }
0xea: {  	s14 =	sadd.s32 $0x1, s14;
	_ =	swait.ge [sflag:s12], $0x880  }
0xeb: {  	p0 =	sne.s32 s14, s6;
	[sflag:s12] =	ssyncset.done $0x0  }
.Ltmp6:
0xec: {  	[sflag:s12] =	ssyncadd.s32 $0xFFFFF780;
	(pc) =	sbr.rel @p0 .LBB2_1-.Ltmp6, $4  }
0xed: {  	[hbm4b:s5+s9] =	stream.strided.scatter [tilespmem:s13], [sflag:$0x3], $0x880, s10, s9, $0x38;
	[tilespmem:$0xD900] =	vst v63  }
0xee: {  	_ =	swait.ge [sflag:s12], $0x880  }
0xef: {  	[sflag:s12] =	ssyncset.done $0x0  }
0xf0: {  	[sflag:s12] =	ssyncadd.s32 $0xFFFFF780  }
0xf1: {  	_ =	sfence.sel $0x180000  }
0xf2: {  	[bflag:$0x0] =	sbarrier.arrive $0xFFFF  }
0xf3: {  	p0 =	sne.s32 s0, $0x0;
	_ =	strace $0x9000004A  }
0xf4: {  	s0 =	sadd.s32 @!p0 $0x100000, s1;
	[bflag:$0x2] =	sbarrier.arrive $0xFFFF  }
0xf5: {  	[sflag:s0] =	ssyncadd.tile.s32 @!p0 $0x1;
	_ =	shalt  }
.Lfunc_end2:
_tile_overlayer_lowered:
.L_overlay_start_2:
0xf6: {  	(tag) =	ssettag $0x2  }
0xf7: {  	s0 =	rddreg [dreg:$0x0];
	s2 =	stileid.u32  }
0xf8: {  	s1 =	rddreg [dreg:$0x1];
	p0 =	sne.s32 s2, $0x0  }
0xf9: {  	s3 =	rddreg [dreg:$0x2];
	[bflag:$0x3] =	sbarrier.arrive $0xFFFF;
	s2 =	simm.s32 @!p0 $0x1C03  }
0xfa: {  	[timem:s3], [sflag:s2] =	dma.local @!p0 [hbm:s0], s1  }
0xfb: {  	s0 =	simm.s32 @!p0 $0x3  }
0xfc: {  	_ =	swait.ge @!p0 [sflag:s0], s1  }
0xfd: {  	s1 =	ssub.s32 @!p0 $0x0, s1;
	[sflag:s0] =	ssyncset.done @!p0 $0x0  }
0xfe: {  	[sflag:s0] =	ssyncadd.s32 @!p0 s1  }
0xff: {  	[bflag:$0x3] =	sbarrier.arrive $0xFFFF  }
0x100: {  	_ =	shalt  }

</sc_bundles>
